<compile_context>
chip_gen: v7x
topology: tpu7x:2x2x1
jax: 0.10.2.dev20260603
libtpu: 0.0.44.dev20260713+nightly
codegen_flags: <defaults>
</compile_context>

<pallas_src>
import functools

import jax
import jax.numpy as jnp
from jax import lax
from jax.experimental import pallas as pl
from jax.experimental.pallas import tpu as pltpu
from jax.experimental.pallas import tpu_sc as plsc


_BS = 2048


def _add_kernel(x_ref, emb_ref, out_ref):
    out_ref[...] = x_ref[...] + emb_ref[...]


def _kernel_tc(x, emb_table, nbatch=None):
    batch, seq, d = x.shape
    if nbatch is None:
        nbatch = batch
    pos = emb_table[:seq]
    bs = _BS if seq % _BS == 0 else seq
    grid = (seq // bs, nbatch)
    return pl.pallas_call(
        _add_kernel,
        grid=grid,
        in_specs=[
            pl.BlockSpec((1, bs, d), lambda i, j: (j, i, 0)),
            pl.BlockSpec((bs, d), lambda i, j: (i, 0)),
        ],
        out_specs=pl.BlockSpec((1, bs, d), lambda i, j: (j, i, 0)),
        out_shape=jax.ShapeDtypeStruct((nbatch, seq, d), x.dtype),
    )(x, pos)


_CROWS = 8
_UNROLL = 4
_NG = 3


def _make_sc(batch, seq, d, batch_off=0):
    info = plsc.get_sparse_core_info()
    nw = info.num_cores * info.num_subcores
    lpw = seq // nw
    n_chunks = lpw // _CROWS
    cw = _CROWS * d
    mesh = plsc.VectorSubcoreMesh(core_axis_name="c", subcore_axis_name="s")

    scratch = (
        [pltpu.VMEM((cw,), jnp.float32) for _ in range(_NG)]
        + [pltpu.VMEM((cw,), jnp.float32) for _ in range(_NG * batch)]
        + [pltpu.SemaphoreType.DMA for _ in range(_NG * (1 + 2 * batch))]
    )

    @functools.partial(
        pl.kernel,
        mesh=mesh,
        out_type=jax.ShapeDtypeStruct((batch * seq * d,), jnp.float32),
        scratch_types=scratch,
    )
    def k(x_hbm, emb_hbm, out_hbm, *scr):
        ebuf = scr[:_NG]
        xbuf = scr[_NG:_NG + _NG * batch]
        sems = scr[_NG + _NG * batch:]
        esem = sems[:_NG]
        xlsem = sems[_NG:_NG + _NG * batch]
        xssem = sems[_NG + _NG * batch:]
        wid = lax.axis_index("s") * info.num_cores + lax.axis_index("c")
        descs = {}

        def fire_loads(t):
            g = t % _NG
            lstart = (wid * lpw + t * _CROWS) * d
            descs[("e", t)] = pltpu.async_copy(
                emb_hbm.at[pl.ds(lstart, cw)], ebuf[g], esem[g])
            for b in range(batch):
                src = x_hbm.at[pl.ds((batch_off + b) * seq * d + lstart, cw)]
                descs[("x", t, b)] = pltpu.async_copy(
                    src, xbuf[g * batch + b], xlsem[g * batch + b])

        fire_loads(0)
        if n_chunks > 1:
            fire_loads(1)
        for t in range(n_chunks):
            g = t % _NG
            descs[("e", t)].wait()
            for b in range(batch):
                descs[("x", t, b)].wait()
            eb = ebuf[g]
            xbs = [xbuf[g * batch + b] for b in range(batch)]

            def body(i, _, eb=eb, xbs=xbs):
                for u in range(_UNROLL):
                    off = (i * _UNROLL + u) * 16
                    e = eb[pl.ds(off, 16)]
                    for xb in xbs:
                        plsc.addupdate(xb.at[pl.ds(off, 16)], e)
                return 0

            lstart = (wid * lpw + t * _CROWS) * d
            for b in range(batch):
                dst = out_hbm.at[pl.ds(b * seq * d + lstart, cw)]
                descs[("s", t, b)] = pltpu.async_copy(
                    xbuf[g * batch + b], dst, xssem[g * batch + b])
            if t + 2 < n_chunks:
                if t >= 1:
                    for b in range(batch):
                        descs[("s", t - 1, b)].wait()
                fire_loads(t + 2)
        for t in range(max(0, n_chunks - 3), n_chunks):
            for b in range(batch):
                if ("s", t, b) in descs:
                    descs[("s", t, b)].wait()

    return k


def _kernel_sc(x, emb_table):
    batch, seq, d = x.shape
    pos = emb_table[:seq]
    out = _make_sc(batch, seq, d)(x.reshape(-1), pos.reshape(-1))
    return out.reshape(batch, seq, d)


def _kernel_hybrid(x, emb_table, sc_batches=1):
    batch, seq, d = x.shape
    pos = emb_table[:seq]
    tc_b = batch - sc_batches
    tc_out = _kernel_tc(x, emb_table, nbatch=tc_b)
    sc_out = _make_sc(sc_batches, seq, d, batch_off=tc_b)(
        x.reshape(-1), pos.reshape(-1))
    return jnp.concatenate([tc_out, sc_out.reshape(sc_batches, seq, d)], axis=0)


def kernel(x, emb_table):
    return _kernel_sc(x, emb_table)

# --- scband reference (transcript-rebuilt; emitter-appended) ---
"""Pipeline reference for scband-learned-position-encoding-14010183320098 (READ-ONLY COPY).

The authoritative reference and input builder live on the scoring server;
editing this copy changes nothing except your own understanding.
"""

import jax, jax.numpy as jnp
import numpy as np

D_MODEL = 1024
MAX_LEN = 2048
BATCH = 4
SEQ = 2048

def setup_inputs(seed: int = 0) -> dict:
    key = jax.random.key(seed)
    k1, k2 = jax.random.split(key)
    x = jax.random.normal(k1, (BATCH, SEQ, D_MODEL), dtype=jnp.float32)
    # learned embedding table, initialized like nn.Embedding (N(0,1))
    emb_table = jax.random.normal(k2, (MAX_LEN, D_MODEL), dtype=jnp.float32)
    return {"x": x, "emb_table": emb_table}

def reference(x, emb_table):
    # position_ids = arange(max_len)[: x.size(-2)]
    seq_len = x.shape[-2]
    position_ids = jnp.arange(seq_len, dtype=jnp.int32)
    pos_emb = jnp.take(emb_table, position_ids, axis=0)  # [L, d_model]
    return x + pos_emb[None, :, :]

if __name__ == "__main__":
    import jax
    _d = setup_inputs()
    print(jax.jit(kernel)(*tuple(_d.values())))

</pallas_src>

<mosaic_0001>
#map = affine_map<(d0, d1) -> (0)>
module attributes {stable_mosaic.version = 14 : i64} {
  func.func @k(%arg0: i32, %arg1: i32, %arg2: memref<8388608xf32, #tpu.memory_space<hbm>>, %arg3: memref<2097152xf32, #tpu.memory_space<hbm>>, %arg4: memref<8388608xf32, #tpu.memory_space<hbm>>, %arg5: memref<8192xf32, #tpu.memory_space<vmem>>, %arg6: memref<8192xf32, #tpu.memory_space<vmem>>, %arg7: memref<8192xf32, #tpu.memory_space<vmem>>, %arg8: memref<8192xf32, #tpu.memory_space<vmem>>, %arg9: memref<8192xf32, #tpu.memory_space<vmem>>, %arg10: memref<8192xf32, #tpu.memory_space<vmem>>, %arg11: memref<8192xf32, #tpu.memory_space<vmem>>, %arg12: memref<8192xf32, #tpu.memory_space<vmem>>, %arg13: memref<8192xf32, #tpu.memory_space<vmem>>, %arg14: memref<8192xf32, #tpu.memory_space<vmem>>, %arg15: memref<8192xf32, #tpu.memory_space<vmem>>, %arg16: memref<8192xf32, #tpu.memory_space<vmem>>, %arg17: memref<8192xf32, #tpu.memory_space<vmem>>, %arg18: memref<8192xf32, #tpu.memory_space<vmem>>, %arg19: memref<8192xf32, #tpu.memory_space<vmem>>, %arg20: memref<!tpu.dma_semaphore, #tpu.memory_space<semaphore_mem>>, %arg21: memref<!tpu.dma_semaphore, #tpu.memory_space<semaphore_mem>>, %arg22: memref<!tpu.dma_semaphore, #tpu.memory_space<semaphore_mem>>, %arg23: memref<!tpu.dma_semaphore, #tpu.memory_space<semaphore_mem>>, %arg24: memref<!tpu.dma_semaphore, #tpu.memory_space<semaphore_mem>>, %arg25: memref<!tpu.dma_semaphore, #tpu.memory_space<semaphore_mem>>, %arg26: memref<!tpu.dma_semaphore, #tpu.memory_space<semaphore_mem>>, %arg27: memref<!tpu.dma_semaphore, #tpu.memory_space<semaphore_mem>>, %arg28: memref<!tpu.dma_semaphore, #tpu.memory_space<semaphore_mem>>, %arg29: memref<!tpu.dma_semaphore, #tpu.memory_space<semaphore_mem>>, %arg30: memref<!tpu.dma_semaphore, #tpu.memory_space<semaphore_mem>>, %arg31: memref<!tpu.dma_semaphore, #tpu.memory_space<semaphore_mem>>, %arg32: memref<!tpu.dma_semaphore, #tpu.memory_space<semaphore_mem>>, %arg33: memref<!tpu.dma_semaphore, #tpu.memory_space<semaphore_mem>>, %arg34: memref<!tpu.dma_semaphore, #tpu.memory_space<semaphore_mem>>, %arg35: memref<!tpu.dma_semaphore, #tpu.memory_space<semaphore_mem>>, %arg36: memref<!tpu.dma_semaphore, #tpu.memory_space<semaphore_mem>>, %arg37: memref<!tpu.dma_semaphore, #tpu.memory_space<semaphore_mem>>, %arg38: memref<!tpu.dma_semaphore, #tpu.memory_space<semaphore_mem>>, %arg39: memref<!tpu.dma_semaphore, #tpu.memory_space<semaphore_mem>>, %arg40: memref<!tpu.dma_semaphore, #tpu.memory_space<semaphore_mem>>, %arg41: memref<!tpu.dma_semaphore, #tpu.memory_space<semaphore_mem>>, %arg42: memref<!tpu.dma_semaphore, #tpu.memory_space<semaphore_mem>>, %arg43: memref<!tpu.dma_semaphore, #tpu.memory_space<semaphore_mem>>, %arg44: memref<!tpu.dma_semaphore, #tpu.memory_space<semaphore_mem>>, %arg45: memref<!tpu.dma_semaphore, #tpu.memory_space<semaphore_mem>>, %arg46: memref<!tpu.dma_semaphore, #tpu.memory_space<semaphore_mem>>) attributes {dimension_semantics = [#tpu.dimension_semantics<core_parallel>, #tpu.dimension_semantics<subcore_parallel>], iteration_bounds = array<i64: 2, 16>, scalar_prefetch = 0 : i64, scratch_operands = 42 : i64, tpu.core_type = #tpu.core_type<sc_vector_subcore>, window_params = [{transform_indices = #map}, {transform_indices = #map}, {transform_indices = #map}]} {
    %mul3A = arith.constant 2 : i32
    %mul3A_0 = arith.muli %arg1, %mul3A : i32
    %add3A = arith.addi %mul3A_0, %arg0 : i32
    %mul3A_1 = arith.constant 64 : i32
    %mul3A_2 = arith.muli %add3A, %mul3A_1 : i32
    %add3A_3 = arith.constant 0 : i32
    %add3A_4 = arith.addi %mul3A_2, %add3A_3 : i32
    %mul3A_5 = arith.constant 1024 : i32
    %mul3A_6 = arith.muli %add3A_4, %mul3A_5 : i32
    %dma_start3A = tpu.memref_slice %arg3[%mul3A_6] : memref<2097152xf32, #tpu.memory_space<hbm>> -> memref<8192xf32, #tpu.memory_space<hbm>>
    %dma_start3A_7 = tpu.memref_slice %arg3[%mul3A_6] : memref<2097152xf32, #tpu.memory_space<hbm>> -> memref<8192xf32, #tpu.memory_space<hbm>>
    tpu.enqueue_dma source(%dma_start3A_7 : memref<8192xf32, #tpu.memory_space<hbm>>) target(%arg5 : memref<8192xf32, #tpu.memory_space<vmem>>) target_semaphore(%arg20 : memref<!tpu.dma_semaphore, #tpu.memory_space<semaphore_mem>>)
    %add3A_8 = arith.constant 0 : i32
    %add3A_9 = arith.addi %add3A_8, %mul3A_6 : i32
    %dma_start3A_10 = tpu.memref_slice %arg2[%add3A_9] : memref<8388608xf32, #tpu.memory_space<hbm>> -> memref<8192xf32, #tpu.memory_space<hbm>>
    %dma_start3A_11 = tpu.memref_slice %arg2[%add3A_9] : memref<8388608xf32, #tpu.memory_space<hbm>> -> memref<8192xf32, #tpu.memory_space<hbm>>
    tpu.enqueue_dma source(%dma_start3A_11 : memref<8192xf32, #tpu.memory_space<hbm>>) target(%arg8 : memref<8192xf32, #tpu.memory_space<vmem>>) target_semaphore(%arg23 : memref<!tpu.dma_semaphore, #tpu.memory_space<semaphore_mem>>)
    %add3A_12 = arith.constant 2097152 : i32
    %add3A_13 = arith.addi %add3A_12, %mul3A_6 : i32
    %dma_start3A_14 = tpu.memref_slice %arg2[%add3A_13] : memref<8388608xf32, #tpu.memory_space<hbm>> -> memref<8192xf32, #tpu.memory_space<hbm>>
    %dma_start3A_15 = tpu.memref_slice %arg2[%add3A_13] : memref<8388608xf32, #tpu.memory_space<hbm>> -> memref<8192xf32, #tpu.memory_space<hbm>>
    tpu.enqueue_dma source(%dma_start3A_15 : memref<8192xf32, #tpu.memory_space<hbm>>) target(%arg9 : memref<8192xf32, #tpu.memory_space<vmem>>) target_semaphore(%arg24 : memref<!tpu.dma_semaphore, #tpu.memory_space<semaphore_mem>>)
    %add3A_16 = arith.constant 4194304 : i32
    %add3A_17 = arith.addi %add3A_16, %mul3A_6 : i32
    %dma_start3A_18 = tpu.memref_slice %arg2[%add3A_17] : memref<8388608xf32, #tpu.memory_space<hbm>> -> memref<8192xf32, #tpu.memory_space<hbm>>
    %dma_start3A_19 = tpu.memref_slice %arg2[%add3A_17] : memref<8388608xf32, #tpu.memory_space<hbm>> -> memref<8192xf32, #tpu.memory_space<hbm>>
    tpu.enqueue_dma source(%dma_start3A_19 : memref<8192xf32, #tpu.memory_space<hbm>>) target(%arg10 : memref<8192xf32, #tpu.memory_space<vmem>>) target_semaphore(%arg25 : memref<!tpu.dma_semaphore, #tpu.memory_space<semaphore_mem>>)
    %add3A_20 = arith.constant 6291456 : i32
    %add3A_21 = arith.addi %add3A_20, %mul3A_6 : i32
    %dma_start3A_22 = tpu.memref_slice %arg2[%add3A_21] : memref<8388608xf32, #tpu.memory_space<hbm>> -> memref<8192xf32, #tpu.memory_space<hbm>>
    %dma_start3A_23 = tpu.memref_slice %arg2[%add3A_21] : memref<8388608xf32, #tpu.memory_space<hbm>> -> memref<8192xf32, #tpu.memory_space<hbm>>
    tpu.enqueue_dma source(%dma_start3A_23 : memref<8192xf32, #tpu.memory_space<hbm>>) target(%arg11 : memref<8192xf32, #tpu.memory_space<vmem>>) target_semaphore(%arg26 : memref<!tpu.dma_semaphore, #tpu.memory_space<semaphore_mem>>)
    %mul3A_24 = arith.constant 64 : i32
    %mul3A_25 = arith.muli %add3A, %mul3A_24 : i32
    %add3A_26 = arith.constant 8 : i32
    %add3A_27 = arith.addi %mul3A_25, %add3A_26 : i32
    %mul3A_28 = arith.constant 1024 : i32
    %mul3A_29 = arith.muli %add3A_27, %mul3A_28 : i32
    %dma_start3A_30 = tpu.memref_slice %arg3[%mul3A_29] : memref<2097152xf32, #tpu.memory_space<hbm>> -> memref<8192xf32, #tpu.memory_space<hbm>>
    %dma_start3A_31 = tpu.memref_slice %arg3[%mul3A_29] : memref<2097152xf32, #tpu.memory_space<hbm>> -> memref<8192xf32, #tpu.memory_space<hbm>>
    tpu.enqueue_dma source(%dma_start3A_31 : memref<8192xf32, #tpu.memory_space<hbm>>) target(%arg6 : memref<8192xf32, #tpu.memory_space<vmem>>) target_semaphore(%arg21 : memref<!tpu.dma_semaphore, #tpu.memory_space<semaphore_mem>>)
    %add3A_32 = arith.constant 0 : i32
    %add3A_33 = arith.addi %add3A_32, %mul3A_29 : i32
    %dma_start3A_34 = tpu.memref_slice %arg2[%add3A_33] : memref<8388608xf32, #tpu.memory_space<hbm>> -> memref<8192xf32, #tpu.memory_space<hbm>>
    %dma_start3A_35 = tpu.memref_slice %arg2[%add3A_33] : memref<8388608xf32, #tpu.memory_space<hbm>> -> memref<8192xf32, #tpu.memory_space<hbm>>
    tpu.enqueue_dma source(%dma_start3A_35 : memref<8192xf32, #tpu.memory_space<hbm>>) target(%arg12 : memref<8192xf32, #tpu.memory_space<vmem>>) target_semaphore(%arg27 : memref<!tpu.dma_semaphore, #tpu.memory_space<semaphore_mem>>)
    %add3A_36 = arith.constant 2097152 : i32
    %add3A_37 = arith.addi %add3A_36, %mul3A_29 : i32
    %dma_start3A_38 = tpu.memref_slice %arg2[%add3A_37] : memref<8388608xf32, #tpu.memory_space<hbm>> -> memref<8192xf32, #tpu.memory_space<hbm>>
    %dma_start3A_39 = tpu.memref_slice %arg2[%add3A_37] : memref<8388608xf32, #tpu.memory_space<hbm>> -> memref<8192xf32, #tpu.memory_space<hbm>>
    tpu.enqueue_dma source(%dma_start3A_39 : memref<8192xf32, #tpu.memory_space<hbm>>) target(%arg13 : memref<8192xf32, #tpu.memory_space<vmem>>) target_semaphore(%arg28 : memref<!tpu.dma_semaphore, #tpu.memory_space<semaphore_mem>>)
    %add3A_40 = arith.constant 4194304 : i32
    %add3A_41 = arith.addi %add3A_40, %mul3A_29 : i32
    %dma_start3A_42 = tpu.memref_slice %arg2[%add3A_41] : memref<8388608xf32, #tpu.memory_space<hbm>> -> memref<8192xf32, #tpu.memory_space<hbm>>
    %dma_start3A_43 = tpu.memref_slice %arg2[%add3A_41] : memref<8388608xf32, #tpu.memory_space<hbm>> -> memref<8192xf32, #tpu.memory_space<hbm>>
    tpu.enqueue_dma source(%dma_start3A_43 : memref<8192xf32, #tpu.memory_space<hbm>>) target(%arg14 : memref<8192xf32, #tpu.memory_space<vmem>>) target_semaphore(%arg29 : memref<!tpu.dma_semaphore, #tpu.memory_space<semaphore_mem>>)
    %add3A_44 = arith.constant 6291456 : i32
    %add3A_45 = arith.addi %add3A_44, %mul3A_29 : i32
    %dma_start3A_46 = tpu.memref_slice %arg2[%add3A_45] : memref<8388608xf32, #tpu.memory_space<hbm>> -> memref<8192xf32, #tpu.memory_space<hbm>>
    %dma_start3A_47 = tpu.memref_slice %arg2[%add3A_45] : memref<8388608xf32, #tpu.memory_space<hbm>> -> memref<8192xf32, #tpu.memory_space<hbm>>
    tpu.enqueue_dma source(%dma_start3A_47 : memref<8192xf32, #tpu.memory_space<hbm>>) target(%arg15 : memref<8192xf32, #tpu.memory_space<vmem>>) target_semaphore(%arg30 : memref<!tpu.dma_semaphore, #tpu.memory_space<semaphore_mem>>)
    %dma_wait3A = tpu.memref_slice %arg3[%mul3A_6] : memref<2097152xf32, #tpu.memory_space<hbm>> -> memref<8192xf32, #tpu.memory_space<hbm>>
    %dma_wait3A_48 = tpu.memref_slice %arg3[%mul3A_6] : memref<2097152xf32, #tpu.memory_space<hbm>> -> memref<8192xf32, #tpu.memory_space<hbm>>
    tpu.wait_dma2 semaphore(%arg20 : memref<!tpu.dma_semaphore, #tpu.memory_space<semaphore_mem>>) src(%dma_wait3A_48 : memref<8192xf32, #tpu.memory_space<hbm>>) dst(%arg5 : memref<8192xf32, #tpu.memory_space<vmem>>)
    %dma_wait3A_49 = tpu.memref_slice %arg2[%add3A_9] : memref<8388608xf32, #tpu.memory_space<hbm>> -> memref<8192xf32, #tpu.memory_space<hbm>>
    %dma_wait3A_50 = tpu.memref_slice %arg2[%add3A_9] : memref<8388608xf32, #tpu.memory_space<hbm>> -> memref<8192xf32, #tpu.memory_space<hbm>>
    tpu.wait_dma2 semaphore(%arg23 : memref<!tpu.dma_semaphore, #tpu.memory_space<semaphore_mem>>) src(%dma_wait3A_50 : memref<8192xf32, #tpu.memory_space<hbm>>) dst(%arg8 : memref<8192xf32, #tpu.memory_space<vmem>>)
    %dma_wait3A_51 = tpu.memref_slice %arg2[%add3A_13] : memref<8388608xf32, #tpu.memory_space<hbm>> -> memref<8192xf32, #tpu.memory_space<hbm>>
    %dma_wait3A_52 = tpu.memref_slice %arg2[%add3A_13] : memref<8388608xf32, #tpu.memory_space<hbm>> -> memref<8192xf32, #tpu.memory_space<hbm>>
    tpu.wait_dma2 semaphore(%arg24 : memref<!tpu.dma_semaphore, #tpu.memory_space<semaphore_mem>>) src(%dma_wait3A_52 : memref<8192xf32, #tpu.memory_space<hbm>>) dst(%arg9 : memref<8192xf32, #tpu.memory_space<vmem>>)
    %dma_wait3A_53 = tpu.memref_slice %arg2[%add3A_17] : memref<8388608xf32, #tpu.memory_space<hbm>> -> memref<8192xf32, #tpu.memory_space<hbm>>
    %dma_wait3A_54 = tpu.memref_slice %arg2[%add3A_17] : memref<8388608xf32, #tpu.memory_space<hbm>> -> memref<8192xf32, #tpu.memory_space<hbm>>
    tpu.wait_dma2 semaphore(%arg25 : memref<!tpu.dma_semaphore, #tpu.memory_space<semaphore_mem>>) src(%dma_wait3A_54 : memref<8192xf32, #tpu.memory_space<hbm>>) dst(%arg10 : memref<8192xf32, #tpu.memory_space<vmem>>)
    %dma_wait3A_55 = tpu.memref_slice %arg2[%add3A_21] : memref<8388608xf32, #tpu.memory_space<hbm>> -> memref<8192xf32, #tpu.memory_space<hbm>>
    %dma_wait3A_56 = tpu.memref_slice %arg2[%add3A_21] : memref<8388608xf32, #tpu.memory_space<hbm>> -> memref<8192xf32, #tpu.memory_space<hbm>>
    tpu.wait_dma2 semaphore(%arg26 : memref<!tpu.dma_semaphore, #tpu.memory_space<semaphore_mem>>) src(%dma_wait3A_56 : memref<8192xf32, #tpu.memory_space<hbm>>) dst(%arg11 : memref<8192xf32, #tpu.memory_space<vmem>>)
    %mul3A_57 = arith.constant 64 : i32
    %mul3A_58 = arith.muli %add3A, %mul3A_57 : i32
    %add3A_59 = arith.constant 0 : i32
    %add3A_60 = arith.addi %mul3A_58, %add3A_59 : i32
    %mul3A_61 = arith.constant 1024 : i32
    %mul3A_62 = arith.muli %add3A_60, %mul3A_61 : i32
    %add3A_63 = arith.constant 0 : i32
    %add3A_64 = arith.addi %add3A_63, %mul3A_62 : i32
    %dma_start3A_65 = tpu.memref_slice %arg4[%add3A_64] : memref<8388608xf32, #tpu.memory_space<hbm>> -> memref<8192xf32, #tpu.memory_space<hbm>>
    %dma_start3A_66 = tpu.memref_slice %arg4[%add3A_64] : memref<8388608xf32, #tpu.memory_space<hbm>> -> memref<8192xf32, #tpu.memory_space<hbm>>
    tpu.enqueue_dma source(%arg8 : memref<8192xf32, #tpu.memory_space<vmem>>) target(%dma_start3A_66 : memref<8192xf32, #tpu.memory_space<hbm>>) target_semaphore(%arg35 : memref<!tpu.dma_semaphore, #tpu.memory_space<semaphore_mem>>)
    %add3A_67 = arith.constant 2097152 : i32
    %add3A_68 = arith.addi %add3A_67, %mul3A_62 : i32
    %dma_start3A_69 = tpu.memref_slice %arg4[%add3A_68] : memref<8388608xf32, #tpu.memory_space<hbm>> -> memref<8192xf32, #tpu.memory_space<hbm>>
    %dma_start3A_70 = tpu.memref_slice %arg4[%add3A_68] : memref<8388608xf32, #tpu.memory_space<hbm>> -> memref<8192xf32, #tpu.memory_space<hbm>>
    tpu.enqueue_dma source(%arg9 : memref<8192xf32, #tpu.memory_space<vmem>>) target(%dma_start3A_70 : memref<8192xf32, #tpu.memory_space<hbm>>) target_semaphore(%arg36 : memref<!tpu.dma_semaphore, #tpu.memory_space<semaphore_mem>>)
    %add3A_71 = arith.constant 4194304 : i32
    %add3A_72 = arith.addi %add3A_71, %mul3A_62 : i32
    %dma_start3A_73 = tpu.memref_slice %arg4[%add3A_72] : memref<8388608xf32, #tpu.memory_space<hbm>> -> memref<8192xf32, #tpu.memory_space<hbm>>
    %dma_start3A_74 = tpu.memref_slice %arg4[%add3A_72] : memref<8388608xf32, #tpu.memory_space<hbm>> -> memref<8192xf32, #tpu.memory_space<hbm>>
    tpu.enqueue_dma source(%arg10 : memref<8192xf32, #tpu.memory_space<vmem>>) target(%dma_start3A_74 : memref<8192xf32, #tpu.memory_space<hbm>>) target_semaphore(%arg37 : memref<!tpu.dma_semaphore, #tpu.memory_space<semaphore_mem>>)
    %add3A_75 = arith.constant 6291456 : i32
    %add3A_76 = arith.addi %add3A_75, %mul3A_62 : i32
    %dma_start3A_77 = tpu.memref_slice %arg4[%add3A_76] : memref<8388608xf32, #tpu.memory_space<hbm>> -> memref<8192xf32, #tpu.memory_space<hbm>>
    %dma_start3A_78 = tpu.memref_slice %arg4[%add3A_76] : memref<8388608xf32, #tpu.memory_space<hbm>> -> memref<8192xf32, #tpu.memory_space<hbm>>
    tpu.enqueue_dma source(%arg11 : memref<8192xf32, #tpu.memory_space<vmem>>) target(%dma_start3A_78 : memref<8192xf32, #tpu.memory_space<hbm>>) target_semaphore(%arg38 : memref<!tpu.dma_semaphore, #tpu.memory_space<semaphore_mem>>)
    %mul3A_79 = arith.constant 64 : i32
    %mul3A_80 = arith.muli %add3A, %mul3A_79 : i32
    %add3A_81 = arith.constant 16 : i32
    %add3A_82 = arith.addi %mul3A_80, %add3A_81 : i32
    %mul3A_83 = arith.constant 1024 : i32
    %mul3A_84 = arith.muli %add3A_82, %mul3A_83 : i32
    %dma_start3A_85 = tpu.memref_slice %arg3[%mul3A_84] : memref<2097152xf32, #tpu.memory_space<hbm>> -> memref<8192xf32, #tpu.memory_space<hbm>>
    %dma_start3A_86 = tpu.memref_slice %arg3[%mul3A_84] : memref<2097152xf32, #tpu.memory_space<hbm>> -> memref<8192xf32, #tpu.memory_space<hbm>>
    tpu.enqueue_dma source(%dma_start3A_86 : memref<8192xf32, #tpu.memory_space<hbm>>) target(%arg7 : memref<8192xf32, #tpu.memory_space<vmem>>) target_semaphore(%arg22 : memref<!tpu.dma_semaphore, #tpu.memory_space<semaphore_mem>>)
    %add3A_87 = arith.constant 0 : i32
    %add3A_88 = arith.addi %add3A_87, %mul3A_84 : i32
    %dma_start3A_89 = tpu.memref_slice %arg2[%add3A_88] : memref<8388608xf32, #tpu.memory_space<hbm>> -> memref<8192xf32, #tpu.memory_space<hbm>>
    %dma_start3A_90 = tpu.memref_slice %arg2[%add3A_88] : memref<8388608xf32, #tpu.memory_space<hbm>> -> memref<8192xf32, #tpu.memory_space<hbm>>
    tpu.enqueue_dma source(%dma_start3A_90 : memref<8192xf32, #tpu.memory_space<hbm>>) target(%arg16 : memref<8192xf32, #tpu.memory_space<vmem>>) target_semaphore(%arg31 : memref<!tpu.dma_semaphore, #tpu.memory_space<semaphore_mem>>)
    %add3A_91 = arith.constant 2097152 : i32
    %add3A_92 = arith.addi %add3A_91, %mul3A_84 : i32
    %dma_start3A_93 = tpu.memref_slice %arg2[%add3A_92] : memref<8388608xf32, #tpu.memory_space<hbm>> -> memref<8192xf32, #tpu.memory_space<hbm>>
    %dma_start3A_94 = tpu.memref_slice %arg2[%add3A_92] : memref<8388608xf32, #tpu.memory_space<hbm>> -> memref<8192xf32, #tpu.memory_space<hbm>>
    tpu.enqueue_dma source(%dma_start3A_94 : memref<8192xf32, #tpu.memory_space<hbm>>) target(%arg17 : memref<8192xf32, #tpu.memory_space<vmem>>) target_semaphore(%arg32 : memref<!tpu.dma_semaphore, #tpu.memory_space<semaphore_mem>>)
    %add3A_95 = arith.constant 4194304 : i32
    %add3A_96 = arith.addi %add3A_95, %mul3A_84 : i32
    %dma_start3A_97 = tpu.memref_slice %arg2[%add3A_96] : memref<8388608xf32, #tpu.memory_space<hbm>> -> memref<8192xf32, #tpu.memory_space<hbm>>
    %dma_start3A_98 = tpu.memref_slice %arg2[%add3A_96] : memref<8388608xf32, #tpu.memory_space<hbm>> -> memref<8192xf32, #tpu.memory_space<hbm>>
    tpu.enqueue_dma source(%dma_start3A_98 : memref<8192xf32, #tpu.memory_space<hbm>>) target(%arg18 : memref<8192xf32, #tpu.memory_space<vmem>>) target_semaphore(%arg33 : memref<!tpu.dma_semaphore, #tpu.memory_space<semaphore_mem>>)
    %add3A_99 = arith.constant 6291456 : i32
    %add3A_100 = arith.addi %add3A_99, %mul3A_84 : i32
    %dma_start3A_101 = tpu.memref_slice %arg2[%add3A_100] : memref<8388608xf32, #tpu.memory_space<hbm>> -> memref<8192xf32, #tpu.memory_space<hbm>>
    %dma_start3A_102 = tpu.memref_slice %arg2[%add3A_100] : memref<8388608xf32, #tpu.memory_space<hbm>> -> memref<8192xf32, #tpu.memory_space<hbm>>
    tpu.enqueue_dma source(%dma_start3A_102 : memref<8192xf32, #tpu.memory_space<hbm>>) target(%arg19 : memref<8192xf32, #tpu.memory_space<vmem>>) target_semaphore(%arg34 : memref<!tpu.dma_semaphore, #tpu.memory_space<semaphore_mem>>)
    %dma_wait3A_103 = tpu.memref_slice %arg3[%mul3A_29] : memref<2097152xf32, #tpu.memory_space<hbm>> -> memref<8192xf32, #tpu.memory_space<hbm>>
    %dma_wait3A_104 = tpu.memref_slice %arg3[%mul3A_29] : memref<2097152xf32, #tpu.memory_space<hbm>> -> memref<8192xf32, #tpu.memory_space<hbm>>
    tpu.wait_dma2 semaphore(%arg21 : memref<!tpu.dma_semaphore, #tpu.memory_space<semaphore_mem>>) src(%dma_wait3A_104 : memref<8192xf32, #tpu.memory_space<hbm>>) dst(%arg6 : memref<8192xf32, #tpu.memory_space<vmem>>)
    %dma_wait3A_105 = tpu.memref_slice %arg2[%add3A_33] : memref<8388608xf32, #tpu.memory_space<hbm>> -> memref<8192xf32, #tpu.memory_space<hbm>>
    %dma_wait3A_106 = tpu.memref_slice %arg2[%add3A_33] : memref<8388608xf32, #tpu.memory_space<hbm>> -> memref<8192xf32, #tpu.memory_space<hbm>>
    tpu.wait_dma2 semaphore(%arg27 : memref<!tpu.dma_semaphore, #tpu.memory_space<semaphore_mem>>) src(%dma_wait3A_106 : memref<8192xf32, #tpu.memory_space<hbm>>) dst(%arg12 : memref<8192xf32, #tpu.memory_space<vmem>>)
    %dma_wait3A_107 = tpu.memref_slice %arg2[%add3A_37] : memref<8388608xf32, #tpu.memory_space<hbm>> -> memref<8192xf32, #tpu.memory_space<hbm>>
    %dma_wait3A_108 = tpu.memref_slice %arg2[%add3A_37] : memref<8388608xf32, #tpu.memory_space<hbm>> -> memref<8192xf32, #tpu.memory_space<hbm>>
    tpu.wait_dma2 semaphore(%arg28 : memref<!tpu.dma_semaphore, #tpu.memory_space<semaphore_mem>>) src(%dma_wait3A_108 : memref<8192xf32, #tpu.memory_space<hbm>>) dst(%arg13 : memref<8192xf32, #tpu.memory_space<vmem>>)
    %dma_wait3A_109 = tpu.memref_slice %arg2[%add3A_41] : memref<8388608xf32, #tpu.memory_space<hbm>> -> memref<8192xf32, #tpu.memory_space<hbm>>
    %dma_wait3A_110 = tpu.memref_slice %arg2[%add3A_41] : memref<8388608xf32, #tpu.memory_space<hbm>> -> memref<8192xf32, #tpu.memory_space<hbm>>
    tpu.wait_dma2 semaphore(%arg29 : memref<!tpu.dma_semaphore, #tpu.memory_space<semaphore_mem>>) src(%dma_wait3A_110 : memref<8192xf32, #tpu.memory_space<hbm>>) dst(%arg14 : memref<8192xf32, #tpu.memory_space<vmem>>)
    %dma_wait3A_111 = tpu.memref_slice %arg2[%add3A_45] : memref<8388608xf32, #tpu.memory_space<hbm>> -> memref<8192xf32, #tpu.memory_space<hbm>>
    %dma_wait3A_112 = tpu.memref_slice %arg2[%add3A_45] : memref<8388608xf32, #tpu.memory_space<hbm>> -> memref<8192xf32, #tpu.memory_space<hbm>>
    tpu.wait_dma2 semaphore(%arg30 : memref<!tpu.dma_semaphore, #tpu.memory_space<semaphore_mem>>) src(%dma_wait3A_112 : memref<8192xf32, #tpu.memory_space<hbm>>) dst(%arg15 : memref<8192xf32, #tpu.memory_space<vmem>>)
    %mul3A_113 = arith.constant 64 : i32
    %mul3A_114 = arith.muli %add3A, %mul3A_113 : i32
    %add3A_115 = arith.constant 8 : i32
    %add3A_116 = arith.addi %mul3A_114, %add3A_115 : i32
    %mul3A_117 = arith.constant 1024 : i32
    %mul3A_118 = arith.muli %add3A_116, %mul3A_117 : i32
    %add3A_119 = arith.constant 0 : i32
    %add3A_120 = arith.addi %add3A_119, %mul3A_118 : i32
    %dma_start3A_121 = tpu.memref_slice %arg4[%add3A_120] : memref<8388608xf32, #tpu.memory_space<hbm>> -> memref<8192xf32, #tpu.memory_space<hbm>>
    %dma_start3A_122 = tpu.memref_slice %arg4[%add3A_120] : memref<8388608xf32, #tpu.memory_space<hbm>> -> memref<8192xf32, #tpu.memory_space<hbm>>
    tpu.enqueue_dma source(%arg12 : memref<8192xf32, #tpu.memory_space<vmem>>) target(%dma_start3A_122 : memref<8192xf32, #tpu.memory_space<hbm>>) target_semaphore(%arg39 : memref<!tpu.dma_semaphore, #tpu.memory_space<semaphore_mem>>)
    %add3A_123 = arith.constant 2097152 : i32
    %add3A_124 = arith.addi %add3A_123, %mul3A_118 : i32
    %dma_start3A_125 = tpu.memref_slice %arg4[%add3A_124] : memref<8388608xf32, #tpu.memory_space<hbm>> -> memref<8192xf32, #tpu.memory_space<hbm>>
    %dma_start3A_126 = tpu.memref_slice %arg4[%add3A_124] : memref<8388608xf32, #tpu.memory_space<hbm>> -> memref<8192xf32, #tpu.memory_space<hbm>>
    tpu.enqueue_dma source(%arg13 : memref<8192xf32, #tpu.memory_space<vmem>>) target(%dma_start3A_126 : memref<8192xf32, #tpu.memory_space<hbm>>) target_semaphore(%arg40 : memref<!tpu.dma_semaphore, #tpu.memory_space<semaphore_mem>>)
    %add3A_127 = arith.constant 4194304 : i32
    %add3A_128 = arith.addi %add3A_127, %mul3A_118 : i32
    %dma_start3A_129 = tpu.memref_slice %arg4[%add3A_128] : memref<8388608xf32, #tpu.memory_space<hbm>> -> memref<8192xf32, #tpu.memory_space<hbm>>
    %dma_start3A_130 = tpu.memref_slice %arg4[%add3A_128] : memref<8388608xf32, #tpu.memory_space<hbm>> -> memref<8192xf32, #tpu.memory_space<hbm>>
    tpu.enqueue_dma source(%arg14 : memref<8192xf32, #tpu.memory_space<vmem>>) target(%dma_start3A_130 : memref<8192xf32, #tpu.memory_space<hbm>>) target_semaphore(%arg41 : memref<!tpu.dma_semaphore, #tpu.memory_space<semaphore_mem>>)
    %add3A_131 = arith.constant 6291456 : i32
    %add3A_132 = arith.addi %add3A_131, %mul3A_118 : i32
    %dma_start3A_133 = tpu.memref_slice %arg4[%add3A_132] : memref<8388608xf32, #tpu.memory_space<hbm>> -> memref<8192xf32, #tpu.memory_space<hbm>>
    %dma_start3A_134 = tpu.memref_slice %arg4[%add3A_132] : memref<8388608xf32, #tpu.memory_space<hbm>> -> memref<8192xf32, #tpu.memory_space<hbm>>
    tpu.enqueue_dma source(%arg15 : memref<8192xf32, #tpu.memory_space<vmem>>) target(%dma_start3A_134 : memref<8192xf32, #tpu.memory_space<hbm>>) target_semaphore(%arg42 : memref<!tpu.dma_semaphore, #tpu.memory_space<semaphore_mem>>)
    %dma_wait3A_135 = tpu.memref_slice %arg4[%add3A_64] : memref<8388608xf32, #tpu.memory_space<hbm>> -> memref<8192xf32, #tpu.memory_space<hbm>>
    %dma_wait3A_136 = tpu.memref_slice %arg4[%add3A_64] : memref<8388608xf32, #tpu.memory_space<hbm>> -> memref<8192xf32, #tpu.memory_space<hbm>>
    tpu.wait_dma2 semaphore(%arg35 : memref<!tpu.dma_semaphore, #tpu.memory_space<semaphore_mem>>) src(%arg8 : memref<8192xf32, #tpu.memory_space<vmem>>) dst(%dma_wait3A_136 : memref<8192xf32, #tpu.memory_space<hbm>>)
    %dma_wait3A_137 = tpu.memref_slice %arg4[%add3A_68] : memref<8388608xf32, #tpu.memory_space<hbm>> -> memref<8192xf32, #tpu.memory_space<hbm>>
    %dma_wait3A_138 = tpu.memref_slice %arg4[%add3A_68] : memref<8388608xf32, #tpu.memory_space<hbm>> -> memref<8192xf32, #tpu.memory_space<hbm>>
    tpu.wait_dma2 semaphore(%arg36 : memref<!tpu.dma_semaphore, #tpu.memory_space<semaphore_mem>>) src(%arg9 : memref<8192xf32, #tpu.memory_space<vmem>>) dst(%dma_wait3A_138 : memref<8192xf32, #tpu.memory_space<hbm>>)
    %dma_wait3A_139 = tpu.memref_slice %arg4[%add3A_72] : memref<8388608xf32, #tpu.memory_space<hbm>> -> memref<8192xf32, #tpu.memory_space<hbm>>
    %dma_wait3A_140 = tpu.memref_slice %arg4[%add3A_72] : memref<8388608xf32, #tpu.memory_space<hbm>> -> memref<8192xf32, #tpu.memory_space<hbm>>
    tpu.wait_dma2 semaphore(%arg37 : memref<!tpu.dma_semaphore, #tpu.memory_space<semaphore_mem>>) src(%arg10 : memref<8192xf32, #tpu.memory_space<vmem>>) dst(%dma_wait3A_140 : memref<8192xf32, #tpu.memory_space<hbm>>)
    %dma_wait3A_141 = tpu.memref_slice %arg4[%add3A_76] : memref<8388608xf32, #tpu.memory_space<hbm>> -> memref<8192xf32, #tpu.memory_space<hbm>>
    %dma_wait3A_142 = tpu.memref_slice %arg4[%add3A_76] : memref<8388608xf32, #tpu.memory_space<hbm>> -> memref<8192xf32, #tpu.memory_space<hbm>>
    tpu.wait_dma2 semaphore(%arg38 : memref<!tpu.dma_semaphore, #tpu.memory_space<semaphore_mem>>) src(%arg11 : memref<8192xf32, #tpu.memory_space<vmem>>) dst(%dma_wait3A_142 : memref<8192xf32, #tpu.memory_space<hbm>>)
    %mul3A_143 = arith.constant 64 : i32
    %mul3A_144 = arith.muli %add3A, %mul3A_143 : i32
    %add3A_145 = arith.constant 24 : i32
    %add3A_146 = arith.addi %mul3A_144, %add3A_145 : i32
    %mul3A_147 = arith.constant 1024 : i32
    %mul3A_148 = arith.muli %add3A_146, %mul3A_147 : i32
    %dma_start3A_149 = tpu.memref_slice %arg3[%mul3A_148] : memref<2097152xf32, #tpu.memory_space<hbm>> -> memref<8192xf32, #tpu.memory_space<hbm>>
    %dma_start3A_150 = tpu.memref_slice %arg3[%mul3A_148] : memref<2097152xf32, #tpu.memory_space<hbm>> -> memref<8192xf32, #tpu.memory_space<hbm>>
    tpu.enqueue_dma source(%dma_start3A_150 : memref<8192xf32, #tpu.memory_space<hbm>>) target(%arg5 : memref<8192xf32, #tpu.memory_space<vmem>>) target_semaphore(%arg20 : memref<!tpu.dma_semaphore, #tpu.memory_space<semaphore_mem>>)
    %add3A_151 = arith.constant 0 : i32
    %add3A_152 = arith.addi %add3A_151, %mul3A_148 : i32
    %dma_start3A_153 = tpu.memref_slice %arg2[%add3A_152] : memref<8388608xf32, #tpu.memory_space<hbm>> -> memref<8192xf32, #tpu.memory_space<hbm>>
    %dma_start3A_154 = tpu.memref_slice %arg2[%add3A_152] : memref<8388608xf32, #tpu.memory_space<hbm>> -> memref<8192xf32, #tpu.memory_space<hbm>>
    tpu.enqueue_dma source(%dma_start3A_154 : memref<8192xf32, #tpu.memory_space<hbm>>) target(%arg8 : memref<8192xf32, #tpu.memory_space<vmem>>) target_semaphore(%arg23 : memref<!tpu.dma_semaphore, #tpu.memory_space<semaphore_mem>>)
    %add3A_155 = arith.constant 2097152 : i32
    %add3A_156 = arith.addi %add3A_155, %mul3A_148 : i32
    %dma_start3A_157 = tpu.memref_slice %arg2[%add3A_156] : memref<8388608xf32, #tpu.memory_space<hbm>> -> memref<8192xf32, #tpu.memory_space<hbm>>
    %dma_start3A_158 = tpu.memref_slice %arg2[%add3A_156] : memref<8388608xf32, #tpu.memory_space<hbm>> -> memref<8192xf32, #tpu.memory_space<hbm>>
    tpu.enqueue_dma source(%dma_start3A_158 : memref<8192xf32, #tpu.memory_space<hbm>>) target(%arg9 : memref<8192xf32, #tpu.memory_space<vmem>>) target_semaphore(%arg24 : memref<!tpu.dma_semaphore, #tpu.memory_space<semaphore_mem>>)
    %add3A_159 = arith.constant 4194304 : i32
    %add3A_160 = arith.addi %add3A_159, %mul3A_148 : i32
    %dma_start3A_161 = tpu.memref_slice %arg2[%add3A_160] : memref<8388608xf32, #tpu.memory_space<hbm>> -> memref<8192xf32, #tpu.memory_space<hbm>>
    %dma_start3A_162 = tpu.memref_slice %arg2[%add3A_160] : memref<8388608xf32, #tpu.memory_space<hbm>> -> memref<8192xf32, #tpu.memory_space<hbm>>
    tpu.enqueue_dma source(%dma_start3A_162 : memref<8192xf32, #tpu.memory_space<hbm>>) target(%arg10 : memref<8192xf32, #tpu.memory_space<vmem>>) target_semaphore(%arg25 : memref<!tpu.dma_semaphore, #tpu.memory_space<semaphore_mem>>)
    %add3A_163 = arith.constant 6291456 : i32
    %add3A_164 = arith.addi %add3A_163, %mul3A_148 : i32
    %dma_start3A_165 = tpu.memref_slice %arg2[%add3A_164] : memref<8388608xf32, #tpu.memory_space<hbm>> -> memref<8192xf32, #tpu.memory_space<hbm>>
    %dma_start3A_166 = tpu.memref_slice %arg2[%add3A_164] : memref<8388608xf32, #tpu.memory_space<hbm>> -> memref<8192xf32, #tpu.memory_space<hbm>>
    tpu.enqueue_dma source(%dma_start3A_166 : memref<8192xf32, #tpu.memory_space<hbm>>) target(%arg11 : memref<8192xf32, #tpu.memory_space<vmem>>) target_semaphore(%arg26 : memref<!tpu.dma_semaphore, #tpu.memory_space<semaphore_mem>>)
    %dma_wait3A_167 = tpu.memref_slice %arg3[%mul3A_84] : memref<2097152xf32, #tpu.memory_space<hbm>> -> memref<8192xf32, #tpu.memory_space<hbm>>
    %dma_wait3A_168 = tpu.memref_slice %arg3[%mul3A_84] : memref<2097152xf32, #tpu.memory_space<hbm>> -> memref<8192xf32, #tpu.memory_space<hbm>>
    tpu.wait_dma2 semaphore(%arg22 : memref<!tpu.dma_semaphore, #tpu.memory_space<semaphore_mem>>) src(%dma_wait3A_168 : memref<8192xf32, #tpu.memory_space<hbm>>) dst(%arg7 : memref<8192xf32, #tpu.memory_space<vmem>>)
    %dma_wait3A_169 = tpu.memref_slice %arg2[%add3A_88] : memref<8388608xf32, #tpu.memory_space<hbm>> -> memref<8192xf32, #tpu.memory_space<hbm>>
    %dma_wait3A_170 = tpu.memref_slice %arg2[%add3A_88] : memref<8388608xf32, #tpu.memory_space<hbm>> -> memref<8192xf32, #tpu.memory_space<hbm>>
    tpu.wait_dma2 semaphore(%arg31 : memref<!tpu.dma_semaphore, #tpu.memory_space<semaphore_mem>>) src(%dma_wait3A_170 : memref<8192xf32, #tpu.memory_space<hbm>>) dst(%arg16 : memref<8192xf32, #tpu.memory_space<vmem>>)
    %dma_wait3A_171 = tpu.memref_slice %arg2[%add3A_92] : memref<8388608xf32, #tpu.memory_space<hbm>> -> memref<8192xf32, #tpu.memory_space<hbm>>
    %dma_wait3A_172 = tpu.memref_slice %arg2[%add3A_92] : memref<8388608xf32, #tpu.memory_space<hbm>> -> memref<8192xf32, #tpu.memory_space<hbm>>
    tpu.wait_dma2 semaphore(%arg32 : memref<!tpu.dma_semaphore, #tpu.memory_space<semaphore_mem>>) src(%dma_wait3A_172 : memref<8192xf32, #tpu.memory_space<hbm>>) dst(%arg17 : memref<8192xf32, #tpu.memory_space<vmem>>)
    %dma_wait3A_173 = tpu.memref_slice %arg2[%add3A_96] : memref<8388608xf32, #tpu.memory_space<hbm>> -> memref<8192xf32, #tpu.memory_space<hbm>>
    %dma_wait3A_174 = tpu.memref_slice %arg2[%add3A_96] : memref<8388608xf32, #tpu.memory_space<hbm>> -> memref<8192xf32, #tpu.memory_space<hbm>>
    tpu.wait_dma2 semaphore(%arg33 : memref<!tpu.dma_semaphore, #tpu.memory_space<semaphore_mem>>) src(%dma_wait3A_174 : memref<8192xf32, #tpu.memory_space<hbm>>) dst(%arg18 : memref<8192xf32, #tpu.memory_space<vmem>>)
    %dma_wait3A_175 = tpu.memref_slice %arg2[%add3A_100] : memref<8388608xf32, #tpu.memory_space<hbm>> -> memref<8192xf32, #tpu.memory_space<hbm>>
    %dma_wait3A_176 = tpu.memref_slice %arg2[%add3A_100] : memref<8388608xf32, #tpu.memory_space<hbm>> -> memref<8192xf32, #tpu.memory_space<hbm>>
    tpu.wait_dma2 semaphore(%arg34 : memref<!tpu.dma_semaphore, #tpu.memory_space<semaphore_mem>>) src(%dma_wait3A_176 : memref<8192xf32, #tpu.memory_space<hbm>>) dst(%arg19 : memref<8192xf32, #tpu.memory_space<vmem>>)
    %mul3A_177 = arith.constant 64 : i32
    %mul3A_178 = arith.muli %add3A, %mul3A_177 : i32
    %add3A_179 = arith.constant 16 : i32
    %add3A_180 = arith.addi %mul3A_178, %add3A_179 : i32
    %mul3A_181 = arith.constant 1024 : i32
    %mul3A_182 = arith.muli %add3A_180, %mul3A_181 : i32
    %add3A_183 = arith.constant 0 : i32
    %add3A_184 = arith.addi %add3A_183, %mul3A_182 : i32
    %dma_start3A_185 = tpu.memref_slice %arg4[%add3A_184] : memref<8388608xf32, #tpu.memory_space<hbm>> -> memref<8192xf32, #tpu.memory_space<hbm>>
    %dma_start3A_186 = tpu.memref_slice %arg4[%add3A_184] : memref<8388608xf32, #tpu.memory_space<hbm>> -> memref<8192xf32, #tpu.memory_space<hbm>>
    tpu.enqueue_dma source(%arg16 : memref<8192xf32, #tpu.memory_space<vmem>>) target(%dma_start3A_186 : memref<8192xf32, #tpu.memory_space<hbm>>) target_semaphore(%arg43 : memref<!tpu.dma_semaphore, #tpu.memory_space<semaphore_mem>>)
    %add3A_187 = arith.constant 2097152 : i32
    %add3A_188 = arith.addi %add3A_187, %mul3A_182 : i32
    %dma_start3A_189 = tpu.memref_slice %arg4[%add3A_188] : memref<8388608xf32, #tpu.memory_space<hbm>> -> memref<8192xf32, #tpu.memory_space<hbm>>
    %dma_start3A_190 = tpu.memref_slice %arg4[%add3A_188] : memref<8388608xf32, #tpu.memory_space<hbm>> -> memref<8192xf32, #tpu.memory_space<hbm>>
    tpu.enqueue_dma source(%arg17 : memref<8192xf32, #tpu.memory_space<vmem>>) target(%dma_start3A_190 : memref<8192xf32, #tpu.memory_space<hbm>>) target_semaphore(%arg44 : memref<!tpu.dma_semaphore, #tpu.memory_space<semaphore_mem>>)
    %add3A_191 = arith.constant 4194304 : i32
    %add3A_192 = arith.addi %add3A_191, %mul3A_182 : i32
    %dma_start3A_193 = tpu.memref_slice %arg4[%add3A_192] : memref<8388608xf32, #tpu.memory_space<hbm>> -> memref<8192xf32, #tpu.memory_space<hbm>>
    %dma_start3A_194 = tpu.memref_slice %arg4[%add3A_192] : memref<8388608xf32, #tpu.memory_space<hbm>> -> memref<8192xf32, #tpu.memory_space<hbm>>
    tpu.enqueue_dma source(%arg18 : memref<8192xf32, #tpu.memory_space<vmem>>) target(%dma_start3A_194 : memref<8192xf32, #tpu.memory_space<hbm>>) target_semaphore(%arg45 : memref<!tpu.dma_semaphore, #tpu.memory_space<semaphore_mem>>)
    %add3A_195 = arith.constant 6291456 : i32
    %add3A_196 = arith.addi %add3A_195, %mul3A_182 : i32
    %dma_start3A_197 = tpu.memref_slice %arg4[%add3A_196] : memref<8388608xf32, #tpu.memory_space<hbm>> -> memref<8192xf32, #tpu.memory_space<hbm>>
    %dma_start3A_198 = tpu.memref_slice %arg4[%add3A_196] : memref<8388608xf32, #tpu.memory_space<hbm>> -> memref<8192xf32, #tpu.memory_space<hbm>>
    tpu.enqueue_dma source(%arg19 : memref<8192xf32, #tpu.memory_space<vmem>>) target(%dma_start3A_198 : memref<8192xf32, #tpu.memory_space<hbm>>) target_semaphore(%arg46 : memref<!tpu.dma_semaphore, #tpu.memory_space<semaphore_mem>>)
    %dma_wait3A_199 = tpu.memref_slice %arg4[%add3A_120] : memref<8388608xf32, #tpu.memory_space<hbm>> -> memref<8192xf32, #tpu.memory_space<hbm>>
    %dma_wait3A_200 = tpu.memref_slice %arg4[%add3A_120] : memref<8388608xf32, #tpu.memory_space<hbm>> -> memref<8192xf32, #tpu.memory_space<hbm>>
    tpu.wait_dma2 semaphore(%arg39 : memref<!tpu.dma_semaphore, #tpu.memory_space<semaphore_mem>>) src(%arg12 : memref<8192xf32, #tpu.memory_space<vmem>>) dst(%dma_wait3A_200 : memref<8192xf32, #tpu.memory_space<hbm>>)
    %dma_wait3A_201 = tpu.memref_slice %arg4[%add3A_124] : memref<8388608xf32, #tpu.memory_space<hbm>> -> memref<8192xf32, #tpu.memory_space<hbm>>
    %dma_wait3A_202 = tpu.memref_slice %arg4[%add3A_124] : memref<8388608xf32, #tpu.memory_space<hbm>> -> memref<8192xf32, #tpu.memory_space<hbm>>
    tpu.wait_dma2 semaphore(%arg40 : memref<!tpu.dma_semaphore, #tpu.memory_space<semaphore_mem>>) src(%arg13 : memref<8192xf32, #tpu.memory_space<vmem>>) dst(%dma_wait3A_202 : memref<8192xf32, #tpu.memory_space<hbm>>)
    %dma_wait3A_203 = tpu.memref_slice %arg4[%add3A_128] : memref<8388608xf32, #tpu.memory_space<hbm>> -> memref<8192xf32, #tpu.memory_space<hbm>>
    %dma_wait3A_204 = tpu.memref_slice %arg4[%add3A_128] : memref<8388608xf32, #tpu.memory_space<hbm>> -> memref<8192xf32, #tpu.memory_space<hbm>>
    tpu.wait_dma2 semaphore(%arg41 : memref<!tpu.dma_semaphore, #tpu.memory_space<semaphore_mem>>) src(%arg14 : memref<8192xf32, #tpu.memory_space<vmem>>) dst(%dma_wait3A_204 : memref<8192xf32, #tpu.memory_space<hbm>>)
    %dma_wait3A_205 = tpu.memref_slice %arg4[%add3A_132] : memref<8388608xf32, #tpu.memory_space<hbm>> -> memref<8192xf32, #tpu.memory_space<hbm>>
    %dma_wait3A_206 = tpu.memref_slice %arg4[%add3A_132] : memref<8388608xf32, #tpu.memory_space<hbm>> -> memref<8192xf32, #tpu.memory_space<hbm>>
    tpu.wait_dma2 semaphore(%arg42 : memref<!tpu.dma_semaphore, #tpu.memory_space<semaphore_mem>>) src(%arg15 : memref<8192xf32, #tpu.memory_space<vmem>>) dst(%dma_wait3A_206 : memref<8192xf32, #tpu.memory_space<hbm>>)
    %mul3A_207 = arith.constant 64 : i32
    %mul3A_208 = arith.muli %add3A, %mul3A_207 : i32
    %add3A_209 = arith.constant 32 : i32
    %add3A_210 = arith.addi %mul3A_208, %add3A_209 : i32
    %mul3A_211 = arith.constant 1024 : i32
    %mul3A_212 = arith.muli %add3A_210, %mul3A_211 : i32
    %dma_start3A_213 = tpu.memref_slice %arg3[%mul3A_212] : memref<2097152xf32, #tpu.memory_space<hbm>> -> memref<8192xf32, #tpu.memory_space<hbm>>
    %dma_start3A_214 = tpu.memref_slice %arg3[%mul3A_212] : memref<2097152xf32, #tpu.memory_space<hbm>> -> memref<8192xf32, #tpu.memory_space<hbm>>
    tpu.enqueue_dma source(%dma_start3A_214 : memref<8192xf32, #tpu.memory_space<hbm>>) target(%arg6 : memref<8192xf32, #tpu.memory_space<vmem>>) target_semaphore(%arg21 : memref<!tpu.dma_semaphore, #tpu.memory_space<semaphore_mem>>)
    %add3A_215 = arith.constant 0 : i32
    %add3A_216 = arith.addi %add3A_215, %mul3A_212 : i32
    %dma_start3A_217 = tpu.memref_slice %arg2[%add3A_216] : memref<8388608xf32, #tpu.memory_space<hbm>> -> memref<8192xf32, #tpu.memory_space<hbm>>
    %dma_start3A_218 = tpu.memref_slice %arg2[%add3A_216] : memref<8388608xf32, #tpu.memory_space<hbm>> -> memref<8192xf32, #tpu.memory_space<hbm>>
    tpu.enqueue_dma source(%dma_start3A_218 : memref<8192xf32, #tpu.memory_space<hbm>>) target(%arg12 : memref<8192xf32, #tpu.memory_space<vmem>>) target_semaphore(%arg27 : memref<!tpu.dma_semaphore, #tpu.memory_space<semaphore_mem>>)
    %add3A_219 = arith.constant 2097152 : i32
    %add3A_220 = arith.addi %add3A_219, %mul3A_212 : i32
    %dma_start3A_221 = tpu.memref_slice %arg2[%add3A_220] : memref<8388608xf32, #tpu.memory_space<hbm>> -> memref<8192xf32, #tpu.memory_space<hbm>>
    %dma_start3A_222 = tpu.memref_slice %arg2[%add3A_220] : memref<8388608xf32, #tpu.memory_space<hbm>> -> memref<8192xf32, #tpu.memory_space<hbm>>
    tpu.enqueue_dma source(%dma_start3A_222 : memref<8192xf32, #tpu.memory_space<hbm>>) target(%arg13 : memref<8192xf32, #tpu.memory_space<vmem>>) target_semaphore(%arg28 : memref<!tpu.dma_semaphore, #tpu.memory_space<semaphore_mem>>)
    %add3A_223 = arith.constant 4194304 : i32
    %add3A_224 = arith.addi %add3A_223, %mul3A_212 : i32
    %dma_start3A_225 = tpu.memref_slice %arg2[%add3A_224] : memref<8388608xf32, #tpu.memory_space<hbm>> -> memref<8192xf32, #tpu.memory_space<hbm>>
    %dma_start3A_226 = tpu.memref_slice %arg2[%add3A_224] : memref<8388608xf32, #tpu.memory_space<hbm>> -> memref<8192xf32, #tpu.memory_space<hbm>>
    tpu.enqueue_dma source(%dma_start3A_226 : memref<8192xf32, #tpu.memory_space<hbm>>) target(%arg14 : memref<8192xf32, #tpu.memory_space<vmem>>) target_semaphore(%arg29 : memref<!tpu.dma_semaphore, #tpu.memory_space<semaphore_mem>>)
    %add3A_227 = arith.constant 6291456 : i32
    %add3A_228 = arith.addi %add3A_227, %mul3A_212 : i32
    %dma_start3A_229 = tpu.memref_slice %arg2[%add3A_228] : memref<8388608xf32, #tpu.memory_space<hbm>> -> memref<8192xf32, #tpu.memory_space<hbm>>
    %dma_start3A_230 = tpu.memref_slice %arg2[%add3A_228] : memref<8388608xf32, #tpu.memory_space<hbm>> -> memref<8192xf32, #tpu.memory_space<hbm>>
    tpu.enqueue_dma source(%dma_start3A_230 : memref<8192xf32, #tpu.memory_space<hbm>>) target(%arg15 : memref<8192xf32, #tpu.memory_space<vmem>>) target_semaphore(%arg30 : memref<!tpu.dma_semaphore, #tpu.memory_space<semaphore_mem>>)
    %dma_wait3A_231 = tpu.memref_slice %arg3[%mul3A_148] : memref<2097152xf32, #tpu.memory_space<hbm>> -> memref<8192xf32, #tpu.memory_space<hbm>>
    %dma_wait3A_232 = tpu.memref_slice %arg3[%mul3A_148] : memref<2097152xf32, #tpu.memory_space<hbm>> -> memref<8192xf32, #tpu.memory_space<hbm>>
    tpu.wait_dma2 semaphore(%arg20 : memref<!tpu.dma_semaphore, #tpu.memory_space<semaphore_mem>>) src(%dma_wait3A_232 : memref<8192xf32, #tpu.memory_space<hbm>>) dst(%arg5 : memref<8192xf32, #tpu.memory_space<vmem>>)
    %dma_wait3A_233 = tpu.memref_slice %arg2[%add3A_152] : memref<8388608xf32, #tpu.memory_space<hbm>> -> memref<8192xf32, #tpu.memory_space<hbm>>
    %dma_wait3A_234 = tpu.memref_slice %arg2[%add3A_152] : memref<8388608xf32, #tpu.memory_space<hbm>> -> memref<8192xf32, #tpu.memory_space<hbm>>
    tpu.wait_dma2 semaphore(%arg23 : memref<!tpu.dma_semaphore, #tpu.memory_space<semaphore_mem>>) src(%dma_wait3A_234 : memref<8192xf32, #tpu.memory_space<hbm>>) dst(%arg8 : memref<8192xf32, #tpu.memory_space<vmem>>)
    %dma_wait3A_235 = tpu.memref_slice %arg2[%add3A_156] : memref<8388608xf32, #tpu.memory_space<hbm>> -> memref<8192xf32, #tpu.memory_space<hbm>>
    %dma_wait3A_236 = tpu.memref_slice %arg2[%add3A_156] : memref<8388608xf32, #tpu.memory_space<hbm>> -> memref<8192xf32, #tpu.memory_space<hbm>>
    tpu.wait_dma2 semaphore(%arg24 : memref<!tpu.dma_semaphore, #tpu.memory_space<semaphore_mem>>) src(%dma_wait3A_236 : memref<8192xf32, #tpu.memory_space<hbm>>) dst(%arg9 : memref<8192xf32, #tpu.memory_space<vmem>>)
    %dma_wait3A_237 = tpu.memref_slice %arg2[%add3A_160] : memref<8388608xf32, #tpu.memory_space<hbm>> -> memref<8192xf32, #tpu.memory_space<hbm>>
    %dma_wait3A_238 = tpu.memref_slice %arg2[%add3A_160] : memref<8388608xf32, #tpu.memory_space<hbm>> -> memref<8192xf32, #tpu.memory_space<hbm>>
    tpu.wait_dma2 semaphore(%arg25 : memref<!tpu.dma_semaphore, #tpu.memory_space<semaphore_mem>>) src(%dma_wait3A_238 : memref<8192xf32, #tpu.memory_space<hbm>>) dst(%arg10 : memref<8192xf32, #tpu.memory_space<vmem>>)
    %dma_wait3A_239 = tpu.memref_slice %arg2[%add3A_164] : memref<8388608xf32, #tpu.memory_space<hbm>> -> memref<8192xf32, #tpu.memory_space<hbm>>
    %dma_wait3A_240 = tpu.memref_slice %arg2[%add3A_164] : memref<8388608xf32, #tpu.memory_space<hbm>> -> memref<8192xf32, #tpu.memory_space<hbm>>
    tpu.wait_dma2 semaphore(%arg26 : memref<!tpu.dma_semaphore, #tpu.memory_space<semaphore_mem>>) src(%dma_wait3A_240 : memref<8192xf32, #tpu.memory_space<hbm>>) dst(%arg11 : memref<8192xf32, #tpu.memory_space<vmem>>)
    %mul3A_241 = arith.constant 64 : i32
    %mul3A_242 = arith.muli %add3A, %mul3A_241 : i32
    %add3A_243 = arith.constant 24 : i32
    %add3A_244 = arith.addi %mul3A_242, %add3A_243 : i32
    %mul3A_245 = arith.constant 1024 : i32
    %mul3A_246 = arith.muli %add3A_244, %mul3A_245 : i32
    %add3A_247 = arith.constant 0 : i32
    %add3A_248 = arith.addi %add3A_247, %mul3A_246 : i32
    %dma_start3A_249 = tpu.memref_slice %arg4[%add3A_248] : memref<8388608xf32, #tpu.memory_space<hbm>> -> memref<8192xf32, #tpu.memory_space<hbm>>
    %dma_start3A_250 = tpu.memref_slice %arg4[%add3A_248] : memref<8388608xf32, #tpu.memory_space<hbm>> -> memref<8192xf32, #tpu.memory_space<hbm>>
    tpu.enqueue_dma source(%arg8 : memref<8192xf32, #tpu.memory_space<vmem>>) target(%dma_start3A_250 : memref<8192xf32, #tpu.memory_space<hbm>>) target_semaphore(%arg35 : memref<!tpu.dma_semaphore, #tpu.memory_space<semaphore_mem>>)
    %add3A_251 = arith.constant 2097152 : i32
    %add3A_252 = arith.addi %add3A_251, %mul3A_246 : i32
    %dma_start3A_253 = tpu.memref_slice %arg4[%add3A_252] : memref<8388608xf32, #tpu.memory_space<hbm>> -> memref<8192xf32, #tpu.memory_space<hbm>>
    %dma_start3A_254 = tpu.memref_slice %arg4[%add3A_252] : memref<8388608xf32, #tpu.memory_space<hbm>> -> memref<8192xf32, #tpu.memory_space<hbm>>
    tpu.enqueue_dma source(%arg9 : memref<8192xf32, #tpu.memory_space<vmem>>) target(%dma_start3A_254 : memref<8192xf32, #tpu.memory_space<hbm>>) target_semaphore(%arg36 : memref<!tpu.dma_semaphore, #tpu.memory_space<semaphore_mem>>)
    %add3A_255 = arith.constant 4194304 : i32
    %add3A_256 = arith.addi %add3A_255, %mul3A_246 : i32
    %dma_start3A_257 = tpu.memref_slice %arg4[%add3A_256] : memref<8388608xf32, #tpu.memory_space<hbm>> -> memref<8192xf32, #tpu.memory_space<hbm>>
    %dma_start3A_258 = tpu.memref_slice %arg4[%add3A_256] : memref<8388608xf32, #tpu.memory_space<hbm>> -> memref<8192xf32, #tpu.memory_space<hbm>>
    tpu.enqueue_dma source(%arg10 : memref<8192xf32, #tpu.memory_space<vmem>>) target(%dma_start3A_258 : memref<8192xf32, #tpu.memory_space<hbm>>) target_semaphore(%arg37 : memref<!tpu.dma_semaphore, #tpu.memory_space<semaphore_mem>>)
    %add3A_259 = arith.constant 6291456 : i32
    %add3A_260 = arith.addi %add3A_259, %mul3A_246 : i32
    %dma_start3A_261 = tpu.memref_slice %arg4[%add3A_260] : memref<8388608xf32, #tpu.memory_space<hbm>> -> memref<8192xf32, #tpu.memory_space<hbm>>
    %dma_start3A_262 = tpu.memref_slice %arg4[%add3A_260] : memref<8388608xf32, #tpu.memory_space<hbm>> -> memref<8192xf32, #tpu.memory_space<hbm>>
    tpu.enqueue_dma source(%arg11 : memref<8192xf32, #tpu.memory_space<vmem>>) target(%dma_start3A_262 : memref<8192xf32, #tpu.memory_space<hbm>>) target_semaphore(%arg38 : memref<!tpu.dma_semaphore, #tpu.memory_space<semaphore_mem>>)
    %dma_wait3A_263 = tpu.memref_slice %arg4[%add3A_184] : memref<8388608xf32, #tpu.memory_space<hbm>> -> memref<8192xf32, #tpu.memory_space<hbm>>
    %dma_wait3A_264 = tpu.memref_slice %arg4[%add3A_184] : memref<8388608xf32, #tpu.memory_space<hbm>> -> memref<8192xf32, #tpu.memory_space<hbm>>
    tpu.wait_dma2 semaphore(%arg43 : memref<!tpu.dma_semaphore, #tpu.memory_space<semaphore_mem>>) src(%arg16 : memref<8192xf32, #tpu.memory_space<vmem>>) dst(%dma_wait3A_264 : memref<8192xf32, #tpu.memory_space<hbm>>)
    %dma_wait3A_265 = tpu.memref_slice %arg4[%add3A_188] : memref<8388608xf32, #tpu.memory_space<hbm>> -> memref<8192xf32, #tpu.memory_space<hbm>>
    %dma_wait3A_266 = tpu.memref_slice %arg4[%add3A_188] : memref<8388608xf32, #tpu.memory_space<hbm>> -> memref<8192xf32, #tpu.memory_space<hbm>>
    tpu.wait_dma2 semaphore(%arg44 : memref<!tpu.dma_semaphore, #tpu.memory_space<semaphore_mem>>) src(%arg17 : memref<8192xf32, #tpu.memory_space<vmem>>) dst(%dma_wait3A_266 : memref<8192xf32, #tpu.memory_space<hbm>>)
    %dma_wait3A_267 = tpu.memref_slice %arg4[%add3A_192] : memref<8388608xf32, #tpu.memory_space<hbm>> -> memref<8192xf32, #tpu.memory_space<hbm>>
    %dma_wait3A_268 = tpu.memref_slice %arg4[%add3A_192] : memref<8388608xf32, #tpu.memory_space<hbm>> -> memref<8192xf32, #tpu.memory_space<hbm>>
    tpu.wait_dma2 semaphore(%arg45 : memref<!tpu.dma_semaphore, #tpu.memory_space<semaphore_mem>>) src(%arg18 : memref<8192xf32, #tpu.memory_space<vmem>>) dst(%dma_wait3A_268 : memref<8192xf32, #tpu.memory_space<hbm>>)
    %dma_wait3A_269 = tpu.memref_slice %arg4[%add3A_196] : memref<8388608xf32, #tpu.memory_space<hbm>> -> memref<8192xf32, #tpu.memory_space<hbm>>
    %dma_wait3A_270 = tpu.memref_slice %arg4[%add3A_196] : memref<8388608xf32, #tpu.memory_space<hbm>> -> memref<8192xf32, #tpu.memory_space<hbm>>
    tpu.wait_dma2 semaphore(%arg46 : memref<!tpu.dma_semaphore, #tpu.memory_space<semaphore_mem>>) src(%arg19 : memref<8192xf32, #tpu.memory_space<vmem>>) dst(%dma_wait3A_270 : memref<8192xf32, #tpu.memory_space<hbm>>)
    %mul3A_271 = arith.constant 64 : i32
    %mul3A_272 = arith.muli %add3A, %mul3A_271 : i32
    %add3A_273 = arith.constant 40 : i32
    %add3A_274 = arith.addi %mul3A_272, %add3A_273 : i32
    %mul3A_275 = arith.constant 1024 : i32
    %mul3A_276 = arith.muli %add3A_274, %mul3A_275 : i32
    %dma_start3A_277 = tpu.memref_slice %arg3[%mul3A_276] : memref<2097152xf32, #tpu.memory_space<hbm>> -> memref<8192xf32, #tpu.memory_space<hbm>>
    %dma_start3A_278 = tpu.memref_slice %arg3[%mul3A_276] : memref<2097152xf32, #tpu.memory_space<hbm>> -> memref<8192xf32, #tpu.memory_space<hbm>>
    tpu.enqueue_dma source(%dma_start3A_278 : memref<8192xf32, #tpu.memory_space<hbm>>) target(%arg7 : memref<8192xf32, #tpu.memory_space<vmem>>) target_semaphore(%arg22 : memref<!tpu.dma_semaphore, #tpu.memory_space<semaphore_mem>>)
    %add3A_279 = arith.constant 0 : i32
    %add3A_280 = arith.addi %add3A_279, %mul3A_276 : i32
    %dma_start3A_281 = tpu.memref_slice %arg2[%add3A_280] : memref<8388608xf32, #tpu.memory_space<hbm>> -> memref<8192xf32, #tpu.memory_space<hbm>>
    %dma_start3A_282 = tpu.memref_slice %arg2[%add3A_280] : memref<8388608xf32, #tpu.memory_space<hbm>> -> memref<8192xf32, #tpu.memory_space<hbm>>
    tpu.enqueue_dma source(%dma_start3A_282 : memref<8192xf32, #tpu.memory_space<hbm>>) target(%arg16 : memref<8192xf32, #tpu.memory_space<vmem>>) target_semaphore(%arg31 : memref<!tpu.dma_semaphore, #tpu.memory_space<semaphore_mem>>)
    %add3A_283 = arith.constant 2097152 : i32
    %add3A_284 = arith.addi %add3A_283, %mul3A_276 : i32
    %dma_start3A_285 = tpu.memref_slice %arg2[%add3A_284] : memref<8388608xf32, #tpu.memory_space<hbm>> -> memref<8192xf32, #tpu.memory_space<hbm>>
    %dma_start3A_286 = tpu.memref_slice %arg2[%add3A_284] : memref<8388608xf32, #tpu.memory_space<hbm>> -> memref<8192xf32, #tpu.memory_space<hbm>>
    tpu.enqueue_dma source(%dma_start3A_286 : memref<8192xf32, #tpu.memory_space<hbm>>) target(%arg17 : memref<8192xf32, #tpu.memory_space<vmem>>) target_semaphore(%arg32 : memref<!tpu.dma_semaphore, #tpu.memory_space<semaphore_mem>>)
    %add3A_287 = arith.constant 4194304 : i32
    %add3A_288 = arith.addi %add3A_287, %mul3A_276 : i32
    %dma_start3A_289 = tpu.memref_slice %arg2[%add3A_288] : memref<8388608xf32, #tpu.memory_space<hbm>> -> memref<8192xf32, #tpu.memory_space<hbm>>
    %dma_start3A_290 = tpu.memref_slice %arg2[%add3A_288] : memref<8388608xf32, #tpu.memory_space<hbm>> -> memref<8192xf32, #tpu.memory_space<hbm>>
    tpu.enqueue_dma source(%dma_start3A_290 : memref<8192xf32, #tpu.memory_space<hbm>>) target(%arg18 : memref<8192xf32, #tpu.memory_space<vmem>>) target_semaphore(%arg33 : memref<!tpu.dma_semaphore, #tpu.memory_space<semaphore_mem>>)
    %add3A_291 = arith.constant 6291456 : i32
    %add3A_292 = arith.addi %add3A_291, %mul3A_276 : i32
    %dma_start3A_293 = tpu.memref_slice %arg2[%add3A_292] : memref<8388608xf32, #tpu.memory_space<hbm>> -> memref<8192xf32, #tpu.memory_space<hbm>>
    %dma_start3A_294 = tpu.memref_slice %arg2[%add3A_292] : memref<8388608xf32, #tpu.memory_space<hbm>> -> memref<8192xf32, #tpu.memory_space<hbm>>
    tpu.enqueue_dma source(%dma_start3A_294 : memref<8192xf32, #tpu.memory_space<hbm>>) target(%arg19 : memref<8192xf32, #tpu.memory_space<vmem>>) target_semaphore(%arg34 : memref<!tpu.dma_semaphore, #tpu.memory_space<semaphore_mem>>)
    %dma_wait3A_295 = tpu.memref_slice %arg3[%mul3A_212] : memref<2097152xf32, #tpu.memory_space<hbm>> -> memref<8192xf32, #tpu.memory_space<hbm>>
    %dma_wait3A_296 = tpu.memref_slice %arg3[%mul3A_212] : memref<2097152xf32, #tpu.memory_space<hbm>> -> memref<8192xf32, #tpu.memory_space<hbm>>
    tpu.wait_dma2 semaphore(%arg21 : memref<!tpu.dma_semaphore, #tpu.memory_space<semaphore_mem>>) src(%dma_wait3A_296 : memref<8192xf32, #tpu.memory_space<hbm>>) dst(%arg6 : memref<8192xf32, #tpu.memory_space<vmem>>)
    %dma_wait3A_297 = tpu.memref_slice %arg2[%add3A_216] : memref<8388608xf32, #tpu.memory_space<hbm>> -> memref<8192xf32, #tpu.memory_space<hbm>>
    %dma_wait3A_298 = tpu.memref_slice %arg2[%add3A_216] : memref<8388608xf32, #tpu.memory_space<hbm>> -> memref<8192xf32, #tpu.memory_space<hbm>>
    tpu.wait_dma2 semaphore(%arg27 : memref<!tpu.dma_semaphore, #tpu.memory_space<semaphore_mem>>) src(%dma_wait3A_298 : memref<8192xf32, #tpu.memory_space<hbm>>) dst(%arg12 : memref<8192xf32, #tpu.memory_space<vmem>>)
    %dma_wait3A_299 = tpu.memref_slice %arg2[%add3A_220] : memref<8388608xf32, #tpu.memory_space<hbm>> -> memref<8192xf32, #tpu.memory_space<hbm>>
    %dma_wait3A_300 = tpu.memref_slice %arg2[%add3A_220] : memref<8388608xf32, #tpu.memory_space<hbm>> -> memref<8192xf32, #tpu.memory_space<hbm>>
    tpu.wait_dma2 semaphore(%arg28 : memref<!tpu.dma_semaphore, #tpu.memory_space<semaphore_mem>>) src(%dma_wait3A_300 : memref<8192xf32, #tpu.memory_space<hbm>>) dst(%arg13 : memref<8192xf32, #tpu.memory_space<vmem>>)
    %dma_wait3A_301 = tpu.memref_slice %arg2[%add3A_224] : memref<8388608xf32, #tpu.memory_space<hbm>> -> memref<8192xf32, #tpu.memory_space<hbm>>
    %dma_wait3A_302 = tpu.memref_slice %arg2[%add3A_224] : memref<8388608xf32, #tpu.memory_space<hbm>> -> memref<8192xf32, #tpu.memory_space<hbm>>
    tpu.wait_dma2 semaphore(%arg29 : memref<!tpu.dma_semaphore, #tpu.memory_space<semaphore_mem>>) src(%dma_wait3A_302 : memref<8192xf32, #tpu.memory_space<hbm>>) dst(%arg14 : memref<8192xf32, #tpu.memory_space<vmem>>)
    %dma_wait3A_303 = tpu.memref_slice %arg2[%add3A_228] : memref<8388608xf32, #tpu.memory_space<hbm>> -> memref<8192xf32, #tpu.memory_space<hbm>>
    %dma_wait3A_304 = tpu.memref_slice %arg2[%add3A_228] : memref<8388608xf32, #tpu.memory_space<hbm>> -> memref<8192xf32, #tpu.memory_space<hbm>>
    tpu.wait_dma2 semaphore(%arg30 : memref<!tpu.dma_semaphore, #tpu.memory_space<semaphore_mem>>) src(%dma_wait3A_304 : memref<8192xf32, #tpu.memory_space<hbm>>) dst(%arg15 : memref<8192xf32, #tpu.memory_space<vmem>>)
    %mul3A_305 = arith.constant 64 : i32
    %mul3A_306 = arith.muli %add3A, %mul3A_305 : i32
    %add3A_307 = arith.constant 32 : i32
    %add3A_308 = arith.addi %mul3A_306, %add3A_307 : i32
    %mul3A_309 = arith.constant 1024 : i32
    %mul3A_310 = arith.muli %add3A_308, %mul3A_309 : i32
    %add3A_311 = arith.constant 0 : i32
    %add3A_312 = arith.addi %add3A_311, %mul3A_310 : i32
    %dma_start3A_313 = tpu.memref_slice %arg4[%add3A_312] : memref<8388608xf32, #tpu.memory_space<hbm>> -> memref<8192xf32, #tpu.memory_space<hbm>>
    %dma_start3A_314 = tpu.memref_slice %arg4[%add3A_312] : memref<8388608xf32, #tpu.memory_space<hbm>> -> memref<8192xf32, #tpu.memory_space<hbm>>
    tpu.enqueue_dma source(%arg12 : memref<8192xf32, #tpu.memory_space<vmem>>) target(%dma_start3A_314 : memref<8192xf32, #tpu.memory_space<hbm>>) target_semaphore(%arg39 : memref<!tpu.dma_semaphore, #tpu.memory_space<semaphore_mem>>)
    %add3A_315 = arith.constant 2097152 : i32
    %add3A_316 = arith.addi %add3A_315, %mul3A_310 : i32
    %dma_start3A_317 = tpu.memref_slice %arg4[%add3A_316] : memref<8388608xf32, #tpu.memory_space<hbm>> -> memref<8192xf32, #tpu.memory_space<hbm>>
    %dma_start3A_318 = tpu.memref_slice %arg4[%add3A_316] : memref<8388608xf32, #tpu.memory_space<hbm>> -> memref<8192xf32, #tpu.memory_space<hbm>>
    tpu.enqueue_dma source(%arg13 : memref<8192xf32, #tpu.memory_space<vmem>>) target(%dma_start3A_318 : memref<8192xf32, #tpu.memory_space<hbm>>) target_semaphore(%arg40 : memref<!tpu.dma_semaphore, #tpu.memory_space<semaphore_mem>>)
    %add3A_319 = arith.constant 4194304 : i32
    %add3A_320 = arith.addi %add3A_319, %mul3A_310 : i32
    %dma_start3A_321 = tpu.memref_slice %arg4[%add3A_320] : memref<8388608xf32, #tpu.memory_space<hbm>> -> memref<8192xf32, #tpu.memory_space<hbm>>
    %dma_start3A_322 = tpu.memref_slice %arg4[%add3A_320] : memref<8388608xf32, #tpu.memory_space<hbm>> -> memref<8192xf32, #tpu.memory_space<hbm>>
    tpu.enqueue_dma source(%arg14 : memref<8192xf32, #tpu.memory_space<vmem>>) target(%dma_start3A_322 : memref<8192xf32, #tpu.memory_space<hbm>>) target_semaphore(%arg41 : memref<!tpu.dma_semaphore, #tpu.memory_space<semaphore_mem>>)
    %add3A_323 = arith.constant 6291456 : i32
    %add3A_324 = arith.addi %add3A_323, %mul3A_310 : i32
    %dma_start3A_325 = tpu.memref_slice %arg4[%add3A_324] : memref<8388608xf32, #tpu.memory_space<hbm>> -> memref<8192xf32, #tpu.memory_space<hbm>>
    %dma_start3A_326 = tpu.memref_slice %arg4[%add3A_324] : memref<8388608xf32, #tpu.memory_space<hbm>> -> memref<8192xf32, #tpu.memory_space<hbm>>
    tpu.enqueue_dma source(%arg15 : memref<8192xf32, #tpu.memory_space<vmem>>) target(%dma_start3A_326 : memref<8192xf32, #tpu.memory_space<hbm>>) target_semaphore(%arg42 : memref<!tpu.dma_semaphore, #tpu.memory_space<semaphore_mem>>)
    %dma_wait3A_327 = tpu.memref_slice %arg4[%add3A_248] : memref<8388608xf32, #tpu.memory_space<hbm>> -> memref<8192xf32, #tpu.memory_space<hbm>>
    %dma_wait3A_328 = tpu.memref_slice %arg4[%add3A_248] : memref<8388608xf32, #tpu.memory_space<hbm>> -> memref<8192xf32, #tpu.memory_space<hbm>>
    tpu.wait_dma2 semaphore(%arg35 : memref<!tpu.dma_semaphore, #tpu.memory_space<semaphore_mem>>) src(%arg8 : memref<8192xf32, #tpu.memory_space<vmem>>) dst(%dma_wait3A_328 : memref<8192xf32, #tpu.memory_space<hbm>>)
    %dma_wait3A_329 = tpu.memref_slice %arg4[%add3A_252] : memref<8388608xf32, #tpu.memory_space<hbm>> -> memref<8192xf32, #tpu.memory_space<hbm>>
    %dma_wait3A_330 = tpu.memref_slice %arg4[%add3A_252] : memref<8388608xf32, #tpu.memory_space<hbm>> -> memref<8192xf32, #tpu.memory_space<hbm>>
    tpu.wait_dma2 semaphore(%arg36 : memref<!tpu.dma_semaphore, #tpu.memory_space<semaphore_mem>>) src(%arg9 : memref<8192xf32, #tpu.memory_space<vmem>>) dst(%dma_wait3A_330 : memref<8192xf32, #tpu.memory_space<hbm>>)
    %dma_wait3A_331 = tpu.memref_slice %arg4[%add3A_256] : memref<8388608xf32, #tpu.memory_space<hbm>> -> memref<8192xf32, #tpu.memory_space<hbm>>
    %dma_wait3A_332 = tpu.memref_slice %arg4[%add3A_256] : memref<8388608xf32, #tpu.memory_space<hbm>> -> memref<8192xf32, #tpu.memory_space<hbm>>
    tpu.wait_dma2 semaphore(%arg37 : memref<!tpu.dma_semaphore, #tpu.memory_space<semaphore_mem>>) src(%arg10 : memref<8192xf32, #tpu.memory_space<vmem>>) dst(%dma_wait3A_332 : memref<8192xf32, #tpu.memory_space<hbm>>)
    %dma_wait3A_333 = tpu.memref_slice %arg4[%add3A_260] : memref<8388608xf32, #tpu.memory_space<hbm>> -> memref<8192xf32, #tpu.memory_space<hbm>>
    %dma_wait3A_334 = tpu.memref_slice %arg4[%add3A_260] : memref<8388608xf32, #tpu.memory_space<hbm>> -> memref<8192xf32, #tpu.memory_space<hbm>>
    tpu.wait_dma2 semaphore(%arg38 : memref<!tpu.dma_semaphore, #tpu.memory_space<semaphore_mem>>) src(%arg11 : memref<8192xf32, #tpu.memory_space<vmem>>) dst(%dma_wait3A_334 : memref<8192xf32, #tpu.memory_space<hbm>>)
    %mul3A_335 = arith.constant 64 : i32
    %mul3A_336 = arith.muli %add3A, %mul3A_335 : i32
    %add3A_337 = arith.constant 48 : i32
    %add3A_338 = arith.addi %mul3A_336, %add3A_337 : i32
    %mul3A_339 = arith.constant 1024 : i32
    %mul3A_340 = arith.muli %add3A_338, %mul3A_339 : i32
    %dma_start3A_341 = tpu.memref_slice %arg3[%mul3A_340] : memref<2097152xf32, #tpu.memory_space<hbm>> -> memref<8192xf32, #tpu.memory_space<hbm>>
    %dma_start3A_342 = tpu.memref_slice %arg3[%mul3A_340] : memref<2097152xf32, #tpu.memory_space<hbm>> -> memref<8192xf32, #tpu.memory_space<hbm>>
    tpu.enqueue_dma source(%dma_start3A_342 : memref<8192xf32, #tpu.memory_space<hbm>>) target(%arg5 : memref<8192xf32, #tpu.memory_space<vmem>>) target_semaphore(%arg20 : memref<!tpu.dma_semaphore, #tpu.memory_space<semaphore_mem>>)
    %add3A_343 = arith.constant 0 : i32
    %add3A_344 = arith.addi %add3A_343, %mul3A_340 : i32
    %dma_start3A_345 = tpu.memref_slice %arg2[%add3A_344] : memref<8388608xf32, #tpu.memory_space<hbm>> -> memref<8192xf32, #tpu.memory_space<hbm>>
    %dma_start3A_346 = tpu.memref_slice %arg2[%add3A_344] : memref<8388608xf32, #tpu.memory_space<hbm>> -> memref<8192xf32, #tpu.memory_space<hbm>>
    tpu.enqueue_dma source(%dma_start3A_346 : memref<8192xf32, #tpu.memory_space<hbm>>) target(%arg8 : memref<8192xf32, #tpu.memory_space<vmem>>) target_semaphore(%arg23 : memref<!tpu.dma_semaphore, #tpu.memory_space<semaphore_mem>>)
    %add3A_347 = arith.constant 2097152 : i32
    %add3A_348 = arith.addi %add3A_347, %mul3A_340 : i32
    %dma_start3A_349 = tpu.memref_slice %arg2[%add3A_348] : memref<8388608xf32, #tpu.memory_space<hbm>> -> memref<8192xf32, #tpu.memory_space<hbm>>
    %dma_start3A_350 = tpu.memref_slice %arg2[%add3A_348] : memref<8388608xf32, #tpu.memory_space<hbm>> -> memref<8192xf32, #tpu.memory_space<hbm>>
    tpu.enqueue_dma source(%dma_start3A_350 : memref<8192xf32, #tpu.memory_space<hbm>>) target(%arg9 : memref<8192xf32, #tpu.memory_space<vmem>>) target_semaphore(%arg24 : memref<!tpu.dma_semaphore, #tpu.memory_space<semaphore_mem>>)
    %add3A_351 = arith.constant 4194304 : i32
    %add3A_352 = arith.addi %add3A_351, %mul3A_340 : i32
    %dma_start3A_353 = tpu.memref_slice %arg2[%add3A_352] : memref<8388608xf32, #tpu.memory_space<hbm>> -> memref<8192xf32, #tpu.memory_space<hbm>>
    %dma_start3A_354 = tpu.memref_slice %arg2[%add3A_352] : memref<8388608xf32, #tpu.memory_space<hbm>> -> memref<8192xf32, #tpu.memory_space<hbm>>
    tpu.enqueue_dma source(%dma_start3A_354 : memref<8192xf32, #tpu.memory_space<hbm>>) target(%arg10 : memref<8192xf32, #tpu.memory_space<vmem>>) target_semaphore(%arg25 : memref<!tpu.dma_semaphore, #tpu.memory_space<semaphore_mem>>)
    %add3A_355 = arith.constant 6291456 : i32
    %add3A_356 = arith.addi %add3A_355, %mul3A_340 : i32
    %dma_start3A_357 = tpu.memref_slice %arg2[%add3A_356] : memref<8388608xf32, #tpu.memory_space<hbm>> -> memref<8192xf32, #tpu.memory_space<hbm>>
    %dma_start3A_358 = tpu.memref_slice %arg2[%add3A_356] : memref<8388608xf32, #tpu.memory_space<hbm>> -> memref<8192xf32, #tpu.memory_space<hbm>>
    tpu.enqueue_dma source(%dma_start3A_358 : memref<8192xf32, #tpu.memory_space<hbm>>) target(%arg11 : memref<8192xf32, #tpu.memory_space<vmem>>) target_semaphore(%arg26 : memref<!tpu.dma_semaphore, #tpu.memory_space<semaphore_mem>>)
    %dma_wait3A_359 = tpu.memref_slice %arg3[%mul3A_276] : memref<2097152xf32, #tpu.memory_space<hbm>> -> memref<8192xf32, #tpu.memory_space<hbm>>
    %dma_wait3A_360 = tpu.memref_slice %arg3[%mul3A_276] : memref<2097152xf32, #tpu.memory_space<hbm>> -> memref<8192xf32, #tpu.memory_space<hbm>>
    tpu.wait_dma2 semaphore(%arg22 : memref<!tpu.dma_semaphore, #tpu.memory_space<semaphore_mem>>) src(%dma_wait3A_360 : memref<8192xf32, #tpu.memory_space<hbm>>) dst(%arg7 : memref<8192xf32, #tpu.memory_space<vmem>>)
    %dma_wait3A_361 = tpu.memref_slice %arg2[%add3A_280] : memref<8388608xf32, #tpu.memory_space<hbm>> -> memref<8192xf32, #tpu.memory_space<hbm>>
    %dma_wait3A_362 = tpu.memref_slice %arg2[%add3A_280] : memref<8388608xf32, #tpu.memory_space<hbm>> -> memref<8192xf32, #tpu.memory_space<hbm>>
    tpu.wait_dma2 semaphore(%arg31 : memref<!tpu.dma_semaphore, #tpu.memory_space<semaphore_mem>>) src(%dma_wait3A_362 : memref<8192xf32, #tpu.memory_space<hbm>>) dst(%arg16 : memref<8192xf32, #tpu.memory_space<vmem>>)
    %dma_wait3A_363 = tpu.memref_slice %arg2[%add3A_284] : memref<8388608xf32, #tpu.memory_space<hbm>> -> memref<8192xf32, #tpu.memory_space<hbm>>
    %dma_wait3A_364 = tpu.memref_slice %arg2[%add3A_284] : memref<8388608xf32, #tpu.memory_space<hbm>> -> memref<8192xf32, #tpu.memory_space<hbm>>
    tpu.wait_dma2 semaphore(%arg32 : memref<!tpu.dma_semaphore, #tpu.memory_space<semaphore_mem>>) src(%dma_wait3A_364 : memref<8192xf32, #tpu.memory_space<hbm>>) dst(%arg17 : memref<8192xf32, #tpu.memory_space<vmem>>)
    %dma_wait3A_365 = tpu.memref_slice %arg2[%add3A_288] : memref<8388608xf32, #tpu.memory_space<hbm>> -> memref<8192xf32, #tpu.memory_space<hbm>>
    %dma_wait3A_366 = tpu.memref_slice %arg2[%add3A_288] : memref<8388608xf32, #tpu.memory_space<hbm>> -> memref<8192xf32, #tpu.memory_space<hbm>>
    tpu.wait_dma2 semaphore(%arg33 : memref<!tpu.dma_semaphore, #tpu.memory_space<semaphore_mem>>) src(%dma_wait3A_366 : memref<8192xf32, #tpu.memory_space<hbm>>) dst(%arg18 : memref<8192xf32, #tpu.memory_space<vmem>>)
    %dma_wait3A_367 = tpu.memref_slice %arg2[%add3A_292] : memref<8388608xf32, #tpu.memory_space<hbm>> -> memref<8192xf32, #tpu.memory_space<hbm>>
    %dma_wait3A_368 = tpu.memref_slice %arg2[%add3A_292] : memref<8388608xf32, #tpu.memory_space<hbm>> -> memref<8192xf32, #tpu.memory_space<hbm>>
    tpu.wait_dma2 semaphore(%arg34 : memref<!tpu.dma_semaphore, #tpu.memory_space<semaphore_mem>>) src(%dma_wait3A_368 : memref<8192xf32, #tpu.memory_space<hbm>>) dst(%arg19 : memref<8192xf32, #tpu.memory_space<vmem>>)
    %mul3A_369 = arith.constant 64 : i32
    %mul3A_370 = arith.muli %add3A, %mul3A_369 : i32
    %add3A_371 = arith.constant 40 : i32
    %add3A_372 = arith.addi %mul3A_370, %add3A_371 : i32
    %mul3A_373 = arith.constant 1024 : i32
    %mul3A_374 = arith.muli %add3A_372, %mul3A_373 : i32
    %add3A_375 = arith.constant 0 : i32
    %add3A_376 = arith.addi %add3A_375, %mul3A_374 : i32
    %dma_start3A_377 = tpu.memref_slice %arg4[%add3A_376] : memref<8388608xf32, #tpu.memory_space<hbm>> -> memref<8192xf32, #tpu.memory_space<hbm>>
    %dma_start3A_378 = tpu.memref_slice %arg4[%add3A_376] : memref<8388608xf32, #tpu.memory_space<hbm>> -> memref<8192xf32, #tpu.memory_space<hbm>>
    tpu.enqueue_dma source(%arg16 : memref<8192xf32, #tpu.memory_space<vmem>>) target(%dma_start3A_378 : memref<8192xf32, #tpu.memory_space<hbm>>) target_semaphore(%arg43 : memref<!tpu.dma_semaphore, #tpu.memory_space<semaphore_mem>>)
    %add3A_379 = arith.constant 2097152 : i32
    %add3A_380 = arith.addi %add3A_379, %mul3A_374 : i32
    %dma_start3A_381 = tpu.memref_slice %arg4[%add3A_380] : memref<8388608xf32, #tpu.memory_space<hbm>> -> memref<8192xf32, #tpu.memory_space<hbm>>
    %dma_start3A_382 = tpu.memref_slice %arg4[%add3A_380] : memref<8388608xf32, #tpu.memory_space<hbm>> -> memref<8192xf32, #tpu.memory_space<hbm>>
    tpu.enqueue_dma source(%arg17 : memref<8192xf32, #tpu.memory_space<vmem>>) target(%dma_start3A_382 : memref<8192xf32, #tpu.memory_space<hbm>>) target_semaphore(%arg44 : memref<!tpu.dma_semaphore, #tpu.memory_space<semaphore_mem>>)
    %add3A_383 = arith.constant 4194304 : i32
    %add3A_384 = arith.addi %add3A_383, %mul3A_374 : i32
    %dma_start3A_385 = tpu.memref_slice %arg4[%add3A_384] : memref<8388608xf32, #tpu.memory_space<hbm>> -> memref<8192xf32, #tpu.memory_space<hbm>>
    %dma_start3A_386 = tpu.memref_slice %arg4[%add3A_384] : memref<8388608xf32, #tpu.memory_space<hbm>> -> memref<8192xf32, #tpu.memory_space<hbm>>
    tpu.enqueue_dma source(%arg18 : memref<8192xf32, #tpu.memory_space<vmem>>) target(%dma_start3A_386 : memref<8192xf32, #tpu.memory_space<hbm>>) target_semaphore(%arg45 : memref<!tpu.dma_semaphore, #tpu.memory_space<semaphore_mem>>)
    %add3A_387 = arith.constant 6291456 : i32
    %add3A_388 = arith.addi %add3A_387, %mul3A_374 : i32
    %dma_start3A_389 = tpu.memref_slice %arg4[%add3A_388] : memref<8388608xf32, #tpu.memory_space<hbm>> -> memref<8192xf32, #tpu.memory_space<hbm>>
    %dma_start3A_390 = tpu.memref_slice %arg4[%add3A_388] : memref<8388608xf32, #tpu.memory_space<hbm>> -> memref<8192xf32, #tpu.memory_space<hbm>>
    tpu.enqueue_dma source(%arg19 : memref<8192xf32, #tpu.memory_space<vmem>>) target(%dma_start3A_390 : memref<8192xf32, #tpu.memory_space<hbm>>) target_semaphore(%arg46 : memref<!tpu.dma_semaphore, #tpu.memory_space<semaphore_mem>>)
    %dma_wait3A_391 = tpu.memref_slice %arg4[%add3A_312] : memref<8388608xf32, #tpu.memory_space<hbm>> -> memref<8192xf32, #tpu.memory_space<hbm>>
    %dma_wait3A_392 = tpu.memref_slice %arg4[%add3A_312] : memref<8388608xf32, #tpu.memory_space<hbm>> -> memref<8192xf32, #tpu.memory_space<hbm>>
    tpu.wait_dma2 semaphore(%arg39 : memref<!tpu.dma_semaphore, #tpu.memory_space<semaphore_mem>>) src(%arg12 : memref<8192xf32, #tpu.memory_space<vmem>>) dst(%dma_wait3A_392 : memref<8192xf32, #tpu.memory_space<hbm>>)
    %dma_wait3A_393 = tpu.memref_slice %arg4[%add3A_316] : memref<8388608xf32, #tpu.memory_space<hbm>> -> memref<8192xf32, #tpu.memory_space<hbm>>
    %dma_wait3A_394 = tpu.memref_slice %arg4[%add3A_316] : memref<8388608xf32, #tpu.memory_space<hbm>> -> memref<8192xf32, #tpu.memory_space<hbm>>
    tpu.wait_dma2 semaphore(%arg40 : memref<!tpu.dma_semaphore, #tpu.memory_space<semaphore_mem>>) src(%arg13 : memref<8192xf32, #tpu.memory_space<vmem>>) dst(%dma_wait3A_394 : memref<8192xf32, #tpu.memory_space<hbm>>)
    %dma_wait3A_395 = tpu.memref_slice %arg4[%add3A_320] : memref<8388608xf32, #tpu.memory_space<hbm>> -> memref<8192xf32, #tpu.memory_space<hbm>>
    %dma_wait3A_396 = tpu.memref_slice %arg4[%add3A_320] : memref<8388608xf32, #tpu.memory_space<hbm>> -> memref<8192xf32, #tpu.memory_space<hbm>>
    tpu.wait_dma2 semaphore(%arg41 : memref<!tpu.dma_semaphore, #tpu.memory_space<semaphore_mem>>) src(%arg14 : memref<8192xf32, #tpu.memory_space<vmem>>) dst(%dma_wait3A_396 : memref<8192xf32, #tpu.memory_space<hbm>>)
    %dma_wait3A_397 = tpu.memref_slice %arg4[%add3A_324] : memref<8388608xf32, #tpu.memory_space<hbm>> -> memref<8192xf32, #tpu.memory_space<hbm>>
    %dma_wait3A_398 = tpu.memref_slice %arg4[%add3A_324] : memref<8388608xf32, #tpu.memory_space<hbm>> -> memref<8192xf32, #tpu.memory_space<hbm>>
    tpu.wait_dma2 semaphore(%arg42 : memref<!tpu.dma_semaphore, #tpu.memory_space<semaphore_mem>>) src(%arg15 : memref<8192xf32, #tpu.memory_space<vmem>>) dst(%dma_wait3A_398 : memref<8192xf32, #tpu.memory_space<hbm>>)
    %mul3A_399 = arith.constant 64 : i32
    %mul3A_400 = arith.muli %add3A, %mul3A_399 : i32
    %add3A_401 = arith.constant 56 : i32
    %add3A_402 = arith.addi %mul3A_400, %add3A_401 : i32
    %mul3A_403 = arith.constant 1024 : i32
    %mul3A_404 = arith.muli %add3A_402, %mul3A_403 : i32
    %dma_start3A_405 = tpu.memref_slice %arg3[%mul3A_404] : memref<2097152xf32, #tpu.memory_space<hbm>> -> memref<8192xf32, #tpu.memory_space<hbm>>
    %dma_start3A_406 = tpu.memref_slice %arg3[%mul3A_404] : memref<2097152xf32, #tpu.memory_space<hbm>> -> memref<8192xf32, #tpu.memory_space<hbm>>
    tpu.enqueue_dma source(%dma_start3A_406 : memref<8192xf32, #tpu.memory_space<hbm>>) target(%arg6 : memref<8192xf32, #tpu.memory_space<vmem>>) target_semaphore(%arg21 : memref<!tpu.dma_semaphore, #tpu.memory_space<semaphore_mem>>)
    %add3A_407 = arith.constant 0 : i32
    %add3A_408 = arith.addi %add3A_407, %mul3A_404 : i32
    %dma_start3A_409 = tpu.memref_slice %arg2[%add3A_408] : memref<8388608xf32, #tpu.memory_space<hbm>> -> memref<8192xf32, #tpu.memory_space<hbm>>
    %dma_start3A_410 = tpu.memref_slice %arg2[%add3A_408] : memref<8388608xf32, #tpu.memory_space<hbm>> -> memref<8192xf32, #tpu.memory_space<hbm>>
    tpu.enqueue_dma source(%dma_start3A_410 : memref<8192xf32, #tpu.memory_space<hbm>>) target(%arg12 : memref<8192xf32, #tpu.memory_space<vmem>>) target_semaphore(%arg27 : memref<!tpu.dma_semaphore, #tpu.memory_space<semaphore_mem>>)
    %add3A_411 = arith.constant 2097152 : i32
    %add3A_412 = arith.addi %add3A_411, %mul3A_404 : i32
    %dma_start3A_413 = tpu.memref_slice %arg2[%add3A_412] : memref<8388608xf32, #tpu.memory_space<hbm>> -> memref<8192xf32, #tpu.memory_space<hbm>>
    %dma_start3A_414 = tpu.memref_slice %arg2[%add3A_412] : memref<8388608xf32, #tpu.memory_space<hbm>> -> memref<8192xf32, #tpu.memory_space<hbm>>
    tpu.enqueue_dma source(%dma_start3A_414 : memref<8192xf32, #tpu.memory_space<hbm>>) target(%arg13 : memref<8192xf32, #tpu.memory_space<vmem>>) target_semaphore(%arg28 : memref<!tpu.dma_semaphore, #tpu.memory_space<semaphore_mem>>)
    %add3A_415 = arith.constant 4194304 : i32
    %add3A_416 = arith.addi %add3A_415, %mul3A_404 : i32
    %dma_start3A_417 = tpu.memref_slice %arg2[%add3A_416] : memref<8388608xf32, #tpu.memory_space<hbm>> -> memref<8192xf32, #tpu.memory_space<hbm>>
    %dma_start3A_418 = tpu.memref_slice %arg2[%add3A_416] : memref<8388608xf32, #tpu.memory_space<hbm>> -> memref<8192xf32, #tpu.memory_space<hbm>>
    tpu.enqueue_dma source(%dma_start3A_418 : memref<8192xf32, #tpu.memory_space<hbm>>) target(%arg14 : memref<8192xf32, #tpu.memory_space<vmem>>) target_semaphore(%arg29 : memref<!tpu.dma_semaphore, #tpu.memory_space<semaphore_mem>>)
    %add3A_419 = arith.constant 6291456 : i32
    %add3A_420 = arith.addi %add3A_419, %mul3A_404 : i32
    %dma_start3A_421 = tpu.memref_slice %arg2[%add3A_420] : memref<8388608xf32, #tpu.memory_space<hbm>> -> memref<8192xf32, #tpu.memory_space<hbm>>
    %dma_start3A_422 = tpu.memref_slice %arg2[%add3A_420] : memref<8388608xf32, #tpu.memory_space<hbm>> -> memref<8192xf32, #tpu.memory_space<hbm>>
    tpu.enqueue_dma source(%dma_start3A_422 : memref<8192xf32, #tpu.memory_space<hbm>>) target(%arg15 : memref<8192xf32, #tpu.memory_space<vmem>>) target_semaphore(%arg30 : memref<!tpu.dma_semaphore, #tpu.memory_space<semaphore_mem>>)
    %dma_wait3A_423 = tpu.memref_slice %arg3[%mul3A_340] : memref<2097152xf32, #tpu.memory_space<hbm>> -> memref<8192xf32, #tpu.memory_space<hbm>>
    %dma_wait3A_424 = tpu.memref_slice %arg3[%mul3A_340] : memref<2097152xf32, #tpu.memory_space<hbm>> -> memref<8192xf32, #tpu.memory_space<hbm>>
    tpu.wait_dma2 semaphore(%arg20 : memref<!tpu.dma_semaphore, #tpu.memory_space<semaphore_mem>>) src(%dma_wait3A_424 : memref<8192xf32, #tpu.memory_space<hbm>>) dst(%arg5 : memref<8192xf32, #tpu.memory_space<vmem>>)
    %dma_wait3A_425 = tpu.memref_slice %arg2[%add3A_344] : memref<8388608xf32, #tpu.memory_space<hbm>> -> memref<8192xf32, #tpu.memory_space<hbm>>
    %dma_wait3A_426 = tpu.memref_slice %arg2[%add3A_344] : memref<8388608xf32, #tpu.memory_space<hbm>> -> memref<8192xf32, #tpu.memory_space<hbm>>
    tpu.wait_dma2 semaphore(%arg23 : memref<!tpu.dma_semaphore, #tpu.memory_space<semaphore_mem>>) src(%dma_wait3A_426 : memref<8192xf32, #tpu.memory_space<hbm>>) dst(%arg8 : memref<8192xf32, #tpu.memory_space<vmem>>)
    %dma_wait3A_427 = tpu.memref_slice %arg2[%add3A_348] : memref<8388608xf32, #tpu.memory_space<hbm>> -> memref<8192xf32, #tpu.memory_space<hbm>>
    %dma_wait3A_428 = tpu.memref_slice %arg2[%add3A_348] : memref<8388608xf32, #tpu.memory_space<hbm>> -> memref<8192xf32, #tpu.memory_space<hbm>>
    tpu.wait_dma2 semaphore(%arg24 : memref<!tpu.dma_semaphore, #tpu.memory_space<semaphore_mem>>) src(%dma_wait3A_428 : memref<8192xf32, #tpu.memory_space<hbm>>) dst(%arg9 : memref<8192xf32, #tpu.memory_space<vmem>>)
    %dma_wait3A_429 = tpu.memref_slice %arg2[%add3A_352] : memref<8388608xf32, #tpu.memory_space<hbm>> -> memref<8192xf32, #tpu.memory_space<hbm>>
    %dma_wait3A_430 = tpu.memref_slice %arg2[%add3A_352] : memref<8388608xf32, #tpu.memory_space<hbm>> -> memref<8192xf32, #tpu.memory_space<hbm>>
    tpu.wait_dma2 semaphore(%arg25 : memref<!tpu.dma_semaphore, #tpu.memory_space<semaphore_mem>>) src(%dma_wait3A_430 : memref<8192xf32, #tpu.memory_space<hbm>>) dst(%arg10 : memref<8192xf32, #tpu.memory_space<vmem>>)
    %dma_wait3A_431 = tpu.memref_slice %arg2[%add3A_356] : memref<8388608xf32, #tpu.memory_space<hbm>> -> memref<8192xf32, #tpu.memory_space<hbm>>
    %dma_wait3A_432 = tpu.memref_slice %arg2[%add3A_356] : memref<8388608xf32, #tpu.memory_space<hbm>> -> memref<8192xf32, #tpu.memory_space<hbm>>
    tpu.wait_dma2 semaphore(%arg26 : memref<!tpu.dma_semaphore, #tpu.memory_space<semaphore_mem>>) src(%dma_wait3A_432 : memref<8192xf32, #tpu.memory_space<hbm>>) dst(%arg11 : memref<8192xf32, #tpu.memory_space<vmem>>)
    %mul3A_433 = arith.constant 64 : i32
    %mul3A_434 = arith.muli %add3A, %mul3A_433 : i32
    %add3A_435 = arith.constant 48 : i32
    %add3A_436 = arith.addi %mul3A_434, %add3A_435 : i32
    %mul3A_437 = arith.constant 1024 : i32
    %mul3A_438 = arith.muli %add3A_436, %mul3A_437 : i32
    %add3A_439 = arith.constant 0 : i32
    %add3A_440 = arith.addi %add3A_439, %mul3A_438 : i32
    %dma_start3A_441 = tpu.memref_slice %arg4[%add3A_440] : memref<8388608xf32, #tpu.memory_space<hbm>> -> memref<8192xf32, #tpu.memory_space<hbm>>
    %dma_start3A_442 = tpu.memref_slice %arg4[%add3A_440] : memref<8388608xf32, #tpu.memory_space<hbm>> -> memref<8192xf32, #tpu.memory_space<hbm>>
    tpu.enqueue_dma source(%arg8 : memref<8192xf32, #tpu.memory_space<vmem>>) target(%dma_start3A_442 : memref<8192xf32, #tpu.memory_space<hbm>>) target_semaphore(%arg35 : memref<!tpu.dma_semaphore, #tpu.memory_space<semaphore_mem>>)
    %add3A_443 = arith.constant 2097152 : i32
    %add3A_444 = arith.addi %add3A_443, %mul3A_438 : i32
    %dma_start3A_445 = tpu.memref_slice %arg4[%add3A_444] : memref<8388608xf32, #tpu.memory_space<hbm>> -> memref<8192xf32, #tpu.memory_space<hbm>>
    %dma_start3A_446 = tpu.memref_slice %arg4[%add3A_444] : memref<8388608xf32, #tpu.memory_space<hbm>> -> memref<8192xf32, #tpu.memory_space<hbm>>
    tpu.enqueue_dma source(%arg9 : memref<8192xf32, #tpu.memory_space<vmem>>) target(%dma_start3A_446 : memref<8192xf32, #tpu.memory_space<hbm>>) target_semaphore(%arg36 : memref<!tpu.dma_semaphore, #tpu.memory_space<semaphore_mem>>)
    %add3A_447 = arith.constant 4194304 : i32
    %add3A_448 = arith.addi %add3A_447, %mul3A_438 : i32
    %dma_start3A_449 = tpu.memref_slice %arg4[%add3A_448] : memref<8388608xf32, #tpu.memory_space<hbm>> -> memref<8192xf32, #tpu.memory_space<hbm>>
    %dma_start3A_450 = tpu.memref_slice %arg4[%add3A_448] : memref<8388608xf32, #tpu.memory_space<hbm>> -> memref<8192xf32, #tpu.memory_space<hbm>>
    tpu.enqueue_dma source(%arg10 : memref<8192xf32, #tpu.memory_space<vmem>>) target(%dma_start3A_450 : memref<8192xf32, #tpu.memory_space<hbm>>) target_semaphore(%arg37 : memref<!tpu.dma_semaphore, #tpu.memory_space<semaphore_mem>>)
    %add3A_451 = arith.constant 6291456 : i32
    %add3A_452 = arith.addi %add3A_451, %mul3A_438 : i32
    %dma_start3A_453 = tpu.memref_slice %arg4[%add3A_452] : memref<8388608xf32, #tpu.memory_space<hbm>> -> memref<8192xf32, #tpu.memory_space<hbm>>
    %dma_start3A_454 = tpu.memref_slice %arg4[%add3A_452] : memref<8388608xf32, #tpu.memory_space<hbm>> -> memref<8192xf32, #tpu.memory_space<hbm>>
    tpu.enqueue_dma source(%arg11 : memref<8192xf32, #tpu.memory_space<vmem>>) target(%dma_start3A_454 : memref<8192xf32, #tpu.memory_space<hbm>>) target_semaphore(%arg38 : memref<!tpu.dma_semaphore, #tpu.memory_space<semaphore_mem>>)
    %dma_wait3A_455 = tpu.memref_slice %arg3[%mul3A_404] : memref<2097152xf32, #tpu.memory_space<hbm>> -> memref<8192xf32, #tpu.memory_space<hbm>>
    %dma_wait3A_456 = tpu.memref_slice %arg3[%mul3A_404] : memref<2097152xf32, #tpu.memory_space<hbm>> -> memref<8192xf32, #tpu.memory_space<hbm>>
    tpu.wait_dma2 semaphore(%arg21 : memref<!tpu.dma_semaphore, #tpu.memory_space<semaphore_mem>>) src(%dma_wait3A_456 : memref<8192xf32, #tpu.memory_space<hbm>>) dst(%arg6 : memref<8192xf32, #tpu.memory_space<vmem>>)
    %dma_wait3A_457 = tpu.memref_slice %arg2[%add3A_408] : memref<8388608xf32, #tpu.memory_space<hbm>> -> memref<8192xf32, #tpu.memory_space<hbm>>
    %dma_wait3A_458 = tpu.memref_slice %arg2[%add3A_408] : memref<8388608xf32, #tpu.memory_space<hbm>> -> memref<8192xf32, #tpu.memory_space<hbm>>
    tpu.wait_dma2 semaphore(%arg27 : memref<!tpu.dma_semaphore, #tpu.memory_space<semaphore_mem>>) src(%dma_wait3A_458 : memref<8192xf32, #tpu.memory_space<hbm>>) dst(%arg12 : memref<8192xf32, #tpu.memory_space<vmem>>)
    %dma_wait3A_459 = tpu.memref_slice %arg2[%add3A_412] : memref<8388608xf32, #tpu.memory_space<hbm>> -> memref<8192xf32, #tpu.memory_space<hbm>>
    %dma_wait3A_460 = tpu.memref_slice %arg2[%add3A_412] : memref<8388608xf32, #tpu.memory_space<hbm>> -> memref<8192xf32, #tpu.memory_space<hbm>>
    tpu.wait_dma2 semaphore(%arg28 : memref<!tpu.dma_semaphore, #tpu.memory_space<semaphore_mem>>) src(%dma_wait3A_460 : memref<8192xf32, #tpu.memory_space<hbm>>) dst(%arg13 : memref<8192xf32, #tpu.memory_space<vmem>>)
    %dma_wait3A_461 = tpu.memref_slice %arg2[%add3A_416] : memref<8388608xf32, #tpu.memory_space<hbm>> -> memref<8192xf32, #tpu.memory_space<hbm>>
    %dma_wait3A_462 = tpu.memref_slice %arg2[%add3A_416] : memref<8388608xf32, #tpu.memory_space<hbm>> -> memref<8192xf32, #tpu.memory_space<hbm>>
    tpu.wait_dma2 semaphore(%arg29 : memref<!tpu.dma_semaphore, #tpu.memory_space<semaphore_mem>>) src(%dma_wait3A_462 : memref<8192xf32, #tpu.memory_space<hbm>>) dst(%arg14 : memref<8192xf32, #tpu.memory_space<vmem>>)
    %dma_wait3A_463 = tpu.memref_slice %arg2[%add3A_420] : memref<8388608xf32, #tpu.memory_space<hbm>> -> memref<8192xf32, #tpu.memory_space<hbm>>
    %dma_wait3A_464 = tpu.memref_slice %arg2[%add3A_420] : memref<8388608xf32, #tpu.memory_space<hbm>> -> memref<8192xf32, #tpu.memory_space<hbm>>
    tpu.wait_dma2 semaphore(%arg30 : memref<!tpu.dma_semaphore, #tpu.memory_space<semaphore_mem>>) src(%dma_wait3A_464 : memref<8192xf32, #tpu.memory_space<hbm>>) dst(%arg15 : memref<8192xf32, #tpu.memory_space<vmem>>)
    %mul3A_465 = arith.constant 64 : i32
    %mul3A_466 = arith.muli %add3A, %mul3A_465 : i32
    %add3A_467 = arith.constant 56 : i32
    %add3A_468 = arith.addi %mul3A_466, %add3A_467 : i32
    %mul3A_469 = arith.constant 1024 : i32
    %mul3A_470 = arith.muli %add3A_468, %mul3A_469 : i32
    %add3A_471 = arith.constant 0 : i32
    %add3A_472 = arith.addi %add3A_471, %mul3A_470 : i32
    %dma_start3A_473 = tpu.memref_slice %arg4[%add3A_472] : memref<8388608xf32, #tpu.memory_space<hbm>> -> memref<8192xf32, #tpu.memory_space<hbm>>
    %dma_start3A_474 = tpu.memref_slice %arg4[%add3A_472] : memref<8388608xf32, #tpu.memory_space<hbm>> -> memref<8192xf32, #tpu.memory_space<hbm>>
    tpu.enqueue_dma source(%arg12 : memref<8192xf32, #tpu.memory_space<vmem>>) target(%dma_start3A_474 : memref<8192xf32, #tpu.memory_space<hbm>>) target_semaphore(%arg39 : memref<!tpu.dma_semaphore, #tpu.memory_space<semaphore_mem>>)
    %add3A_475 = arith.constant 2097152 : i32
    %add3A_476 = arith.addi %add3A_475, %mul3A_470 : i32
    %dma_start3A_477 = tpu.memref_slice %arg4[%add3A_476] : memref<8388608xf32, #tpu.memory_space<hbm>> -> memref<8192xf32, #tpu.memory_space<hbm>>
    %dma_start3A_478 = tpu.memref_slice %arg4[%add3A_476] : memref<8388608xf32, #tpu.memory_space<hbm>> -> memref<8192xf32, #tpu.memory_space<hbm>>
    tpu.enqueue_dma source(%arg13 : memref<8192xf32, #tpu.memory_space<vmem>>) target(%dma_start3A_478 : memref<8192xf32, #tpu.memory_space<hbm>>) target_semaphore(%arg40 : memref<!tpu.dma_semaphore, #tpu.memory_space<semaphore_mem>>)
    %add3A_479 = arith.constant 4194304 : i32
    %add3A_480 = arith.addi %add3A_479, %mul3A_470 : i32
    %dma_start3A_481 = tpu.memref_slice %arg4[%add3A_480] : memref<8388608xf32, #tpu.memory_space<hbm>> -> memref<8192xf32, #tpu.memory_space<hbm>>
    %dma_start3A_482 = tpu.memref_slice %arg4[%add3A_480] : memref<8388608xf32, #tpu.memory_space<hbm>> -> memref<8192xf32, #tpu.memory_space<hbm>>
    tpu.enqueue_dma source(%arg14 : memref<8192xf32, #tpu.memory_space<vmem>>) target(%dma_start3A_482 : memref<8192xf32, #tpu.memory_space<hbm>>) target_semaphore(%arg41 : memref<!tpu.dma_semaphore, #tpu.memory_space<semaphore_mem>>)
    %add3A_483 = arith.constant 6291456 : i32
    %add3A_484 = arith.addi %add3A_483, %mul3A_470 : i32
    %dma_start3A_485 = tpu.memref_slice %arg4[%add3A_484] : memref<8388608xf32, #tpu.memory_space<hbm>> -> memref<8192xf32, #tpu.memory_space<hbm>>
    %dma_start3A_486 = tpu.memref_slice %arg4[%add3A_484] : memref<8388608xf32, #tpu.memory_space<hbm>> -> memref<8192xf32, #tpu.memory_space<hbm>>
    tpu.enqueue_dma source(%arg15 : memref<8192xf32, #tpu.memory_space<vmem>>) target(%dma_start3A_486 : memref<8192xf32, #tpu.memory_space<hbm>>) target_semaphore(%arg42 : memref<!tpu.dma_semaphore, #tpu.memory_space<semaphore_mem>>)
    %dma_wait3A_487 = tpu.memref_slice %arg4[%add3A_376] : memref<8388608xf32, #tpu.memory_space<hbm>> -> memref<8192xf32, #tpu.memory_space<hbm>>
    %dma_wait3A_488 = tpu.memref_slice %arg4[%add3A_376] : memref<8388608xf32, #tpu.memory_space<hbm>> -> memref<8192xf32, #tpu.memory_space<hbm>>
    tpu.wait_dma2 semaphore(%arg43 : memref<!tpu.dma_semaphore, #tpu.memory_space<semaphore_mem>>) src(%arg16 : memref<8192xf32, #tpu.memory_space<vmem>>) dst(%dma_wait3A_488 : memref<8192xf32, #tpu.memory_space<hbm>>)
    %dma_wait3A_489 = tpu.memref_slice %arg4[%add3A_380] : memref<8388608xf32, #tpu.memory_space<hbm>> -> memref<8192xf32, #tpu.memory_space<hbm>>
    %dma_wait3A_490 = tpu.memref_slice %arg4[%add3A_380] : memref<8388608xf32, #tpu.memory_space<hbm>> -> memref<8192xf32, #tpu.memory_space<hbm>>
    tpu.wait_dma2 semaphore(%arg44 : memref<!tpu.dma_semaphore, #tpu.memory_space<semaphore_mem>>) src(%arg17 : memref<8192xf32, #tpu.memory_space<vmem>>) dst(%dma_wait3A_490 : memref<8192xf32, #tpu.memory_space<hbm>>)
    %dma_wait3A_491 = tpu.memref_slice %arg4[%add3A_384] : memref<8388608xf32, #tpu.memory_space<hbm>> -> memref<8192xf32, #tpu.memory_space<hbm>>
    %dma_wait3A_492 = tpu.memref_slice %arg4[%add3A_384] : memref<8388608xf32, #tpu.memory_space<hbm>> -> memref<8192xf32, #tpu.memory_space<hbm>>
    tpu.wait_dma2 semaphore(%arg45 : memref<!tpu.dma_semaphore, #tpu.memory_space<semaphore_mem>>) src(%arg18 : memref<8192xf32, #tpu.memory_space<vmem>>) dst(%dma_wait3A_492 : memref<8192xf32, #tpu.memory_space<hbm>>)
    %dma_wait3A_493 = tpu.memref_slice %arg4[%add3A_388] : memref<8388608xf32, #tpu.memory_space<hbm>> -> memref<8192xf32, #tpu.memory_space<hbm>>
    %dma_wait3A_494 = tpu.memref_slice %arg4[%add3A_388] : memref<8388608xf32, #tpu.memory_space<hbm>> -> memref<8192xf32, #tpu.memory_space<hbm>>
    tpu.wait_dma2 semaphore(%arg46 : memref<!tpu.dma_semaphore, #tpu.memory_space<semaphore_mem>>) src(%arg19 : memref<8192xf32, #tpu.memory_space<vmem>>) dst(%dma_wait3A_494 : memref<8192xf32, #tpu.memory_space<hbm>>)
    %dma_wait3A_495 = tpu.memref_slice %arg4[%add3A_440] : memref<8388608xf32, #tpu.memory_space<hbm>> -> memref<8192xf32, #tpu.memory_space<hbm>>
    %dma_wait3A_496 = tpu.memref_slice %arg4[%add3A_440] : memref<8388608xf32, #tpu.memory_space<hbm>> -> memref<8192xf32, #tpu.memory_space<hbm>>
    tpu.wait_dma2 semaphore(%arg35 : memref<!tpu.dma_semaphore, #tpu.memory_space<semaphore_mem>>) src(%arg8 : memref<8192xf32, #tpu.memory_space<vmem>>) dst(%dma_wait3A_496 : memref<8192xf32, #tpu.memory_space<hbm>>)
    %dma_wait3A_497 = tpu.memref_slice %arg4[%add3A_444] : memref<8388608xf32, #tpu.memory_space<hbm>> -> memref<8192xf32, #tpu.memory_space<hbm>>
    %dma_wait3A_498 = tpu.memref_slice %arg4[%add3A_444] : memref<8388608xf32, #tpu.memory_space<hbm>> -> memref<8192xf32, #tpu.memory_space<hbm>>
    tpu.wait_dma2 semaphore(%arg36 : memref<!tpu.dma_semaphore, #tpu.memory_space<semaphore_mem>>) src(%arg9 : memref<8192xf32, #tpu.memory_space<vmem>>) dst(%dma_wait3A_498 : memref<8192xf32, #tpu.memory_space<hbm>>)
    %dma_wait3A_499 = tpu.memref_slice %arg4[%add3A_448] : memref<8388608xf32, #tpu.memory_space<hbm>> -> memref<8192xf32, #tpu.memory_space<hbm>>
    %dma_wait3A_500 = tpu.memref_slice %arg4[%add3A_448] : memref<8388608xf32, #tpu.memory_space<hbm>> -> memref<8192xf32, #tpu.memory_space<hbm>>
    tpu.wait_dma2 semaphore(%arg37 : memref<!tpu.dma_semaphore, #tpu.memory_space<semaphore_mem>>) src(%arg10 : memref<8192xf32, #tpu.memory_space<vmem>>) dst(%dma_wait3A_500 : memref<8192xf32, #tpu.memory_space<hbm>>)
    %dma_wait3A_501 = tpu.memref_slice %arg4[%add3A_452] : memref<8388608xf32, #tpu.memory_space<hbm>> -> memref<8192xf32, #tpu.memory_space<hbm>>
    %dma_wait3A_502 = tpu.memref_slice %arg4[%add3A_452] : memref<8388608xf32, #tpu.memory_space<hbm>> -> memref<8192xf32, #tpu.memory_space<hbm>>
    tpu.wait_dma2 semaphore(%arg38 : memref<!tpu.dma_semaphore, #tpu.memory_space<semaphore_mem>>) src(%arg11 : memref<8192xf32, #tpu.memory_space<vmem>>) dst(%dma_wait3A_502 : memref<8192xf32, #tpu.memory_space<hbm>>)
    %dma_wait3A_503 = tpu.memref_slice %arg4[%add3A_472] : memref<8388608xf32, #tpu.memory_space<hbm>> -> memref<8192xf32, #tpu.memory_space<hbm>>
    %dma_wait3A_504 = tpu.memref_slice %arg4[%add3A_472] : memref<8388608xf32, #tpu.memory_space<hbm>> -> memref<8192xf32, #tpu.memory_space<hbm>>
    tpu.wait_dma2 semaphore(%arg39 : memref<!tpu.dma_semaphore, #tpu.memory_space<semaphore_mem>>) src(%arg12 : memref<8192xf32, #tpu.memory_space<vmem>>) dst(%dma_wait3A_504 : memref<8192xf32, #tpu.memory_space<hbm>>)
    %dma_wait3A_505 = tpu.memref_slice %arg4[%add3A_476] : memref<8388608xf32, #tpu.memory_space<hbm>> -> memref<8192xf32, #tpu.memory_space<hbm>>
    %dma_wait3A_506 = tpu.memref_slice %arg4[%add3A_476] : memref<8388608xf32, #tpu.memory_space<hbm>> -> memref<8192xf32, #tpu.memory_space<hbm>>
    tpu.wait_dma2 semaphore(%arg40 : memref<!tpu.dma_semaphore, #tpu.memory_space<semaphore_mem>>) src(%arg13 : memref<8192xf32, #tpu.memory_space<vmem>>) dst(%dma_wait3A_506 : memref<8192xf32, #tpu.memory_space<hbm>>)
    %dma_wait3A_507 = tpu.memref_slice %arg4[%add3A_480] : memref<8388608xf32, #tpu.memory_space<hbm>> -> memref<8192xf32, #tpu.memory_space<hbm>>
    %dma_wait3A_508 = tpu.memref_slice %arg4[%add3A_480] : memref<8388608xf32, #tpu.memory_space<hbm>> -> memref<8192xf32, #tpu.memory_space<hbm>>
    tpu.wait_dma2 semaphore(%arg41 : memref<!tpu.dma_semaphore, #tpu.memory_space<semaphore_mem>>) src(%arg14 : memref<8192xf32, #tpu.memory_space<vmem>>) dst(%dma_wait3A_508 : memref<8192xf32, #tpu.memory_space<hbm>>)
    %dma_wait3A_509 = tpu.memref_slice %arg4[%add3A_484] : memref<8388608xf32, #tpu.memory_space<hbm>> -> memref<8192xf32, #tpu.memory_space<hbm>>
    %dma_wait3A_510 = tpu.memref_slice %arg4[%add3A_484] : memref<8388608xf32, #tpu.memory_space<hbm>> -> memref<8192xf32, #tpu.memory_space<hbm>>
    tpu.wait_dma2 semaphore(%arg42 : memref<!tpu.dma_semaphore, #tpu.memory_space<semaphore_mem>>) src(%arg15 : memref<8192xf32, #tpu.memory_space<vmem>>) dst(%dma_wait3A_510 : memref<8192xf32, #tpu.memory_space<hbm>>)
    return
  }
}

</mosaic_0001>

<sc_bundles>
// kernel: kernel.3.cloned.1.call-start
scs
__scs_entry_jumppad:
0x0: {  	(pc) =	sbr.rel $0x88, $3  }
0x1: {  	(tag) =	ssettag $0x0;
	lr =	simm.s32 $0x1  }
0x2: {  	[smem:$0x3F9F] =	sst lr;
	_ =	strace $0xD0000000  }
0x3: {  	_ = 	snop  }
0x4: {  	_ = 	snop  }
0x5: {  	_ = 	snop  }
0x6: {  	_ = 	snop  }
0x7: {  	_ = 	snop  }
__scs_overlays_trampoline_lowered:
0x8: {  	[smem:$0x3FAE] =	sst s0  }
0x9: {  	[smem:$0x3FAF] =	sst s1  }
0xa: {  	[smem:$0x3FB0] =	sst s2  }
0xb: {  	[smem:$0x3FB1] =	sst s3  }
0xc: {  	[smem:$0x3FB2] =	sst s4  }
0xd: {  	[smem:$0x3FB3] =	sst s5  }
0xe: {  	[smem:$0x3FB4] =	sst s6  }
0xf: {  	[smem:$0x3FB5] =	sst s7  }
0x10: {  	[smem:$0x3FB6] =	sst s8  }
0x11: {  	[smem:$0x3FB7] =	sst s9;
	s0 =	simm.s32 @!p0 $0x0  }
0x12: {  	s1 =	sld [smem:$0x3F9D];
	s0 =	simm.s32 @p0 $0x1  }
0x13: {  	[smem:$0x3FB8] =	sst s0;
	s0 =	simm.s32 @!p1 $0x0  }
0x14: {  	s2 =	sld [smem:$0x3F9C];
	s0 =	simm.s32 @p1 $0x1  }
0x15: {  	[smem:$0x3FB9] =	sst s0;
	s0 =	simm.s32 @!p2 $0x0  }
0x16: {  	s3 =	sld [smem:$0x3FDB];
	s0 =	simm.s32 @p2 $0x1  }
0x17: {  	s4 =	simm.s32 $0x1BF5;
	[smem:$0x3FBB] =	sst s0  }
0x18: {  	s0 =	sld [smem:$0x3F9E];
	_ =	swait.ge [sflag:s4], $0x0  }
0x19: {  	s7 =	sld [smem:$0x3F9F]  }
0x1a: {  	s8 =	sadd.s32 $0xFFFFE003, lr  }
0x1b: {  	s9 =	sadd.s32 $0xFFFFFEF7, lr;
	s5 =	simm.s32 $0xFFFFFFFF;
	p2 =	slt.u32 s8, $0xFFFFF086  }
0x1c: {  	p1 =	slt.u32 s9, $0xF7A;
	s5 =	simm.s32 @!p2 $0x0  }
0x1d: {  	s5 =	simm.s32 @p1 $0x1;
	p0 =	seq.s32 s7, s2  }
0x1e: {  	s7 =	smul.u32 @!p0 $0xF7A, s2;
	p2 =	seq.s32 @!p0 s5, $0x0  }
0x1f: {  	s9 =	smul.u32 $0xF7A, s1;
	s8 =	simm.s32 @!p0 $0x1BF5;
	p2 =	por !p2, p0  }
0x20: {  	[sflag:s8] =	ssyncset.s32 @!p0 $0xFFFFF086;
	s6 =	sadd.s32 @!p0 s3, s7;
	s7 =	simm.s32 @!p0 $0x108  }
0x21: {  	s3 =	sadd.s32 s3, s9;
	s6 =	sadd.s32 @!p0 $0x88, s6;
	s7 =	simm.s32 @p2 $0x1082  }
0x22: {  	[simem:s7], [sflag:s8] =	dma.local @!p0 [hbm:s6], $0xF7A  }
0x23: {  	s9 =	sor.u32 $0xD0000000, s2;
	s6 =	simm.s32 $0x108;
	_ =	swait.ge @!p0 [sflag:s8], $0x0  }
0x24: {  	s3 =	sadd.s32 $0x88, s3;
	s6 =	simm.s32 @!p1 $0x1082;
	[sflag:s4] =	ssyncset.s32 $0xFFFFF086  }
0x25: {  	[simem:s6], [sflag:s4] =	dma.local [hbm:s3], $0xF7A  }
0x26: {  	[smem:$0x3F9F] =	sst s1;
	(tag) =	ssettag s2;
	_ =	strace s9  }
0x27: {  	s1 =	sld [smem:$0x3FAF]  }
0x28: {  	s2 =	sld [smem:$0x3FB0]  }
0x29: {  	s4 =	sld [smem:$0x3FB2]  }
0x2a: {  	p0 =	seq.s32 s5, $0x0;
	s5 =	sld [smem:$0x3FB3]  }
0x2b: {  	s6 =	sld [smem:$0x3FB4]  }
0x2c: {  	s7 =	sld [smem:$0x3FB5]  }
0x2d: {  	s3 =	simm.s32 $0x108;
	s8 =	sld [smem:$0x3FB6]  }
0x2e: {  	s3 =	simm.s32 @!p0 $0x1082;
	s9 =	sld [smem:$0x3FB7]  }
0x2f: {  	lr =	sadd.s32 s0, s3;
	s0 =	sld [smem:$0x3FAE]  }
0x30: {  	s3 =	sld [smem:$0x3FB1]  }
0x31: {  	[smem:$0x3FBA] =	sst s10  }
0x32: {  	s10 =	sld [smem:$0x3FB8];
	_ =	sdelay $0x3  }
0x33: {  	p0 =	seq.s32 s10, $0x1;
	s10 =	sld [smem:$0x3FBA];
	_ =	sdelay $0x3  }
0x34: {  	[smem:$0x3FBA] =	sst s10  }
0x35: {  	s10 =	sld [smem:$0x3FB9];
	_ =	sdelay $0x3  }
0x36: {  	p1 =	seq.s32 s10, $0x1;
	s10 =	sld [smem:$0x3FBA];
	_ =	sdelay $0x3  }
0x37: {  	[smem:$0x3FBA] =	sst s10  }
0x38: {  	s10 =	sld [smem:$0x3FBB]  }
0x39: {  	_ = 	snop;
	(pc) =	sbr.ind lr, $3  }
0x3a: {  	_ = 	snop  }
0x3b: {  	_ = 	snop  }
0x3c: {  	p2 =	seq.s32 s10, $0x1;
	s10 =	sld [smem:$0x3FBA]  }
0x3d: {  	_ =	shalt  }
0x3e: {  	_ =	shalt  }
0x3f: {  	_ =	shalt  }
0x40: {  	_ =	shalt  }
0x41: {  	_ =	shalt  }
0x42: {  	_ =	shalt  }
0x43: {  	_ =	shalt  }
0x44: {  	_ =	shalt  }
0x45: {  	_ =	shalt  }
0x46: {  	_ =	shalt  }
0x47: {  	_ =	shalt  }
0x48: {  	_ =	shalt  }
0x49: {  	_ =	shalt  }
0x4a: {  	_ =	shalt  }
0x4b: {  	_ =	shalt  }
0x4c: {  	_ =	shalt  }
0x4d: {  	_ =	shalt  }
0x4e: {  	_ =	shalt  }
0x4f: {  	_ =	shalt  }
0x50: {  	_ =	shalt  }
0x51: {  	_ =	shalt  }
0x52: {  	_ =	shalt  }
0x53: {  	_ =	shalt  }
0x54: {  	_ =	shalt  }
0x55: {  	_ =	shalt  }
0x56: {  	_ =	shalt  }
0x57: {  	_ =	shalt  }
0x58: {  	_ =	shalt  }
0x59: {  	_ =	shalt  }
0x5a: {  	_ =	shalt  }
0x5b: {  	_ =	shalt  }
0x5c: {  	_ =	shalt  }
0x5d: {  	_ =	shalt  }
0x5e: {  	_ =	shalt  }
0x5f: {  	_ =	shalt  }
0x60: {  	_ =	shalt  }
0x61: {  	_ =	shalt  }
0x62: {  	_ =	shalt  }
0x63: {  	_ =	shalt  }
0x64: {  	_ =	shalt  }
0x65: {  	_ =	shalt  }
0x66: {  	_ =	shalt  }
0x67: {  	_ =	shalt  }
0x68: {  	_ =	shalt  }
0x69: {  	_ =	shalt  }
0x6a: {  	_ =	shalt  }
0x6b: {  	_ =	shalt  }
0x6c: {  	_ =	shalt  }
0x6d: {  	_ =	shalt  }
0x6e: {  	_ =	shalt  }
0x6f: {  	_ =	shalt  }
0x70: {  	_ =	shalt  }
0x71: {  	_ =	shalt  }
0x72: {  	_ =	shalt  }
0x73: {  	_ =	shalt  }
0x74: {  	_ =	shalt  }
0x75: {  	_ =	shalt  }
0x76: {  	_ =	shalt  }
0x77: {  	_ =	shalt  }
0x78: {  	_ =	shalt  }
0x79: {  	_ =	shalt  }
0x7a: {  	_ =	shalt  }
0x7b: {  	_ =	shalt  }
0x7c: {  	_ =	shalt  }
0x7d: {  	_ =	shalt  }
0x7e: {  	_ =	shalt  }
0x7f: {  	_ =	shalt  }
0x80: {  	_ =	shalt  }
0x81: {  	_ =	shalt  }
0x82: {  	_ =	shalt  }
0x83: {  	_ =	shalt  }
0x84: {  	_ =	shalt  }
0x85: {  	_ =	shalt  }
0x86: {  	_ =	shalt  }
0x87: {  	_ =	shalt  }
.Lfunc_end0:
.L_simem_size_0:
called_computation.1_lowered:
.L_overlay_start_0:
0x88: {  	s2 =	sld [smem:$0x3FD9]  }
0x89: {  	s3 =	sld [smem:$0x3FFE];
	_ =	sdelay $0x1  }
0x8a: {  	s1 =	srdreg.scid  }
0x8b: {  	s0 =	sand.u32 $0x1, s1  }
0x8c: {  	s17 =	sshll.u32 s0, $0xA;
	s2 =	sadd.s32 s3, s2  }
0x8d: {  	s2 =	sadd.s32 s2, s17  }
0x8e: {  	[smem:$0x3FC6] =	sst s2  }
0x8f: {  	_ = 	snop  }
0x90: {  	s2 =	sld [smem:$0x3FD0];
	(tm) =	ssettm $0x1  }
0x91: {  	s18 =	sld [smem:$0x3FFB];
	_ =	sdelay $0x3  }
0x92: {  	_ =	strace s18  }
0x93: {  	s3 =	sld [smem:$0x3FFC];
	_ =	sdelay $0x3  }
0x94: {  	_ =	strace s3  }
0x95: {  	s3 =	sld [smem:$0x3FFD];
	_ =	sdelay $0x3  }
0x96: {  	_ =	strace s3  }
0x97: {  	_ =	strace $0x8FFFFFFF  }
0x98: {  	s19 =	sld [smem:$0x3FDB];
	_ =	sdelay $0x1  }
0x99: {  	s4 =	simm.s32 $_scs_section_size  }
0x9a: {  	s5 =	simm.s32 $_size__tile_overlayer_lowered;
	s6 =	simm.s32 $_tile_overlayer_lowered  }
0x9b: {  	s22 =	simm.s32 $0x1BFF;
	s21 =	sshll.u32 s6, $0x1;
	s3 =	sadd.s32 s4, s19  }
0x9c: {  	s7 =	simm.s32 $0x0;
	s20 =	sshll.u32 s5, $0x1;
	s5 =	sadd.s32 s21, s3  }
0x9d: {  	[timem:s7], [sflag:s22] =	dma.local [hbm:s5], s20  }
0x9e: {  	_ =	swait.ge [sflag:s22], s20  }
0x9f: {  	s4 =	ssub.s32 $0x0, s20;
	[sflag:s22] =	ssyncset.done $0x0  }
0xa0: {  	[sflag:s22] =	ssyncadd.s32 s4;
	_ =	sdelay $0x1  }
0xa1: {  	s23 =	simm.s32 $0x1B8B  }
0xa2: {  	_ =	swait.ge [sflag:s23], $0x1  }
0xa3: {  	[sflag:s23] =	ssyncset.done $0x0  }
0xa4: {  	s25 =	simm.s32 $0x1B8E;
	s24 =	sld [smem:$0x3FFE];
	[sflag:s23] =	ssyncadd.s32 $0xFFFFFFFF  }
0xa5: {  	s26 =	simm.s32 $execute0_lowered;
	[smem:$0x3FD2] =	sst s25  }
0xa6: {  	s5 =	sshll.u32 s26, $0x1;
	_ =	strace $0x80000049;
	[dreg:$0x1] =	wrdreg $0xFFFFFFFF  }
0xa7: {  	s28 =	simm.s32 $_size_execute0_lowered;
	s3 =	sadd.s32 s3, s5;
	[dreg:$0x0] =	wrdreg $0x0  }
0xa8: {  	s5 =	sshll.u32 s28, $0x1;
	[dreg:$0x2] =	wrdreg s3  }
0xa9: {  	[dreg:$0x3] =	wrdreg s5  }
0xaa: {  	[dreg:$0x4] =	wrdreg $0xC0  }
0xab: {  	_ =	task [dreg:s7], $0x5FFFF  }
0xac: {  	[dreg:$0x1] =	wrdreg $0xFFFFFFFF  }
0xad: {  	[dreg:$0x0] =	wrdreg $0x60  }
0xae: {  	[dreg:$0x2] =	wrdreg s2  }
0xaf: {  	[dreg:$0x3] =	wrdreg s24  }
0xb0: {  	[dreg:$0x4] =	wrdreg $0x9  }
0xb1: {  	_ =	task.clear_ibuf [dreg:s7], $0x5FFFF;
	_ =	strace $0x90000049  }
0xb2: {  	s29 =	simm.s32 $0x9;
	_ =	strace $0x8000004B  }
0xb3: {  	_ =	swait.ge [sflag:s29], $0x1  }
0xb4: {  	[sflag:s29] =	ssyncadd.s32 $0xFFFFFFFF  }
0xb5: {  	_ =	strace $0x9000004B  }
0xb6: {  	_ =	sfence  }
0xb7: {  	s30 =	sld [smem:$0x0];
	_ =	sdelay $0x2  }
0xb8: {  	s31 =	sshll.u32 s1, $0xD;
	s1 =	sshrl.u32 s1, $0x2  }
0xb9: {  	s3 =	sand.u32 $0x4000, s31;
	s1 =	sadd.s32 s1, s30  }
0xba: {  	s0 =	sor.u32 s3, s0;
	s1 =	sshll.u32 s1, $0x11  }
0xbb: {  	s0 =	sor.u32 s1, s0  }
0xbc: {  	s0 =	sadd.s32 $0x8F2B, s0  }
0xbd: {  	[sflag:s0] =	ssyncadd.remote.s32 $0x1  }
0xbe: {  	_ =	sfence.sel $0xFFFF  }
0xbf: {  	[dreg:$0x0] =	wrdreg $0xFFFFFFFF;
	(pc) =	sbr.abs _section_cstart, $3  }
0xc0: {  	[dreg:$0x1] =	wrdreg $0xFFFFFFFF  }
0xc1: {  	_ =	task.clear_ibuf [dreg:s7], $0x2FFFF;
	_ =	strace $0x9FFFFFFF  }
0xc2: {  	(tm) =	ssettm $0x7FFFFFFF  }
0xc3: {  	_ =	shalt  }
tec
execute0_lowered:
.L_overlay_start_1:
0x0: {  	(tag) =	ssettag $0x1  }
0x1: {  	s0 =	srdreg.scid  }
0x2: {  	s1 =	rddreg [dreg:$0x0];
	s3 =	stileid.u32;
	s0 =	sand.u32 $0x1, s0  }
0x3: {  	s4 =	rddreg [dreg:$0x1];
	s3 =	sshll.u32 s3, $0xE;
	s6 =	sshll.u32 s0, $0xD  }
0x4: {  	s2 =	simm.s32 $0x0;
	s5 =	sadd.s32 $0xA00, s4;
	s3 =	sor.u32 s6, s3  }
0x5: {  	[smem:$0x7FF] =	sst s2;
	s4 =	sadd.s32 $0x40A00, s4;
	s6 =	sadd.s32 s5, s3  }
0x6: {  	_ =	strace $0x8000004A;
	s16 =	sadd.s32 s1, s3;
	[dreg:$0x3] =	wrdreg s6  }
0x7: {  	s7 =	sor.u32 $0x40000, s3;
	s25 =	sadd.s32 s4, s3;
	[dreg:$0x4] =	wrdreg s16  }
0x8: {  	s8 =	sor.u32 $0x80000, s3;
	s17 =	sadd.s32 s1, s7;
	[dreg:$0xd] =	wrdreg s25  }
0x9: {  	s9 =	sor.u32 $0xC0000, s3;
	s18 =	sadd.s32 s1, s8;
	[dreg:$0x5] =	wrdreg s17  }
0xa: {  	s10 =	sor.u32 $0x400, s3;
	s19 =	sadd.s32 s1, s9;
	[dreg:$0x6] =	wrdreg s18  }
0xb: {  	s20 =	sadd.s32 s5, s10;
	[dreg:$0x7] =	wrdreg s19  }
0xc: {  	s11 =	sor.u32 $0x40400, s3;
	s21 =	sadd.s32 s1, s10;
	[dreg:$0x8] =	wrdreg s20  }
0xd: {  	s12 =	sor.u32 $0x80400, s3;
	s22 =	sadd.s32 s1, s11;
	[dreg:$0x9] =	wrdreg s21  }
0xe: {  	s13 =	sor.u32 $0xC0400, s3;
	s23 =	sadd.s32 s1, s12;
	[dreg:$0xa] =	wrdreg s22  }
0xf: {  	s24 =	sadd.s32 s1, s13;
	[dreg:$0xb] =	wrdreg s23  }
0x10: {  	s26 =	sadd.s32 s4, s7;
	[dreg:$0xc] =	wrdreg s24  }
0x11: {  	s7 =	sadd.s32 s4, s8;
	[dreg:$0xe] =	wrdreg s26  }
0x12: {  	s8 =	sadd.s32 s4, s9;
	[dreg:$0xf] =	wrdreg s7  }
0x13: {  	s10 =	sadd.s32 s4, s10;
	[dreg:$0x10] =	wrdreg s8  }
0x14: {  	s11 =	sadd.s32 s4, s11;
	[dreg:$0x16] =	wrdreg s10  }
0x15: {  	s12 =	sadd.s32 s4, s12;
	[dreg:$0x17] =	wrdreg s11  }
0x16: {  	s9 =	sor.u32 $0x800, s3;
	s15 =	sadd.s32 s4, s13;
	[dreg:$0x18] =	wrdreg s12  }
0x17: {  	s20 =	sadd.s32 s5, s9;
	[dreg:$0x19] =	wrdreg s15  }
0x18: {  	s14 =	sor.u32 $0xC0800, s3;
	s21 =	sadd.s32 s1, s9;
	[dreg:$0x11] =	wrdreg s20  }
0x19: {  	s22 =	sor.u32 $0x40800, s3;
	s26 =	sadd.s32 s1, s14;
	[dreg:$0x12] =	wrdreg s21  }
0x1a: {  	s24 =	sor.u32 $0x80800, s3;
	s23 =	sadd.s32 s1, s22;
	[dreg:$0x15] =	wrdreg s26  }
0x1b: {  	s10 =	sor.u32 $0xC00, s3;
	s25 =	sadd.s32 s1, s24;
	[dreg:$0x13] =	wrdreg s23  }
0x1c: {  	s16 =	sadd.s32 s5, s10;
	[dreg:$0x14] =	wrdreg s25  }
0x1d: {  	s11 =	sor.u32 $0x40C00, s3;
	s17 =	sadd.s32 s1, s10;
	[dreg:$0x1a] =	wrdreg s16  }
0x1e: {  	s12 =	sor.u32 $0x80C00, s3;
	s18 =	sadd.s32 s1, s11;
	[dreg:$0x1b] =	wrdreg s17  }
0x1f: {  	s13 =	sor.u32 $0xC0C00, s3;
	s19 =	sadd.s32 s1, s12;
	[dreg:$0x1c] =	wrdreg s18  }
0x20: {  	s20 =	sadd.s32 s1, s13;
	[dreg:$0x1d] =	wrdreg s19  }
0x21: {  	s21 =	sadd.s32 s4, s9;
	[dreg:$0x1e] =	wrdreg s20  }
0x22: {  	s7 =	sor.u32 $0x1000, s3;
	s22 =	sadd.s32 s4, s22;
	[dreg:$0x1f] =	wrdreg s21  }
0x23: {  	s8 =	sor.u32 $0x41000, s3;
	s26 =	sadd.s32 s1, s7;
	[smem:$0x7D3] =	sst s22  }
0x24: {  	s9 =	sadd.s32 s1, s8;
	[smem:$0x7D7] =	sst s26  }
0x25: {  	s23 =	sadd.s32 s4, s24;
	[smem:$0x7D8] =	sst s9  }
0x26: {  	s24 =	sadd.s32 s4, s14;
	[smem:$0x7D4] =	sst s23  }
0x27: {  	s25 =	sadd.s32 s5, s7;
	[smem:$0x7D5] =	sst s24  }
0x28: {  	s18 =	sadd.s32 s4, s10;
	[smem:$0x7D6] =	sst s25  }
0x29: {  	s19 =	sadd.s32 s4, s11;
	[smem:$0x7DB] =	sst s18  }
0x2a: {  	s20 =	sadd.s32 s4, s12;
	[smem:$0x7DC] =	sst s19  }
0x2b: {  	s14 =	sor.u32 $0x81000, s3;
	s21 =	sadd.s32 s4, s13;
	[smem:$0x7DD] =	sst s20  }
0x2c: {  	s16 =	sor.u32 $0xC1000, s3;
	s15 =	sadd.s32 s1, s14;
	[smem:$0x7DE] =	sst s21  }
0x2d: {  	s22 =	sor.u32 $0x1400, s3;
	s17 =	sadd.s32 s1, s16;
	[smem:$0x7D9] =	sst s15  }
0x2e: {  	s24 =	sadd.s32 s5, s22;
	[smem:$0x7DA] =	sst s17  }
0x2f: {  	s11 =	sor.u32 $0x41400, s3;
	s25 =	sadd.s32 s1, s22;
	[smem:$0x7DF] =	sst s24  }
0x30: {  	s12 =	sor.u32 $0x81400, s3;
	s26 =	sadd.s32 s1, s11;
	[smem:$0x7E0] =	sst s25  }
0x31: {  	s13 =	sadd.s32 s1, s12;
	[smem:$0x7E1] =	sst s26  }
0x32: {  	s22 =	sadd.s32 s4, s22;
	[smem:$0x7E2] =	sst s13  }
0x33: {  	s24 =	sadd.s32 s4, s7;
	[smem:$0x7ED] =	sst s22  }
0x34: {  	s25 =	sadd.s32 s4, s8;
	[smem:$0x7E4] =	sst s24  }
0x35: {  	s31 =	simm.s32 $0x1;
	s26 =	sadd.s32 s4, s14;
	[smem:$0x7E5] =	sst s25  }
0x36: {  	s18 =	sor.u32 $0x41800, s3;
	s7 =	sadd.s32 s4, s16;
	[smem:$0x7E6] =	sst s26  }
0x37: {  	s20 =	sor.u32 $0xC1800, s3;
	s9 =	sadd.s32 s1, s18;
	[smem:$0x7E7] =	sst s7  }
0x38: {  	s30 =	simm.s32 $0x6;
	s21 =	sadd.s32 s1, s20;
	[smem:$0x7EA] =	sst s9  }
0x39: {  	s29 =	simm.s32 $0x7;
	s18 =	sadd.s32 s4, s18;
	[smem:$0x7EC] =	sst s21  }
0x3a: {  	s15 =	sor.u32 $0xC1400, s3;
	s20 =	sadd.s32 s4, s20;
	[smem:$0x7F7] =	sst s18  }
0x3b: {  	s8 =	sor.u32 $0x1800, s3;
	s23 =	sadd.s32 s1, s15;
	[smem:$0x7F9] =	sst s20  }
0x3c: {  	s28 =	simm.s32 $0x2;
	s16 =	sadd.s32 s5, s8;
	[smem:$0x7E3] =	sst s23  }
0x3d: {  	s14 =	sor.u32 $0x81800, s3;
	s17 =	sadd.s32 s1, s8;
	[smem:$0x7E8] =	sst s16  }
0x3e: {  	p0 =	por $0x0, $0x0;
	s19 =	sadd.s32 s1, s14;
	[smem:$0x7E9] =	sst s17  }
0x3f: {  	s0 =	ssub.s32 $0x2, s0;
	s24 =	sadd.s32 s4, s12;
	[smem:$0x7EB] =	sst s19  }
0x40: {  	s6 =	simm.s32 $0x15;
	s25 =	sadd.s32 s4, s15;
	[smem:$0x7EF] =	sst s24  }
0x41: {  	s26 =	sor.u32 $0x1C00, s3;
	s23 =	sadd.s32 s4, s11;
	[smem:$0x7F0] =	sst s25  }
0x42: {  	s12 =	sor.u32 $0x41C00, s3;
	s5 =	sadd.s32 s5, s26;
	[smem:$0x7EE] =	sst s23  }
0x43: {  	s15 =	sor.u32 $0x81C00, s3;
	s11 =	sadd.s32 s1, s26;
	[smem:$0x7F1] =	sst s5  }
0x44: {  	s3 =	sor.u32 $0xC1C00, s3;
	s13 =	sadd.s32 s1, s12;
	[smem:$0x7F2] =	sst s11  }
0x45: {  	s20 =	simm.s32 $0xB;
	s16 =	sadd.s32 s1, s15;
	[smem:$0x7F3] =	sst s13  }
0x46: {  	s9 =	simm.s32 $0x16;
	s1 =	sadd.s32 s1, s3;
	[smem:$0x7F4] =	sst s16  }
0x47: {  	s17 =	sadd.s32 s4, s8;
	s19 =	sadd.s32 s4, s14;
	[smem:$0x7F5] =	sst s1  }
0x48: {  	s21 =	sadd.s32 s4, s26;
	s22 =	sadd.s32 s4, s12;
	[smem:$0x7F6] =	sst s17  }
0x49: {  	s24 =	sadd.s32 s4, s15;
	[smem:$0x7F8] =	sst s19;
	s23 =	sshrl.u32 s0, $0x1  }
0x4a: {  	s25 =	sadd.s32 s4, s3;
	[smem:$0x7FA] =	sst s21;
	s0 =	ssub.s32 s0, s23  }
0x4b: {  	s12 =	simm.s32 $0x8000;
	[smem:$0x7FB] =	sst s22;
	s26 =	smax.u32 s0, $0x1  }
0x4c: {  	s15 =	simm.s32 $0x13;
	[smem:$0x7FC] =	sst s24;
	p1 =	sne.s32 s26, $0x1  }
.Ltmp0:
0x4d: {  	s3 =	simm.s32 $0x17;
	[smem:$0x7FD] =	sst s25;
	(pc) =	sbr.rel @!p1 .LBB2_5-.Ltmp0, $4  }
0x4e: {  	s19 =	simm.s32 $0x6000;
	s5 =	simm.s32 $0xC000;
	s21 =	simm.s32 $0x2000  }
0x4f: {  	s1 =	simm.s32 $0x4;
	s25 =	simm.s32 $0x8;
	s22 =	simm.s32 $0x9  }
0x50: {  	s24 =	simm.s32 $0xA;
	s13 =	simm.s32 $0x11;
	s11 =	simm.s32 $0x14  }
0x51: {  	s17 =	rddreg [dreg:$0x3];
	s0 =	simm.s32 $0x5;
	s4 =	sadd.s32 $0xFFFFFFFF, s26  }
0x52: {  	s16 =	rddreg [dreg:$0x4]  }
0x53: {  	[tilespmem:s2], [sflag:$0x1] =	stream.linear.gather [hbm4b:s17+s2], $0x2000, $0x38;
	[tilespmem:$0x1E000] =	vst v63  }
0x54: {  	s18 =	rddreg [dreg:$0x5]  }
0x55: {  	[tilespmem:s19], [sflag:$0x4] =	stream.linear.gather [hbm4b:s16+s2], $0x2000, $0x38;
	[tilespmem:$0x1E000] =	vst v63  }
0x56: {  	s20 =	rddreg [dreg:$0x6]  }
0x57: {  	[tilespmem:s12], [sflag:$0x5] =	stream.linear.gather [hbm4b:s18+s2], $0x2000, $0x38;
	[tilespmem:$0x1E000] =	vst v63  }
0x58: {  	s22 =	rddreg [dreg:$0x7];
	s0 =	simm.s32 $0xA000  }
0x59: {  	[tilespmem:s0], [sflag:$0x6] =	stream.linear.gather [hbm4b:s20+s2], $0x2000, $0x38;
	[tilespmem:$0x1E000] =	vst v63  }
0x5a: {  	s23 =	rddreg [dreg:$0x8]  }
0x5b: {  	[tilespmem:s5], [sflag:$0x7] =	stream.linear.gather [hbm4b:s22+s2], $0x2000, $0x38;
	[tilespmem:$0x1E000] =	vst v63  }
0x5c: {  	s24 =	rddreg [dreg:$0x9]  }
0x5d: {  	[tilespmem:s21], [sflag:$0x2] =	stream.linear.gather [hbm4b:s23+s2], $0x2000, $0x38;
	[tilespmem:$0x1E000] =	vst v63  }
0x5e: {  	s25 =	rddreg [dreg:$0xa];
	s6 =	simm.s32 $0xE000  }
0x5f: {  	[tilespmem:s6], [sflag:$0x8] =	stream.linear.gather [hbm4b:s24+s2], $0x2000, $0x38;
	[tilespmem:$0x1E000] =	vst v63  }
0x60: {  	[smem:$0x7D2] =	sst s4;
	s4 =	simm.s32 $0x10000  }
0x61: {  	[tilespmem:s4], [sflag:$0x9] =	stream.linear.gather [hbm4b:s25+s2], $0x2000, $0x38;
	[tilespmem:$0x1E000] =	vst v63  }
0x62: {  	s29 =	rddreg [dreg:$0xb];
	s10 =	simm.s32 $0x12000  }
0x63: {  	[tilespmem:s10], [sflag:$0xA] =	stream.linear.gather [hbm4b:s29+s2], $0x2000, $0x38;
	[tilespmem:$0x1E000] =	vst v63  }
0x64: {  	s17 =	simm.s32 $0x14000;
	s0 =	simm.s32 $0x1;
	s5 =	rddreg [dreg:$0xc]  }
0x65: {  	[tilespmem:s17], [sflag:$0xB] =	stream.linear.gather [hbm4b:s5+s2], $0x2000, $0x38;
	[tilespmem:$0x1E000] =	vst v63  }
0x66: {  	_ =	swait.ge [sflag:s0], $0x2000  }
0x67: {  	[sflag:s0] =	ssyncset.done $0x0  }
0x68: {  	s8 =	simm.s32 $0x4;
	[sflag:s0] =	ssyncadd.s32 $0xFFFFE000  }
0x69: {  	_ =	swait.ge [sflag:s8], $0x2000  }
0x6a: {  	[sflag:s8] =	ssyncset.done $0x0  }
0x6b: {  	s1 =	simm.s32 $0x5;
	[sflag:s8] =	ssyncadd.s32 $0xFFFFE000  }
0x6c: {  	_ =	swait.ge [sflag:s1], $0x2000  }
0x6d: {  	[sflag:s1] =	ssyncset.done $0x0  }
0x6e: {  	s3 =	simm.s32 $0x6;
	[sflag:s1] =	ssyncadd.s32 $0xFFFFE000  }
0x6f: {  	_ =	swait.ge [sflag:s3], $0x2000  }
0x70: {  	[sflag:s3] =	ssyncset.done $0x0  }
0x71: {  	s31 =	simm.s32 $0x7;
	[sflag:s3] =	ssyncadd.s32 $0xFFFFE000  }
0x72: {  	_ =	swait.ge [sflag:s31], $0x2000  }
0x73: {  	[sflag:s31] =	ssyncset.done $0x0  }
0x74: {  	s29 =	rddreg [dreg:$0xd];
	[sflag:s31] =	ssyncadd.s32 $0xFFFFE000  }
0x75: {  	[hbm4b:s29+s2] =	stream.linear.scatter [tilespmem:s19], [sflag:$0x10], $0x2000, $0x38;
	[tilespmem:$0x1E000] =	vst v63  }
0x76: {  	s4 =	rddreg [dreg:$0xe]  }
0x77: {  	[hbm4b:s4+s2] =	stream.linear.scatter [tilespmem:s12], [sflag:$0x11], $0x2000, $0x38;
	[tilespmem:$0x1E000] =	vst v63  }
0x78: {  	s28 =	simm.s32 $0xA000;
	s5 =	rddreg [dreg:$0xf]  }
0x79: {  	[hbm4b:s5+s2] =	stream.linear.scatter [tilespmem:s28], [sflag:$0x12], $0x2000, $0x38;
	[tilespmem:$0x1E000] =	vst v63  }
0x7a: {  	s26 =	simm.s32 $0xC000;
	s29 =	rddreg [dreg:$0x10]  }
0x7b: {  	[hbm4b:s29+s2] =	stream.linear.scatter [tilespmem:s26], [sflag:$0x13], $0x2000, $0x38;
	[tilespmem:$0x1E000] =	vst v63  }
0x7c: {  	s5 =	rddreg [dreg:$0x11];
	s28 =	simm.s32 $0x4000  }
0x7d: {  	[tilespmem:s28], [sflag:$0x3] =	stream.linear.gather [hbm4b:s5+s2], $0x2000, $0x38;
	[tilespmem:$0x1E000] =	vst v63  }
0x7e: {  	s17 =	rddreg [dreg:$0x12];
	s29 =	simm.s32 $0x16000  }
0x7f: {  	[tilespmem:s29], [sflag:$0xC] =	stream.linear.gather [hbm4b:s17+s2], $0x2000, $0x38;
	[tilespmem:$0x1E000] =	vst v63  }
0x80: {  	s16 =	rddreg [dreg:$0x13];
	s5 =	simm.s32 $0x18000  }
0x81: {  	[tilespmem:s5], [sflag:$0xD] =	stream.linear.gather [hbm4b:s16+s2], $0x2000, $0x38;
	[tilespmem:$0x1E000] =	vst v63  }
0x82: {  	s17 =	rddreg [dreg:$0x14];
	s29 =	simm.s32 $0x1A000  }
0x83: {  	[tilespmem:s29], [sflag:$0xE] =	stream.linear.gather [hbm4b:s17+s2], $0x2000, $0x38;
	[tilespmem:$0x1E000] =	vst v63  }
0x84: {  	s30 =	simm.s32 $0x2;
	s16 =	rddreg [dreg:$0x15];
	s5 =	simm.s32 $0x1C000  }
0x85: {  	[tilespmem:s5], [sflag:$0xF] =	stream.linear.gather [hbm4b:s16+s2], $0x2000, $0x38;
	[tilespmem:$0x1E000] =	vst v63  }
0x86: {  	_ =	swait.ge [sflag:s30], $0x2000  }
0x87: {  	[sflag:s30] =	ssyncset.done $0x0  }
0x88: {  	s7 =	simm.s32 $0x8;
	[sflag:s30] =	ssyncadd.s32 $0xFFFFE000  }
0x89: {  	_ =	swait.ge [sflag:s7], $0x2000  }
0x8a: {  	[sflag:s7] =	ssyncset.done $0x0  }
0x8b: {  	s13 =	simm.s32 $0x9;
	[sflag:s7] =	ssyncadd.s32 $0xFFFFE000  }
0x8c: {  	_ =	swait.ge [sflag:s13], $0x2000  }
0x8d: {  	[sflag:s13] =	ssyncset.done $0x0  }
0x8e: {  	s14 =	simm.s32 $0xA;
	[sflag:s13] =	ssyncadd.s32 $0xFFFFE000  }
0x8f: {  	_ =	swait.ge [sflag:s14], $0x2000  }
0x90: {  	[sflag:s14] =	ssyncset.done $0x0  }
0x91: {  	s18 =	simm.s32 $0xB;
	[sflag:s14] =	ssyncadd.s32 $0xFFFFE000  }
0x92: {  	_ =	swait.ge [sflag:s18], $0x2000  }
0x93: {  	[sflag:s18] =	ssyncset.done $0x0  }
0x94: {  	s22 =	simm.s32 $0xE000;
	s17 =	rddreg [dreg:$0x16];
	[sflag:s18] =	ssyncadd.s32 $0xFFFFE000  }
0x95: {  	[hbm4b:s17+s2] =	stream.linear.scatter [tilespmem:s22], [sflag:$0x14], $0x2000, $0x38;
	[tilespmem:$0x1E000] =	vst v63  }
0x96: {  	s24 =	simm.s32 $0x10000;
	s28 =	rddreg [dreg:$0x17]  }
0x97: {  	[hbm4b:s28+s2] =	stream.linear.scatter [tilespmem:s24], [sflag:$0x15], $0x2000, $0x38;
	[tilespmem:$0x1E000] =	vst v63  }
0x98: {  	s25 =	simm.s32 $0x12000;
	s29 =	rddreg [dreg:$0x18]  }
0x99: {  	[hbm4b:s29+s2] =	stream.linear.scatter [tilespmem:s25], [sflag:$0x16], $0x2000, $0x38;
	[tilespmem:$0x1E000] =	vst v63  }
0x9a: {  	s20 =	simm.s32 $0x10;
	s10 =	simm.s32 $0x14000;
	s5 =	rddreg [dreg:$0x19]  }
0x9b: {  	[hbm4b:s5+s2] =	stream.linear.scatter [tilespmem:s10], [sflag:$0x17], $0x2000, $0x38;
	[tilespmem:$0x1E000] =	vst v63  }
0x9c: {  	_ =	swait.ge [sflag:s20], $0x2000  }
0x9d: {  	[sflag:s20] =	ssyncset.done $0x0  }
0x9e: {  	s15 =	simm.s32 $0x11;
	[sflag:s20] =	ssyncadd.s32 $0xFFFFE000  }
0x9f: {  	_ =	swait.ge [sflag:s15], $0x2000  }
0xa0: {  	[sflag:s15] =	ssyncset.done $0x0  }
0xa1: {  	s11 =	simm.s32 $0x12;
	[sflag:s15] =	ssyncadd.s32 $0xFFFFE000  }
0xa2: {  	_ =	swait.ge [sflag:s11], $0x2000  }
0xa3: {  	[sflag:s11] =	ssyncset.done $0x0  }
0xa4: {  	s6 =	simm.s32 $0x13;
	[sflag:s11] =	ssyncadd.s32 $0xFFFFE000  }
0xa5: {  	_ =	swait.ge [sflag:s6], $0x2000  }
0xa6: {  	[sflag:s6] =	ssyncset.done $0x0  }
0xa7: {  	s22 =	rddreg [dreg:$0x1a];
	[sflag:s6] =	ssyncadd.s32 $0xFFFFE000  }
0xa8: {  	[tilespmem:s2], [sflag:$0x1] =	stream.linear.gather [hbm4b:s22+s2], $0x2000, $0x38;
	[tilespmem:$0x1E000] =	vst v63  }
0xa9: {  	s24 =	rddreg [dreg:$0x1b]  }
0xaa: {  	[tilespmem:s19], [sflag:$0x4] =	stream.linear.gather [hbm4b:s24+s2], $0x2000, $0x38;
	[tilespmem:$0x1E000] =	vst v63  }
0xab: {  	s25 =	rddreg [dreg:$0x1c]  }
0xac: {  	[tilespmem:s12], [sflag:$0x5] =	stream.linear.gather [hbm4b:s25+s2], $0x2000, $0x38;
	[tilespmem:$0x1E000] =	vst v63  }
0xad: {  	s4 =	simm.s32 $0xA000;
	s28 =	rddreg [dreg:$0x1d]  }
0xae: {  	[tilespmem:s4], [sflag:$0x6] =	stream.linear.gather [hbm4b:s28+s2], $0x2000, $0x38;
	[tilespmem:$0x1E000] =	vst v63  }
0xaf: {  	s26 =	simm.s32 $0xC000;
	s29 =	rddreg [dreg:$0x1e];
	s24 =	simm.s32 $0x3  }
0xb0: {  	[tilespmem:s26], [sflag:$0x7] =	stream.linear.gather [hbm4b:s29+s2], $0x2000, $0x38;
	[tilespmem:$0x1E000] =	vst v63  }
0xb1: {  	_ =	swait.ge [sflag:s24], $0x2000  }
0xb2: {  	[sflag:s24] =	ssyncset.done $0x0  }
0xb3: {  	s22 =	simm.s32 $0xC;
	[sflag:s24] =	ssyncadd.s32 $0xFFFFE000  }
0xb4: {  	_ =	swait.ge [sflag:s22], $0x2000  }
0xb5: {  	[sflag:s22] =	ssyncset.done $0x0  }
0xb6: {  	s28 =	simm.s32 $0xD;
	[sflag:s22] =	ssyncadd.s32 $0xFFFFE000  }
0xb7: {  	_ =	swait.ge [sflag:s28], $0x2000  }
0xb8: {  	[sflag:s28] =	ssyncset.done $0x0  }
0xb9: {  	s25 =	simm.s32 $0xE;
	[sflag:s28] =	ssyncadd.s32 $0xFFFFE000  }
0xba: {  	_ =	swait.ge [sflag:s25], $0x2000  }
0xbb: {  	[sflag:s25] =	ssyncset.done $0x0  }
0xbc: {  	s29 =	simm.s32 $0xF;
	[sflag:s25] =	ssyncadd.s32 $0xFFFFE000  }
0xbd: {  	_ =	swait.ge [sflag:s29], $0x2000  }
0xbe: {  	s5 =	rddreg [dreg:$0x1f];
	[sflag:s29] =	ssyncset.done $0x0  }
0xbf: {  	s4 =	simm.s32 $0x16000;
	s10 =	sld [smem:$0x7D3];
	[sflag:s29] =	ssyncadd.s32 $0xFFFFE000  }
0xc0: {  	[hbm4b:s5+s2] =	stream.linear.scatter [tilespmem:s4], [sflag:$0x18], $0x2000, $0x38;
	[tilespmem:$0x1E000] =	vst v63  }
0xc1: {  	s16 =	sld [smem:$0x7D4];
	s5 =	simm.s32 $0x18000  }
0xc2: {  	[hbm4b:s10+s2] =	stream.linear.scatter [tilespmem:s5], [sflag:$0x19], $0x2000, $0x38;
	[tilespmem:$0x1E000] =	vst v63  }
0xc3: {  	s17 =	sld [smem:$0x7D5];
	s10 =	simm.s32 $0x1A000  }
0xc4: {  	[hbm4b:s16+s2] =	stream.linear.scatter [tilespmem:s10], [sflag:$0x1A], $0x2000, $0x38;
	[tilespmem:$0x1E000] =	vst v63  }
0xc5: {  	s11 =	simm.s32 $0x14;
	s16 =	simm.s32 $0x1C000  }
0xc6: {  	[hbm4b:s17+s2] =	stream.linear.scatter [tilespmem:s16], [sflag:$0x1B], $0x2000, $0x38;
	[tilespmem:$0x1E000] =	vst v63  }
0xc7: {  	_ =	swait.ge [sflag:s11], $0x2000  }
0xc8: {  	[sflag:s11] =	ssyncset.done $0x0  }
0xc9: {  	s9 =	simm.s32 $0x15;
	[sflag:s11] =	ssyncadd.s32 $0xFFFFE000  }
0xca: {  	_ =	swait.ge [sflag:s9], $0x2000  }
0xcb: {  	[sflag:s9] =	ssyncset.done $0x0  }
0xcc: {  	s23 =	simm.s32 $0x16;
	[sflag:s9] =	ssyncadd.s32 $0xFFFFE000  }
0xcd: {  	_ =	swait.ge [sflag:s23], $0x2000  }
0xce: {  	[sflag:s23] =	ssyncset.done $0x0  }
0xcf: {  	s16 =	simm.s32 $0x17;
	[sflag:s23] =	ssyncadd.s32 $0xFFFFE000  }
0xd0: {  	_ =	swait.ge [sflag:s16], $0x2000  }
0xd1: {  	s17 =	simm.s32 $0x17;
	s16 =	sld [smem:$0x7D6]  }
0xd2: {  	[sflag:s17] =	ssyncset.done $0x0;
	s17 =	simm.s32 $0x17  }
0xd3: {  	[sflag:s17] =	ssyncadd.s32 $0xFFFFE000;
	s17 =	sld [smem:$0x7D7]  }
0xd4: {  	[tilespmem:s21], [sflag:$0x2] =	stream.linear.gather [hbm4b:s16+s2], $0x2000, $0x38;
	[tilespmem:$0x1E000] =	vst v63  }
0xd5: {  	s9 =	simm.s32 $0xE000;
	s16 =	sld [smem:$0x7D8]  }
0xd6: {  	[tilespmem:s9], [sflag:$0x8] =	stream.linear.gather [hbm4b:s17+s2], $0x2000, $0x38;
	[tilespmem:$0x1E000] =	vst v63  }
0xd7: {  	s17 =	sld [smem:$0x7D9];
	s9 =	simm.s32 $0x10000  }
0xd8: {  	[tilespmem:s9], [sflag:$0x9] =	stream.linear.gather [hbm4b:s16+s2], $0x2000, $0x38;
	[tilespmem:$0x1E000] =	vst v63  }
0xd9: {  	s16 =	sld [smem:$0x7DA];
	s9 =	simm.s32 $0x12000  }
0xda: {  	[tilespmem:s9], [sflag:$0xA] =	stream.linear.gather [hbm4b:s17+s2], $0x2000, $0x38;
	[tilespmem:$0x1E000] =	vst v63  }
0xdb: {  	s17 =	simm.s32 $0x14000  }
0xdc: {  	[tilespmem:s17], [sflag:$0xB] =	stream.linear.gather [hbm4b:s16+s2], $0x2000, $0x38;
	[tilespmem:$0x1E000] =	vst v63  }
0xdd: {  	_ =	swait.ge [sflag:s0], $0x2000  }
0xde: {  	[sflag:s0] =	ssyncset.done $0x0  }
0xdf: {  	[sflag:s0] =	ssyncadd.s32 $0xFFFFE000  }
0xe0: {  	_ =	swait.ge [sflag:s8], $0x2000  }
0xe1: {  	[sflag:s8] =	ssyncset.done $0x0  }
0xe2: {  	[sflag:s8] =	ssyncadd.s32 $0xFFFFE000  }
0xe3: {  	_ =	swait.ge [sflag:s1], $0x2000  }
0xe4: {  	[sflag:s1] =	ssyncset.done $0x0  }
0xe5: {  	[sflag:s1] =	ssyncadd.s32 $0xFFFFE000  }
0xe6: {  	_ =	swait.ge [sflag:s3], $0x2000  }
0xe7: {  	[sflag:s3] =	ssyncset.done $0x0  }
0xe8: {  	[sflag:s3] =	ssyncadd.s32 $0xFFFFE000  }
0xe9: {  	_ =	swait.ge [sflag:s31], $0x2000  }
0xea: {  	s17 =	sld [smem:$0x7DB]  }
0xeb: {  	[sflag:s31] =	ssyncset.done $0x0  }
0xec: {  	s9 =	sld [smem:$0x7DC];
	[sflag:s31] =	ssyncadd.s32 $0xFFFFE000  }
0xed: {  	[hbm4b:s17+s2] =	stream.linear.scatter [tilespmem:s19], [sflag:$0x10], $0x2000, $0x38;
	[tilespmem:$0x1E000] =	vst v63  }
0xee: {  	s16 =	sld [smem:$0x7DD]  }
0xef: {  	[hbm4b:s9+s2] =	stream.linear.scatter [tilespmem:s12], [sflag:$0x11], $0x2000, $0x38;
	[tilespmem:$0x1E000] =	vst v63  }
0xf0: {  	s17 =	sld [smem:$0x7DE];
	s9 =	simm.s32 $0xA000  }
0xf1: {  	[hbm4b:s16+s2] =	stream.linear.scatter [tilespmem:s9], [sflag:$0x12], $0x2000, $0x38;
	[tilespmem:$0x1E000] =	vst v63  }
0xf2: {  	s26 =	simm.s32 $0xC000  }
0xf3: {  	[hbm4b:s17+s2] =	stream.linear.scatter [tilespmem:s26], [sflag:$0x13], $0x2000, $0x38;
	[tilespmem:$0x1E000] =	vst v63  }
0xf4: {  	s26 =	simm.s32 $0x18  }
0xf5: {  	_ =	swait.ge [sflag:s26], $0x2000  }
0xf6: {  	[sflag:s26] =	ssyncset.done $0x0  }
0xf7: {  	s16 =	simm.s32 $0x19;
	[sflag:s26] =	ssyncadd.s32 $0xFFFFE000  }
0xf8: {  	_ =	swait.ge [sflag:s16], $0x2000  }
0xf9: {  	[sflag:s16] =	ssyncset.done $0x0  }
0xfa: {  	s17 =	simm.s32 $0x1A;
	[sflag:s16] =	ssyncadd.s32 $0xFFFFE000  }
0xfb: {  	_ =	swait.ge [sflag:s17], $0x2000  }
0xfc: {  	[sflag:s17] =	ssyncset.done $0x0  }
0xfd: {  	s26 =	simm.s32 $0x1B;
	[sflag:s17] =	ssyncadd.s32 $0xFFFFE000  }
0xfe: {  	_ =	swait.ge [sflag:s26], $0x2000  }
0xff: {  	s16 =	sld [smem:$0x7DF]  }
0x100: {  	[sflag:s26] =	ssyncset.done $0x0  }
0x101: {  	s9 =	simm.s32 $0x4000;
	s17 =	sld [smem:$0x7E0];
	[sflag:s26] =	ssyncadd.s32 $0xFFFFE000  }
0x102: {  	[tilespmem:s9], [sflag:$0x3] =	stream.linear.gather [hbm4b:s16+s2], $0x2000, $0x38;
	[tilespmem:$0x1E000] =	vst v63  }
0x103: {  	s9 =	sld [smem:$0x7E1]  }
0x104: {  	[tilespmem:s4], [sflag:$0xC] =	stream.linear.gather [hbm4b:s17+s2], $0x2000, $0x38;
	[tilespmem:$0x1E000] =	vst v63  }
0x105: {  	s17 =	sld [smem:$0x7E2]  }
0x106: {  	[tilespmem:s5], [sflag:$0xD] =	stream.linear.gather [hbm4b:s9+s2], $0x2000, $0x38;
	[tilespmem:$0x1E000] =	vst v63  }
0x107: {  	s5 =	sld [smem:$0x7E3];
	s9 =	simm.s32 $0x1A000  }
0x108: {  	[tilespmem:s9], [sflag:$0xE] =	stream.linear.gather [hbm4b:s17+s2], $0x2000, $0x38;
	[tilespmem:$0x1E000] =	vst v63  }
0x109: {  	s17 =	simm.s32 $0x1C000  }
0x10a: {  	[tilespmem:s17], [sflag:$0xF] =	stream.linear.gather [hbm4b:s5+s2], $0x2000, $0x38;
	[tilespmem:$0x1E000] =	vst v63  }
0x10b: {  	_ =	swait.ge [sflag:s30], $0x2000  }
0x10c: {  	[sflag:s30] =	ssyncset.done $0x0  }
0x10d: {  	[sflag:s30] =	ssyncadd.s32 $0xFFFFE000  }
0x10e: {  	_ =	swait.ge [sflag:s7], $0x2000  }
0x10f: {  	[sflag:s7] =	ssyncset.done $0x0  }
0x110: {  	[sflag:s7] =	ssyncadd.s32 $0xFFFFE000  }
0x111: {  	_ =	swait.ge [sflag:s13], $0x2000  }
0x112: {  	[sflag:s13] =	ssyncset.done $0x0  }
0x113: {  	[sflag:s13] =	ssyncadd.s32 $0xFFFFE000  }
0x114: {  	_ =	swait.ge [sflag:s14], $0x2000  }
0x115: {  	[sflag:s14] =	ssyncset.done $0x0  }
0x116: {  	[sflag:s14] =	ssyncadd.s32 $0xFFFFE000  }
0x117: {  	_ =	swait.ge [sflag:s18], $0x2000  }
0x118: {  	s16 =	sld [smem:$0x7E4]  }
0x119: {  	[sflag:s18] =	ssyncset.done $0x0  }
0x11a: {  	s5 =	simm.s32 $0xE000;
	s17 =	sld [smem:$0x7E5];
	[sflag:s18] =	ssyncadd.s32 $0xFFFFE000  }
0x11b: {  	[hbm4b:s16+s2] =	stream.linear.scatter [tilespmem:s5], [sflag:$0x14], $0x2000, $0x38;
	[tilespmem:$0x1E000] =	vst v63  }
0x11c: {  	s16 =	sld [smem:$0x7E6];
	s5 =	simm.s32 $0x10000  }
0x11d: {  	[hbm4b:s17+s2] =	stream.linear.scatter [tilespmem:s5], [sflag:$0x15], $0x2000, $0x38;
	[tilespmem:$0x1E000] =	vst v63  }
0x11e: {  	s17 =	sld [smem:$0x7E7];
	s5 =	simm.s32 $0x12000  }
0x11f: {  	[hbm4b:s16+s2] =	stream.linear.scatter [tilespmem:s5], [sflag:$0x16], $0x2000, $0x38;
	[tilespmem:$0x1E000] =	vst v63  }
0x120: {  	s16 =	simm.s32 $0x14000  }
0x121: {  	[hbm4b:s17+s2] =	stream.linear.scatter [tilespmem:s16], [sflag:$0x17], $0x2000, $0x38;
	[tilespmem:$0x1E000] =	vst v63  }
0x122: {  	_ =	swait.ge [sflag:s20], $0x2000  }
0x123: {  	[sflag:s20] =	ssyncset.done $0x0  }
0x124: {  	[sflag:s20] =	ssyncadd.s32 $0xFFFFE000  }
0x125: {  	_ =	swait.ge [sflag:s15], $0x2000  }
0x126: {  	[sflag:s15] =	ssyncset.done $0x0  }
0x127: {  	s10 =	simm.s32 $0x12;
	[sflag:s15] =	ssyncadd.s32 $0xFFFFE000  }
0x128: {  	_ =	swait.ge [sflag:s10], $0x2000  }
0x129: {  	[sflag:s10] =	ssyncset.done $0x0  }
0x12a: {  	[sflag:s10] =	ssyncadd.s32 $0xFFFFE000  }
0x12b: {  	_ =	swait.ge [sflag:s6], $0x2000  }
0x12c: {  	s20 =	sld [smem:$0x7E8]  }
0x12d: {  	[sflag:s6] =	ssyncset.done $0x0  }
0x12e: {  	s15 =	sld [smem:$0x7E9];
	[sflag:s6] =	ssyncadd.s32 $0xFFFFE000  }
0x12f: {  	[tilespmem:s2], [sflag:$0x1] =	stream.linear.gather [hbm4b:s20+s2], $0x2000, $0x38;
	[tilespmem:$0x1E000] =	vst v63  }
0x130: {  	s20 =	sld [smem:$0x7EA]  }
0x131: {  	[tilespmem:s19], [sflag:$0x4] =	stream.linear.gather [hbm4b:s15+s2], $0x2000, $0x38;
	[tilespmem:$0x1E000] =	vst v63  }
0x132: {  	s15 =	sld [smem:$0x7EB]  }
0x133: {  	[tilespmem:s12], [sflag:$0x5] =	stream.linear.gather [hbm4b:s20+s2], $0x2000, $0x38;
	[tilespmem:$0x1E000] =	vst v63  }
0x134: {  	s16 =	sld [smem:$0x7EC];
	s20 =	simm.s32 $0xA000  }
0x135: {  	[tilespmem:s20], [sflag:$0x6] =	stream.linear.gather [hbm4b:s15+s2], $0x2000, $0x38;
	[tilespmem:$0x1E000] =	vst v63  }
0x136: {  	s20 =	simm.s32 $0xC000  }
0x137: {  	[tilespmem:s20], [sflag:$0x7] =	stream.linear.gather [hbm4b:s16+s2], $0x2000, $0x38;
	[tilespmem:$0x1E000] =	vst v63  }
0x138: {  	_ =	swait.ge [sflag:s24], $0x2000  }
0x139: {  	[sflag:s24] =	ssyncset.done $0x0  }
0x13a: {  	[sflag:s24] =	ssyncadd.s32 $0xFFFFE000  }
0x13b: {  	_ =	swait.ge [sflag:s22], $0x2000  }
0x13c: {  	[sflag:s22] =	ssyncset.done $0x0  }
0x13d: {  	[sflag:s22] =	ssyncadd.s32 $0xFFFFE000  }
0x13e: {  	_ =	swait.ge [sflag:s28], $0x2000  }
0x13f: {  	[sflag:s28] =	ssyncset.done $0x0  }
0x140: {  	[sflag:s28] =	ssyncadd.s32 $0xFFFFE000  }
0x141: {  	_ =	swait.ge [sflag:s25], $0x2000  }
0x142: {  	[sflag:s25] =	ssyncset.done $0x0  }
0x143: {  	[sflag:s25] =	ssyncadd.s32 $0xFFFFE000  }
0x144: {  	_ =	swait.ge [sflag:s29], $0x2000  }
0x145: {  	s25 =	sld [smem:$0x7ED]  }
0x146: {  	[sflag:s29] =	ssyncset.done $0x0  }
0x147: {  	s28 =	sld [smem:$0x7EE];
	[sflag:s29] =	ssyncadd.s32 $0xFFFFE000;
	s29 =	simm.s32 $0x16000  }
0x148: {  	[hbm4b:s25+s2] =	stream.linear.scatter [tilespmem:s29], [sflag:$0x18], $0x2000, $0x38;
	[tilespmem:$0x1E000] =	vst v63  }
0x149: {  	s4 =	simm.s32 $0x18000;
	s22 =	sld [smem:$0x7EF]  }
0x14a: {  	[hbm4b:s28+s2] =	stream.linear.scatter [tilespmem:s4], [sflag:$0x19], $0x2000, $0x38;
	[tilespmem:$0x1E000] =	vst v63  }
0x14b: {  	s24 =	sld [smem:$0x7F0]  }
0x14c: {  	[hbm4b:s22+s2] =	stream.linear.scatter [tilespmem:s9], [sflag:$0x1A], $0x2000, $0x38;
	[tilespmem:$0x1E000] =	vst v63  }
0x14d: {  	s25 =	simm.s32 $0x1C000  }
0x14e: {  	[hbm4b:s24+s2] =	stream.linear.scatter [tilespmem:s25], [sflag:$0x1B], $0x2000, $0x38;
	[tilespmem:$0x1E000] =	vst v63  }
0x14f: {  	_ =	swait.ge [sflag:s11], $0x2000  }
0x150: {  	[sflag:s11] =	ssyncset.done $0x0  }
0x151: {  	s6 =	simm.s32 $0x15;
	[sflag:s11] =	ssyncadd.s32 $0xFFFFE000  }
0x152: {  	_ =	swait.ge [sflag:s6], $0x2000  }
0x153: {  	[sflag:s6] =	ssyncset.done $0x0  }
0x154: {  	[sflag:s6] =	ssyncadd.s32 $0xFFFFE000  }
0x155: {  	_ =	swait.ge [sflag:s23], $0x2000  }
0x156: {  	[sflag:s23] =	ssyncset.done $0x0  }
0x157: {  	s28 =	simm.s32 $0x17;
	[sflag:s23] =	ssyncadd.s32 $0xFFFFE000  }
0x158: {  	_ =	swait.ge [sflag:s28], $0x2000  }
0x159: {  	s9 =	simm.s32 $0x17;
	s29 =	sld [smem:$0x7F1]  }
0x15a: {  	s17 =	simm.s32 $0x17;
	[sflag:s9] =	ssyncset.done $0x0  }
0x15b: {  	s22 =	sld [smem:$0x7F2];
	[sflag:s17] =	ssyncadd.s32 $0xFFFFE000  }
0x15c: {  	[tilespmem:s21], [sflag:$0x2] =	stream.linear.gather [hbm4b:s29+s2], $0x2000, $0x38;
	[tilespmem:$0x1E000] =	vst v63  }
0x15d: {  	s24 =	simm.s32 $0xE000;
	s23 =	sld [smem:$0x7F3]  }
0x15e: {  	[tilespmem:s24], [sflag:$0x8] =	stream.linear.gather [hbm4b:s22+s2], $0x2000, $0x38;
	[tilespmem:$0x1E000] =	vst v63  }
0x15f: {  	s29 =	sld [smem:$0x7F4];
	s22 =	simm.s32 $0x10000  }
0x160: {  	[tilespmem:s22], [sflag:$0x9] =	stream.linear.gather [hbm4b:s23+s2], $0x2000, $0x38;
	[tilespmem:$0x1E000] =	vst v63  }
0x161: {  	s28 =	simm.s32 $0x12000;
	s25 =	sld [smem:$0x7F5]  }
0x162: {  	[tilespmem:s28], [sflag:$0xA] =	stream.linear.gather [hbm4b:s29+s2], $0x2000, $0x38;
	[tilespmem:$0x1E000] =	vst v63  }
0x163: {  	s29 =	simm.s32 $0x14000  }
0x164: {  	[tilespmem:s29], [sflag:$0xB] =	stream.linear.gather [hbm4b:s25+s2], $0x2000, $0x38;
	[tilespmem:$0x1E000] =	vst v63  }
0x165: {  	_ =	swait.ge [sflag:s0], $0x2000  }
0x166: {  	[sflag:s0] =	ssyncset.done $0x0  }
0x167: {  	[sflag:s0] =	ssyncadd.s32 $0xFFFFE000  }
0x168: {  	_ =	swait.ge [sflag:s8], $0x2000  }
0x169: {  	[sflag:s8] =	ssyncset.done $0x0  }
0x16a: {  	[sflag:s8] =	ssyncadd.s32 $0xFFFFE000  }
0x16b: {  	_ =	swait.ge [sflag:s1], $0x2000  }
0x16c: {  	[sflag:s1] =	ssyncset.done $0x0  }
0x16d: {  	[sflag:s1] =	ssyncadd.s32 $0xFFFFE000  }
0x16e: {  	_ =	swait.ge [sflag:s3], $0x2000  }
0x16f: {  	[sflag:s3] =	ssyncset.done $0x0  }
0x170: {  	[sflag:s3] =	ssyncadd.s32 $0xFFFFE000  }
0x171: {  	_ =	swait.ge [sflag:s31], $0x2000  }
0x172: {  	s0 =	sld [smem:$0x7F6]  }
0x173: {  	[sflag:s31] =	ssyncset.done $0x0  }
0x174: {  	s1 =	sld [smem:$0x7F7];
	[sflag:s31] =	ssyncadd.s32 $0xFFFFE000  }
0x175: {  	[hbm4b:s0+s2] =	stream.linear.scatter [tilespmem:s19], [sflag:$0x10], $0x2000, $0x38;
	[tilespmem:$0x1E000] =	vst v63  }
0x176: {  	s3 =	sld [smem:$0x7F8]  }
0x177: {  	[hbm4b:s1+s2] =	stream.linear.scatter [tilespmem:s12], [sflag:$0x11], $0x2000, $0x38;
	[tilespmem:$0x1E000] =	vst v63  }
0x178: {  	s8 =	sld [smem:$0x7F9];
	s12 =	simm.s32 $0xA000  }
0x179: {  	[hbm4b:s3+s2] =	stream.linear.scatter [tilespmem:s12], [sflag:$0x12], $0x2000, $0x38;
	[tilespmem:$0x1E000] =	vst v63  }
0x17a: {  	s20 =	simm.s32 $0xC000  }
0x17b: {  	[hbm4b:s8+s2] =	stream.linear.scatter [tilespmem:s20], [sflag:$0x13], $0x2000, $0x38;
	[tilespmem:$0x1E000] =	vst v63  }
0x17c: {  	_ =	swait.ge [sflag:s30], $0x2000  }
0x17d: {  	[sflag:s30] =	ssyncset.done $0x0  }
0x17e: {  	[sflag:s30] =	ssyncadd.s32 $0xFFFFE000  }
0x17f: {  	_ =	swait.ge [sflag:s7], $0x2000  }
0x180: {  	[sflag:s7] =	ssyncset.done $0x0  }
0x181: {  	[sflag:s7] =	ssyncadd.s32 $0xFFFFE000  }
0x182: {  	_ =	swait.ge [sflag:s13], $0x2000  }
0x183: {  	[sflag:s13] =	ssyncset.done $0x0  }
0x184: {  	[sflag:s13] =	ssyncadd.s32 $0xFFFFE000  }
0x185: {  	_ =	swait.ge [sflag:s14], $0x2000  }
0x186: {  	[sflag:s14] =	ssyncset.done $0x0  }
0x187: {  	[sflag:s14] =	ssyncadd.s32 $0xFFFFE000  }
0x188: {  	_ =	swait.ge [sflag:s18], $0x2000  }
0x189: {  	s19 =	sld [smem:$0x7FA]  }
0x18a: {  	[sflag:s18] =	ssyncset.done $0x0  }
0x18b: {  	s20 =	sld [smem:$0x7FB];
	[sflag:s18] =	ssyncadd.s32 $0xFFFFE000  }
0x18c: {  	[hbm4b:s19+s2] =	stream.linear.scatter [tilespmem:s24], [sflag:$0x14], $0x2000, $0x38;
	[tilespmem:$0x1E000] =	vst v63  }
0x18d: {  	s23 =	simm.s32 $0x10000;
	s24 =	sld [smem:$0x7FC]  }
0x18e: {  	[hbm4b:s20+s2] =	stream.linear.scatter [tilespmem:s23], [sflag:$0x15], $0x2000, $0x38;
	[tilespmem:$0x1E000] =	vst v63  }
0x18f: {  	s25 =	sld [smem:$0x7FD]  }
0x190: {  	[hbm4b:s24+s2] =	stream.linear.scatter [tilespmem:s28], [sflag:$0x16], $0x2000, $0x38;
	[tilespmem:$0x1E000] =	vst v63  }
0x191: {  	s28 =	simm.s32 $0x18  }
0x192: {  	[hbm4b:s25+s2] =	stream.linear.scatter [tilespmem:s29], [sflag:$0x17], $0x2000, $0x38;
	[tilespmem:$0x1E000] =	vst v63  }
0x193: {  	_ =	swait.ge [sflag:s28], $0x2000  }
0x194: {  	[sflag:s28] =	ssyncset.done $0x0  }
0x195: {  	s29 =	simm.s32 $0x19;
	[sflag:s28] =	ssyncadd.s32 $0xFFFFE000  }
0x196: {  	_ =	swait.ge [sflag:s29], $0x2000  }
0x197: {  	[sflag:s29] =	ssyncset.done $0x0  }
0x198: {  	s30 =	simm.s32 $0x1A;
	[sflag:s29] =	ssyncadd.s32 $0xFFFFE000  }
0x199: {  	_ =	swait.ge [sflag:s30], $0x2000  }
0x19a: {  	[sflag:s30] =	ssyncset.done $0x0  }
0x19b: {  	s26 =	simm.s32 $0x1B;
	[sflag:s30] =	ssyncadd.s32 $0xFFFFE000  }
0x19c: {  	_ =	swait.ge [sflag:s26], $0x2000  }
0x19d: {  	[sflag:s26] =	ssyncset.done $0x0  }
0x19e: {  	s5 =	simm.s32 $0x10;
	[sflag:s26] =	ssyncadd.s32 $0xFFFFE000  }
0x19f: {  	_ =	swait.ge [sflag:s5], $0x2000  }
0x1a0: {  	[sflag:s5] =	ssyncset.done $0x0  }
0x1a1: {  	s13 =	simm.s32 $0x11;
	[sflag:s5] =	ssyncadd.s32 $0xFFFFE000  }
0x1a2: {  	_ =	swait.ge [sflag:s13], $0x2000  }
0x1a3: {  	[sflag:s13] =	ssyncset.done $0x0  }
0x1a4: {  	[sflag:s13] =	ssyncadd.s32 $0xFFFFE000  }
0x1a5: {  	_ =	swait.ge [sflag:s10], $0x2000  }
0x1a6: {  	[sflag:s10] =	ssyncset.done $0x0  }
0x1a7: {  	s15 =	simm.s32 $0x13;
	[sflag:s10] =	ssyncadd.s32 $0xFFFFE000  }
0x1a8: {  	_ =	swait.ge [sflag:s15], $0x2000  }
0x1a9: {  	[sflag:s15] =	ssyncset.done $0x0  }
0x1aa: {  	[sflag:s15] =	ssyncadd.s32 $0xFFFFE000  }
0x1ab: {  	_ =	swait.ge [sflag:s11], $0x2000  }
0x1ac: {  	[sflag:s11] =	ssyncset.done $0x0  }
0x1ad: {  	[sflag:s11] =	ssyncadd.s32 $0xFFFFE000  }
0x1ae: {  	_ =	swait.ge [sflag:s6], $0x2000  }
0x1af: {  	[sflag:s6] =	ssyncset.done $0x0  }
0x1b0: {  	s9 =	simm.s32 $0x16;
	[sflag:s6] =	ssyncadd.s32 $0xFFFFE000  }
0x1b1: {  	_ =	swait.ge [sflag:s9], $0x2000  }
0x1b2: {  	s31 =	sld [smem:$0x7D2];
	_ =	sdelay $0x2  }
0x1b3: {  	p1 =	sne.s32 s31, $0x1  }
.Ltmp1:
0x1b4: {  	_ = 	snop;
	(pc) =	sbr.rel @!p1 .LBB2_6-.Ltmp1, $4  }
0x1b5: {  	[sflag:s9] =	ssyncset.done $0x0  }
0x1b6: {  	s3 =	simm.s32 $0x17;
	[sflag:s9] =	ssyncadd.s32 $0xFFFFE000  }
0x1b7: {  	p0 =	por $0x1, $0x1;
	_ =	swait.ge [sflag:s3], $0x2000  }
0x1b8: {  	s16 =	sadd.s32 $0xFFFFFFFF, s31;
	s17 =	rddreg [dreg:$0x3];
	[sflag:s3] =	ssyncset.done $0x0  }
0x1b9: {  	s14 =	simm.s32 $0x4;
	s26 =	simm.s32 $0x5;
	s20 =	simm.s32 $0x6  }
0x1ba: {  	s31 =	simm.s32 $0x7;
	s30 =	simm.s32 $0x2;
	s29 =	simm.s32 $0xF  }
.LBB2_3:
0x1bb: {  	[sflag:s3] =	ssyncadd.s32 $0xFFFFE000  }
0x1bc: {  	[tilespmem:s2], [sflag:$0x1] =	stream.linear.gather [hbm4b:s17+s2], $0x2000, $0x38;
	[tilespmem:$0x1E000] =	vst v63  }
0x1bd: {  	s18 =	rddreg [dreg:$0x4];
	s0 =	simm.s32 $0x6000  }
0x1be: {  	[tilespmem:s0], [sflag:$0x4] =	stream.linear.gather [hbm4b:s18+s2], $0x2000, $0x38;
	[tilespmem:$0x1E000] =	vst v63  }
0x1bf: {  	s1 =	rddreg [dreg:$0x5];
	s5 =	simm.s32 $0x8000  }
0x1c0: {  	[tilespmem:s5], [sflag:$0x5] =	stream.linear.gather [hbm4b:s1+s2], $0x2000, $0x38;
	[tilespmem:$0x1E000] =	vst v63  }
0x1c1: {  	s3 =	rddreg [dreg:$0x6];
	s7 =	simm.s32 $0xA000  }
0x1c2: {  	[tilespmem:s7], [sflag:$0x6] =	stream.linear.gather [hbm4b:s3+s2], $0x2000, $0x38;
	[tilespmem:$0x1E000] =	vst v63  }
0x1c3: {  	s6 =	rddreg [dreg:$0x7];
	s10 =	simm.s32 $0xC000  }
0x1c4: {  	[tilespmem:s10], [sflag:$0x7] =	stream.linear.gather [hbm4b:s6+s2], $0x2000, $0x38;
	[tilespmem:$0x1E000] =	vst v63  }
0x1c5: {  	s9 =	rddreg [dreg:$0x8];
	s12 =	simm.s32 $0x2000  }
0x1c6: {  	[tilespmem:s12], [sflag:$0x2] =	stream.linear.gather [hbm4b:s9+s2], $0x2000, $0x38;
	[tilespmem:$0x1E000] =	vst v63  }
0x1c7: {  	s11 =	rddreg [dreg:$0x9];
	s21 =	simm.s32 $0xE000  }
0x1c8: {  	[tilespmem:s21], [sflag:$0x8] =	stream.linear.gather [hbm4b:s11+s2], $0x2000, $0x38;
	[tilespmem:$0x1E000] =	vst v63  }
0x1c9: {  	s13 =	rddreg [dreg:$0xa];
	s23 =	simm.s32 $0x10000  }
0x1ca: {  	[tilespmem:s23], [sflag:$0x9] =	stream.linear.gather [hbm4b:s13+s2], $0x2000, $0x38;
	[tilespmem:$0x1E000] =	vst v63  }
0x1cb: {  	s22 =	rddreg [dreg:$0xb];
	s25 =	simm.s32 $0x12000  }
0x1cc: {  	[tilespmem:s25], [sflag:$0xA] =	stream.linear.gather [hbm4b:s22+s2], $0x2000, $0x38;
	[tilespmem:$0x1E000] =	vst v63  }
0x1cd: {  	s24 =	rddreg [dreg:$0xc];
	s28 =	simm.s32 $0x14000;
	s13 =	simm.s32 $0x1  }
0x1ce: {  	[tilespmem:s28], [sflag:$0xB] =	stream.linear.gather [hbm4b:s24+s2], $0x2000, $0x38;
	[tilespmem:$0x1E000] =	vst v63  }
0x1cf: {  	_ =	swait.ge [sflag:s13], $0x2000  }
0x1d0: {  	[sflag:s13] =	ssyncset.done $0x0  }
0x1d1: {  	[sflag:s13] =	ssyncadd.s32 $0xFFFFE000  }
0x1d2: {  	_ =	swait.ge [sflag:s14], $0x2000  }
0x1d3: {  	[sflag:s14] =	ssyncset.done $0x0  }
0x1d4: {  	[sflag:s14] =	ssyncadd.s32 $0xFFFFE000  }
0x1d5: {  	_ =	swait.ge [sflag:s26], $0x2000  }
0x1d6: {  	[sflag:s26] =	ssyncset.done $0x0  }
0x1d7: {  	[sflag:s26] =	ssyncadd.s32 $0xFFFFE000  }
0x1d8: {  	_ =	swait.ge [sflag:s20], $0x2000  }
0x1d9: {  	[sflag:s20] =	ssyncset.done $0x0  }
0x1da: {  	[sflag:s20] =	ssyncadd.s32 $0xFFFFE000  }
0x1db: {  	_ =	swait.ge [sflag:s31], $0x2000  }
0x1dc: {  	[sflag:s31] =	ssyncset.done $0x0  }
0x1dd: {  	s15 =	simm.s32 $0x6000;
	s0 =	rddreg [dreg:$0xd];
	[sflag:s31] =	ssyncadd.s32 $0xFFFFE000  }
0x1de: {  	[hbm4b:s0+s2] =	stream.linear.scatter [tilespmem:s15], [sflag:$0x10], $0x2000, $0x38;
	[tilespmem:$0x1E000] =	vst v63  }
0x1df: {  	s4 =	simm.s32 $0x8000;
	s5 =	rddreg [dreg:$0xe]  }
0x1e0: {  	[hbm4b:s5+s2] =	stream.linear.scatter [tilespmem:s4], [sflag:$0x11], $0x2000, $0x38;
	[tilespmem:$0x1E000] =	vst v63  }
0x1e1: {  	s8 =	simm.s32 $0xA000;
	s6 =	rddreg [dreg:$0xf]  }
0x1e2: {  	[hbm4b:s6+s2] =	stream.linear.scatter [tilespmem:s8], [sflag:$0x12], $0x2000, $0x38;
	[tilespmem:$0x1E000] =	vst v63  }
0x1e3: {  	s1 =	simm.s32 $0xC000;
	s7 =	rddreg [dreg:$0x10]  }
0x1e4: {  	[hbm4b:s7+s2] =	stream.linear.scatter [tilespmem:s1], [sflag:$0x13], $0x2000, $0x38;
	[tilespmem:$0x1E000] =	vst v63  }
0x1e5: {  	s15 =	simm.s32 $0x4000;
	s8 =	rddreg [dreg:$0x11]  }
0x1e6: {  	[tilespmem:s15], [sflag:$0x3] =	stream.linear.gather [hbm4b:s8+s2], $0x2000, $0x38;
	[tilespmem:$0x1E000] =	vst v63  }
0x1e7: {  	s3 =	simm.s32 $0x16000;
	s9 =	rddreg [dreg:$0x12]  }
0x1e8: {  	[tilespmem:s3], [sflag:$0xC] =	stream.linear.gather [hbm4b:s9+s2], $0x2000, $0x38;
	[tilespmem:$0x1E000] =	vst v63  }
0x1e9: {  	s5 =	simm.s32 $0x18000;
	s1 =	rddreg [dreg:$0x13]  }
0x1ea: {  	[tilespmem:s5], [sflag:$0xD] =	stream.linear.gather [hbm4b:s1+s2], $0x2000, $0x38;
	[tilespmem:$0x1E000] =	vst v63  }
0x1eb: {  	s4 =	rddreg [dreg:$0x14];
	s8 =	simm.s32 $0x1A000  }
0x1ec: {  	[tilespmem:s8], [sflag:$0xE] =	stream.linear.gather [hbm4b:s4+s2], $0x2000, $0x38;
	[tilespmem:$0x1E000] =	vst v63  }
0x1ed: {  	s7 =	rddreg [dreg:$0x15];
	s9 =	simm.s32 $0x1C000  }
0x1ee: {  	[tilespmem:s9], [sflag:$0xF] =	stream.linear.gather [hbm4b:s7+s2], $0x2000, $0x38;
	[tilespmem:$0x1E000] =	vst v63  }
0x1ef: {  	_ =	swait.ge [sflag:s30], $0x2000  }
0x1f0: {  	[sflag:s30] =	ssyncset.done $0x0  }
0x1f1: {  	s0 =	simm.s32 $0x8;
	[sflag:s30] =	ssyncadd.s32 $0xFFFFE000  }
0x1f2: {  	_ =	swait.ge [sflag:s0], $0x2000  }
0x1f3: {  	[sflag:s0] =	ssyncset.done $0x0  }
0x1f4: {  	s3 =	simm.s32 $0x9;
	[sflag:s0] =	ssyncadd.s32 $0xFFFFE000  }
0x1f5: {  	_ =	swait.ge [sflag:s3], $0x2000  }
0x1f6: {  	[sflag:s3] =	ssyncset.done $0x0  }
0x1f7: {  	s1 =	simm.s32 $0xA;
	[sflag:s3] =	ssyncadd.s32 $0xFFFFE000  }
0x1f8: {  	_ =	swait.ge [sflag:s1], $0x2000  }
0x1f9: {  	[sflag:s1] =	ssyncset.done $0x0  }
0x1fa: {  	s4 =	simm.s32 $0xB;
	[sflag:s1] =	ssyncadd.s32 $0xFFFFE000  }
0x1fb: {  	_ =	swait.ge [sflag:s4], $0x2000  }
0x1fc: {  	[sflag:s4] =	ssyncset.done $0x0  }
0x1fd: {  	s19 =	simm.s32 $0xE000;
	s18 =	rddreg [dreg:$0x16];
	[sflag:s4] =	ssyncadd.s32 $0xFFFFE000  }
0x1fe: {  	[hbm4b:s18+s2] =	stream.linear.scatter [tilespmem:s19], [sflag:$0x14], $0x2000, $0x38;
	[tilespmem:$0x1E000] =	vst v63  }
0x1ff: {  	s10 =	simm.s32 $0x10000;
	s5 =	rddreg [dreg:$0x17]  }
0x200: {  	[hbm4b:s5+s2] =	stream.linear.scatter [tilespmem:s10], [sflag:$0x15], $0x2000, $0x38;
	[tilespmem:$0x1E000] =	vst v63  }
0x201: {  	s21 =	simm.s32 $0x12000;
	s7 =	rddreg [dreg:$0x18]  }
0x202: {  	[hbm4b:s7+s2] =	stream.linear.scatter [tilespmem:s21], [sflag:$0x16], $0x2000, $0x38;
	[tilespmem:$0x1E000] =	vst v63  }
0x203: {  	s12 =	simm.s32 $0x14000;
	s5 =	rddreg [dreg:$0x19]  }
0x204: {  	[hbm4b:s5+s2] =	stream.linear.scatter [tilespmem:s12], [sflag:$0x17], $0x2000, $0x38;
	[tilespmem:$0x1E000] =	vst v63  }
0x205: {  	s5 =	simm.s32 $0x10  }
0x206: {  	s7 =	simm.s32 $0x10;
	_ =	swait.ge [sflag:s5], $0x2000  }
0x207: {  	s10 =	simm.s32 $0x10;
	[sflag:s7] =	ssyncset.done $0x0  }
0x208: {  	s12 =	simm.s32 $0x11;
	[sflag:s10] =	ssyncadd.s32 $0xFFFFE000  }
0x209: {  	s17 =	simm.s32 $0x11;
	_ =	swait.ge [sflag:s12], $0x2000  }
0x20a: {  	s18 =	simm.s32 $0x11;
	[sflag:s17] =	ssyncset.done $0x0  }
0x20b: {  	s11 =	simm.s32 $0x12;
	[sflag:s18] =	ssyncadd.s32 $0xFFFFE000  }
0x20c: {  	_ =	swait.ge [sflag:s11], $0x2000  }
0x20d: {  	[sflag:s11] =	ssyncset.done $0x0  }
0x20e: {  	s7 =	simm.s32 $0x13;
	[sflag:s11] =	ssyncadd.s32 $0xFFFFE000  }
0x20f: {  	s12 =	simm.s32 $0x13;
	_ =	swait.ge [sflag:s7], $0x2000  }
0x210: {  	s18 =	simm.s32 $0x13;
	[sflag:s12] =	ssyncset.done $0x0  }
0x211: {  	s10 =	rddreg [dreg:$0x1a];
	[sflag:s18] =	ssyncadd.s32 $0xFFFFE000  }
0x212: {  	[tilespmem:s2], [sflag:$0x1] =	stream.linear.gather [hbm4b:s10+s2], $0x2000, $0x38;
	[tilespmem:$0x1E000] =	vst v63  }
0x213: {  	s25 =	simm.s32 $0x6000;
	s5 =	rddreg [dreg:$0x1b]  }
0x214: {  	[tilespmem:s25], [sflag:$0x4] =	stream.linear.gather [hbm4b:s5+s2], $0x2000, $0x38;
	[tilespmem:$0x1E000] =	vst v63  }
0x215: {  	s24 =	simm.s32 $0x8000;
	s7 =	rddreg [dreg:$0x1c]  }
0x216: {  	[tilespmem:s24], [sflag:$0x5] =	stream.linear.gather [hbm4b:s7+s2], $0x2000, $0x38;
	[tilespmem:$0x1E000] =	vst v63  }
0x217: {  	s22 =	simm.s32 $0xA000;
	s10 =	rddreg [dreg:$0x1d]  }
0x218: {  	[tilespmem:s22], [sflag:$0x6] =	stream.linear.gather [hbm4b:s10+s2], $0x2000, $0x38;
	[tilespmem:$0x1E000] =	vst v63  }
0x219: {  	s28 =	simm.s32 $0xC000;
	s12 =	rddreg [dreg:$0x1e];
	s24 =	simm.s32 $0x3  }
0x21a: {  	[tilespmem:s28], [sflag:$0x7] =	stream.linear.gather [hbm4b:s12+s2], $0x2000, $0x38;
	[tilespmem:$0x1E000] =	vst v63  }
0x21b: {  	_ =	swait.ge [sflag:s24], $0x2000  }
0x21c: {  	[sflag:s24] =	ssyncset.done $0x0  }
0x21d: {  	s22 =	simm.s32 $0xC;
	[sflag:s24] =	ssyncadd.s32 $0xFFFFE000  }
0x21e: {  	_ =	swait.ge [sflag:s22], $0x2000  }
0x21f: {  	[sflag:s22] =	ssyncset.done $0x0  }
0x220: {  	s28 =	simm.s32 $0xD;
	[sflag:s22] =	ssyncadd.s32 $0xFFFFE000  }
0x221: {  	_ =	swait.ge [sflag:s28], $0x2000  }
0x222: {  	[sflag:s28] =	ssyncset.done $0x0  }
0x223: {  	s25 =	simm.s32 $0xE;
	[sflag:s28] =	ssyncadd.s32 $0xFFFFE000  }
0x224: {  	_ =	swait.ge [sflag:s25], $0x2000  }
0x225: {  	[sflag:s25] =	ssyncset.done $0x0  }
0x226: {  	[sflag:s25] =	ssyncadd.s32 $0xFFFFE000  }
0x227: {  	_ =	swait.ge [sflag:s29], $0x2000  }
0x228: {  	s18 =	rddreg [dreg:$0x1f];
	[sflag:s29] =	ssyncset.done $0x0  }
0x229: {  	s15 =	simm.s32 $0x16000;
	s5 =	sld [smem:$0x7D3];
	[sflag:s29] =	ssyncadd.s32 $0xFFFFE000  }
0x22a: {  	[hbm4b:s18+s2] =	stream.linear.scatter [tilespmem:s15], [sflag:$0x18], $0x2000, $0x38;
	[tilespmem:$0x1E000] =	vst v63  }
0x22b: {  	s10 =	sld [smem:$0x7D4];
	s15 =	simm.s32 $0x18000  }
0x22c: {  	[hbm4b:s5+s2] =	stream.linear.scatter [tilespmem:s15], [sflag:$0x19], $0x2000, $0x38;
	[tilespmem:$0x1E000] =	vst v63  }
0x22d: {  	s8 =	simm.s32 $0x1A000;
	s12 =	sld [smem:$0x7D5]  }
0x22e: {  	[hbm4b:s10+s2] =	stream.linear.scatter [tilespmem:s8], [sflag:$0x1A], $0x2000, $0x38;
	[tilespmem:$0x1E000] =	vst v63  }
0x22f: {  	s9 =	simm.s32 $0x1C000;
	s11 =	simm.s32 $0x14  }
0x230: {  	[hbm4b:s12+s2] =	stream.linear.scatter [tilespmem:s9], [sflag:$0x1B], $0x2000, $0x38;
	[tilespmem:$0x1E000] =	vst v63  }
0x231: {  	_ =	swait.ge [sflag:s11], $0x2000  }
0x232: {  	[sflag:s11] =	ssyncset.done $0x0  }
0x233: {  	s23 =	simm.s32 $0x15;
	[sflag:s11] =	ssyncadd.s32 $0xFFFFE000  }
0x234: {  	_ =	swait.ge [sflag:s23], $0x2000  }
0x235: {  	[sflag:s23] =	ssyncset.done $0x0  }
0x236: {  	s18 =	simm.s32 $0x16;
	[sflag:s23] =	ssyncadd.s32 $0xFFFFE000  }
0x237: {  	s23 =	simm.s32 $0x16;
	_ =	swait.ge [sflag:s18], $0x2000  }
0x238: {  	s8 =	simm.s32 $0x16;
	[sflag:s23] =	ssyncset.done $0x0  }
0x239: {  	s9 =	simm.s32 $0x17;
	[sflag:s8] =	ssyncadd.s32 $0xFFFFE000  }
0x23a: {  	_ =	swait.ge [sflag:s9], $0x2000  }
0x23b: {  	s12 =	simm.s32 $0x17;
	s10 =	sld [smem:$0x7D6]  }
0x23c: {  	s18 =	simm.s32 $0x17;
	[sflag:s12] =	ssyncset.done $0x0  }
0x23d: {  	s5 =	simm.s32 $0x2000;
	s23 =	sld [smem:$0x7D7];
	[sflag:s18] =	ssyncadd.s32 $0xFFFFE000  }
0x23e: {  	[tilespmem:s5], [sflag:$0x2] =	stream.linear.gather [hbm4b:s10+s2], $0x2000, $0x38;
	[tilespmem:$0x1E000] =	vst v63  }
0x23f: {  	s8 =	sld [smem:$0x7D8];
	s10 =	simm.s32 $0xE000  }
0x240: {  	[tilespmem:s10], [sflag:$0x8] =	stream.linear.gather [hbm4b:s23+s2], $0x2000, $0x38;
	[tilespmem:$0x1E000] =	vst v63  }
0x241: {  	s19 =	simm.s32 $0x10000;
	s9 =	sld [smem:$0x7D9]  }
0x242: {  	[tilespmem:s19], [sflag:$0x9] =	stream.linear.gather [hbm4b:s8+s2], $0x2000, $0x38;
	[tilespmem:$0x1E000] =	vst v63  }
0x243: {  	s12 =	sld [smem:$0x7DA];
	s5 =	simm.s32 $0x12000  }
0x244: {  	[tilespmem:s5], [sflag:$0xA] =	stream.linear.gather [hbm4b:s9+s2], $0x2000, $0x38;
	[tilespmem:$0x1E000] =	vst v63  }
0x245: {  	s21 =	simm.s32 $0x14000  }
0x246: {  	[tilespmem:s21], [sflag:$0xB] =	stream.linear.gather [hbm4b:s12+s2], $0x2000, $0x38;
	[tilespmem:$0x1E000] =	vst v63  }
0x247: {  	_ =	swait.ge [sflag:s13], $0x2000  }
0x248: {  	[sflag:s13] =	ssyncset.done $0x0  }
0x249: {  	[sflag:s13] =	ssyncadd.s32 $0xFFFFE000  }
0x24a: {  	_ =	swait.ge [sflag:s14], $0x2000  }
0x24b: {  	[sflag:s14] =	ssyncset.done $0x0  }
0x24c: {  	[sflag:s14] =	ssyncadd.s32 $0xFFFFE000  }
0x24d: {  	_ =	swait.ge [sflag:s26], $0x2000  }
0x24e: {  	[sflag:s26] =	ssyncset.done $0x0  }
0x24f: {  	[sflag:s26] =	ssyncadd.s32 $0xFFFFE000  }
0x250: {  	_ =	swait.ge [sflag:s20], $0x2000  }
0x251: {  	[sflag:s20] =	ssyncset.done $0x0  }
0x252: {  	[sflag:s20] =	ssyncadd.s32 $0xFFFFE000  }
0x253: {  	_ =	swait.ge [sflag:s31], $0x2000  }
0x254: {  	s18 =	sld [smem:$0x7DB]  }
0x255: {  	[sflag:s31] =	ssyncset.done $0x0  }
0x256: {  	s8 =	simm.s32 $0x6000;
	s19 =	sld [smem:$0x7DC];
	[sflag:s31] =	ssyncadd.s32 $0xFFFFE000  }
0x257: {  	[hbm4b:s18+s2] =	stream.linear.scatter [tilespmem:s8], [sflag:$0x10], $0x2000, $0x38;
	[tilespmem:$0x1E000] =	vst v63  }
0x258: {  	s7 =	simm.s32 $0x8000;
	s21 =	sld [smem:$0x7DD]  }
0x259: {  	[hbm4b:s19+s2] =	stream.linear.scatter [tilespmem:s7], [sflag:$0x11], $0x2000, $0x38;
	[tilespmem:$0x1E000] =	vst v63  }
0x25a: {  	s23 =	sld [smem:$0x7DE];
	s7 =	simm.s32 $0xA000  }
0x25b: {  	[hbm4b:s21+s2] =	stream.linear.scatter [tilespmem:s7], [sflag:$0x12], $0x2000, $0x38;
	[tilespmem:$0x1E000] =	vst v63  }
0x25c: {  	s9 =	simm.s32 $0xC000;
	s19 =	simm.s32 $0x18  }
0x25d: {  	[hbm4b:s23+s2] =	stream.linear.scatter [tilespmem:s9], [sflag:$0x13], $0x2000, $0x38;
	[tilespmem:$0x1E000] =	vst v63  }
0x25e: {  	_ =	swait.ge [sflag:s19], $0x2000  }
0x25f: {  	[sflag:s19] =	ssyncset.done $0x0  }
0x260: {  	s12 =	simm.s32 $0x19;
	[sflag:s19] =	ssyncadd.s32 $0xFFFFE000  }
0x261: {  	_ =	swait.ge [sflag:s12], $0x2000  }
0x262: {  	[sflag:s12] =	ssyncset.done $0x0  }
0x263: {  	s21 =	simm.s32 $0x1A;
	[sflag:s12] =	ssyncadd.s32 $0xFFFFE000  }
0x264: {  	_ =	swait.ge [sflag:s21], $0x2000  }
0x265: {  	[sflag:s21] =	ssyncset.done $0x0  }
0x266: {  	s23 =	simm.s32 $0x1B;
	[sflag:s21] =	ssyncadd.s32 $0xFFFFE000  }
0x267: {  	_ =	swait.ge [sflag:s23], $0x2000  }
0x268: {  	s17 =	sld [smem:$0x7DF]  }
0x269: {  	[sflag:s23] =	ssyncset.done $0x0  }
0x26a: {  	s6 =	simm.s32 $0x4000;
	s18 =	sld [smem:$0x7E0];
	[sflag:s23] =	ssyncadd.s32 $0xFFFFE000  }
0x26b: {  	[tilespmem:s6], [sflag:$0x3] =	stream.linear.gather [hbm4b:s17+s2], $0x2000, $0x38;
	[tilespmem:$0x1E000] =	vst v63  }
0x26c: {  	s17 =	sld [smem:$0x7E1];
	s6 =	simm.s32 $0x16000  }
0x26d: {  	[tilespmem:s6], [sflag:$0xC] =	stream.linear.gather [hbm4b:s18+s2], $0x2000, $0x38;
	[tilespmem:$0x1E000] =	vst v63  }
0x26e: {  	s18 =	sld [smem:$0x7E2]  }
0x26f: {  	[tilespmem:s15], [sflag:$0xD] =	stream.linear.gather [hbm4b:s17+s2], $0x2000, $0x38;
	[tilespmem:$0x1E000] =	vst v63  }
0x270: {  	s6 =	simm.s32 $0x1A000;
	s17 =	sld [smem:$0x7E3]  }
0x271: {  	[tilespmem:s6], [sflag:$0xE] =	stream.linear.gather [hbm4b:s18+s2], $0x2000, $0x38;
	[tilespmem:$0x1E000] =	vst v63  }
0x272: {  	s15 =	simm.s32 $0x1C000  }
0x273: {  	[tilespmem:s15], [sflag:$0xF] =	stream.linear.gather [hbm4b:s17+s2], $0x2000, $0x38;
	[tilespmem:$0x1E000] =	vst v63  }
0x274: {  	_ =	swait.ge [sflag:s30], $0x2000  }
0x275: {  	[sflag:s30] =	ssyncset.done $0x0  }
0x276: {  	[sflag:s30] =	ssyncadd.s32 $0xFFFFE000  }
0x277: {  	_ =	swait.ge [sflag:s0], $0x2000  }
0x278: {  	[sflag:s0] =	ssyncset.done $0x0  }
0x279: {  	[sflag:s0] =	ssyncadd.s32 $0xFFFFE000  }
0x27a: {  	_ =	swait.ge [sflag:s3], $0x2000  }
0x27b: {  	[sflag:s3] =	ssyncset.done $0x0  }
0x27c: {  	[sflag:s3] =	ssyncadd.s32 $0xFFFFE000  }
0x27d: {  	_ =	swait.ge [sflag:s1], $0x2000  }
0x27e: {  	[sflag:s1] =	ssyncset.done $0x0  }
0x27f: {  	[sflag:s1] =	ssyncadd.s32 $0xFFFFE000  }
0x280: {  	_ =	swait.ge [sflag:s4], $0x2000  }
0x281: {  	s18 =	sld [smem:$0x7E4]  }
0x282: {  	[sflag:s4] =	ssyncset.done $0x0  }
0x283: {  	s6 =	sld [smem:$0x7E5];
	[sflag:s4] =	ssyncadd.s32 $0xFFFFE000  }
0x284: {  	[hbm4b:s18+s2] =	stream.linear.scatter [tilespmem:s10], [sflag:$0x14], $0x2000, $0x38;
	[tilespmem:$0x1E000] =	vst v63  }
0x285: {  	s17 =	sld [smem:$0x7E6];
	s10 =	simm.s32 $0x10000  }
0x286: {  	[hbm4b:s6+s2] =	stream.linear.scatter [tilespmem:s10], [sflag:$0x15], $0x2000, $0x38;
	[tilespmem:$0x1E000] =	vst v63  }
0x287: {  	s10 =	sld [smem:$0x7E7]  }
0x288: {  	[hbm4b:s17+s2] =	stream.linear.scatter [tilespmem:s5], [sflag:$0x16], $0x2000, $0x38;
	[tilespmem:$0x1E000] =	vst v63  }
0x289: {  	s6 =	simm.s32 $0x10;
	s17 =	simm.s32 $0x14000  }
0x28a: {  	[hbm4b:s10+s2] =	stream.linear.scatter [tilespmem:s17], [sflag:$0x17], $0x2000, $0x38;
	[tilespmem:$0x1E000] =	vst v63  }
0x28b: {  	s10 =	simm.s32 $0x10;
	_ =	swait.ge [sflag:s6], $0x2000  }
0x28c: {  	s17 =	simm.s32 $0x10;
	[sflag:s10] =	ssyncset.done $0x0  }
0x28d: {  	s18 =	simm.s32 $0x11;
	[sflag:s17] =	ssyncadd.s32 $0xFFFFE000  }
0x28e: {  	s6 =	simm.s32 $0x11;
	_ =	swait.ge [sflag:s18], $0x2000  }
0x28f: {  	s10 =	simm.s32 $0x11;
	[sflag:s6] =	ssyncset.done $0x0  }
0x290: {  	s17 =	simm.s32 $0x12;
	[sflag:s10] =	ssyncadd.s32 $0xFFFFE000  }
0x291: {  	_ =	swait.ge [sflag:s17], $0x2000  }
0x292: {  	[sflag:s17] =	ssyncset.done $0x0  }
0x293: {  	s18 =	simm.s32 $0x13;
	[sflag:s17] =	ssyncadd.s32 $0xFFFFE000  }
0x294: {  	_ =	swait.ge [sflag:s18], $0x2000  }
0x295: {  	s6 =	simm.s32 $0x13;
	s17 =	sld [smem:$0x7E8]  }
0x296: {  	s18 =	simm.s32 $0x13;
	[sflag:s6] =	ssyncset.done $0x0  }
0x297: {  	[sflag:s18] =	ssyncadd.s32 $0xFFFFE000;
	s18 =	sld [smem:$0x7E9]  }
0x298: {  	[tilespmem:s2], [sflag:$0x1] =	stream.linear.gather [hbm4b:s17+s2], $0x2000, $0x38;
	[tilespmem:$0x1E000] =	vst v63  }
0x299: {  	s5 =	sld [smem:$0x7EA]  }
0x29a: {  	[tilespmem:s8], [sflag:$0x4] =	stream.linear.gather [hbm4b:s18+s2], $0x2000, $0x38;
	[tilespmem:$0x1E000] =	vst v63  }
0x29b: {  	s18 =	sld [smem:$0x7EB];
	s8 =	simm.s32 $0x8000  }
0x29c: {  	[tilespmem:s8], [sflag:$0x5] =	stream.linear.gather [hbm4b:s5+s2], $0x2000, $0x38;
	[tilespmem:$0x1E000] =	vst v63  }
0x29d: {  	s8 =	sld [smem:$0x7EC]  }
0x29e: {  	[tilespmem:s7], [sflag:$0x6] =	stream.linear.gather [hbm4b:s18+s2], $0x2000, $0x38;
	[tilespmem:$0x1E000] =	vst v63  }
0x29f: {  	_ = 	snop  }
0x2a0: {  	[tilespmem:s9], [sflag:$0x7] =	stream.linear.gather [hbm4b:s8+s2], $0x2000, $0x38;
	[tilespmem:$0x1E000] =	vst v63  }
0x2a1: {  	_ =	swait.ge [sflag:s24], $0x2000  }
0x2a2: {  	[sflag:s24] =	ssyncset.done $0x0  }
0x2a3: {  	[sflag:s24] =	ssyncadd.s32 $0xFFFFE000  }
0x2a4: {  	_ =	swait.ge [sflag:s22], $0x2000  }
0x2a5: {  	[sflag:s22] =	ssyncset.done $0x0  }
0x2a6: {  	[sflag:s22] =	ssyncadd.s32 $0xFFFFE000  }
0x2a7: {  	_ =	swait.ge [sflag:s28], $0x2000  }
0x2a8: {  	[sflag:s28] =	ssyncset.done $0x0  }
0x2a9: {  	[sflag:s28] =	ssyncadd.s32 $0xFFFFE000  }
0x2aa: {  	_ =	swait.ge [sflag:s25], $0x2000  }
0x2ab: {  	[sflag:s25] =	ssyncset.done $0x0  }
0x2ac: {  	[sflag:s25] =	ssyncadd.s32 $0xFFFFE000  }
0x2ad: {  	_ =	swait.ge [sflag:s29], $0x2000  }
0x2ae: {  	s5 =	sld [smem:$0x7ED]  }
0x2af: {  	[sflag:s29] =	ssyncset.done $0x0  }
0x2b0: {  	s22 =	simm.s32 $0x16000;
	s9 =	sld [smem:$0x7EE];
	[sflag:s29] =	ssyncadd.s32 $0xFFFFE000  }
0x2b1: {  	[hbm4b:s5+s2] =	stream.linear.scatter [tilespmem:s22], [sflag:$0x18], $0x2000, $0x38;
	[tilespmem:$0x1E000] =	vst v63  }
0x2b2: {  	s25 =	simm.s32 $0x18000;
	s24 =	sld [smem:$0x7EF]  }
0x2b3: {  	[hbm4b:s9+s2] =	stream.linear.scatter [tilespmem:s25], [sflag:$0x19], $0x2000, $0x38;
	[tilespmem:$0x1E000] =	vst v63  }
0x2b4: {  	s28 =	sld [smem:$0x7F0];
	s9 =	simm.s32 $0x1A000  }
0x2b5: {  	[hbm4b:s24+s2] =	stream.linear.scatter [tilespmem:s9], [sflag:$0x1A], $0x2000, $0x38;
	[tilespmem:$0x1E000] =	vst v63  }
0x2b6: {  	_ = 	snop  }
0x2b7: {  	[hbm4b:s28+s2] =	stream.linear.scatter [tilespmem:s15], [sflag:$0x1B], $0x2000, $0x38;
	[tilespmem:$0x1E000] =	vst v63  }
0x2b8: {  	_ =	swait.ge [sflag:s11], $0x2000  }
0x2b9: {  	[sflag:s11] =	ssyncset.done $0x0  }
0x2ba: {  	s6 =	simm.s32 $0x15;
	[sflag:s11] =	ssyncadd.s32 $0xFFFFE000  }
0x2bb: {  	_ =	swait.ge [sflag:s6], $0x2000  }
0x2bc: {  	[sflag:s6] =	ssyncset.done $0x0  }
0x2bd: {  	s18 =	simm.s32 $0x16;
	[sflag:s6] =	ssyncadd.s32 $0xFFFFE000  }
0x2be: {  	s22 =	simm.s32 $0x16;
	_ =	swait.ge [sflag:s18], $0x2000  }
0x2bf: {  	s24 =	simm.s32 $0x16;
	[sflag:s22] =	ssyncset.done $0x0  }
0x2c0: {  	s25 =	simm.s32 $0x17;
	[sflag:s24] =	ssyncadd.s32 $0xFFFFE000  }
0x2c1: {  	_ =	swait.ge [sflag:s25], $0x2000  }
0x2c2: {  	s9 =	simm.s32 $0x17;
	s28 =	sld [smem:$0x7F1]  }
0x2c3: {  	s18 =	simm.s32 $0x17;
	[sflag:s9] =	ssyncset.done $0x0  }
0x2c4: {  	s25 =	simm.s32 $0x2000;
	s22 =	sld [smem:$0x7F2];
	[sflag:s18] =	ssyncadd.s32 $0xFFFFE000  }
0x2c5: {  	[tilespmem:s25], [sflag:$0x2] =	stream.linear.gather [hbm4b:s28+s2], $0x2000, $0x38;
	[tilespmem:$0x1E000] =	vst v63  }
0x2c6: {  	s24 =	simm.s32 $0xE000;
	s28 =	sld [smem:$0x7F3]  }
0x2c7: {  	[tilespmem:s24], [sflag:$0x8] =	stream.linear.gather [hbm4b:s22+s2], $0x2000, $0x38;
	[tilespmem:$0x1E000] =	vst v63  }
0x2c8: {  	s5 =	simm.s32 $0x10000;
	s22 =	sld [smem:$0x7F4]  }
0x2c9: {  	[tilespmem:s5], [sflag:$0x9] =	stream.linear.gather [hbm4b:s28+s2], $0x2000, $0x38;
	[tilespmem:$0x1E000] =	vst v63  }
0x2ca: {  	s25 =	simm.s32 $0x12000;
	s28 =	sld [smem:$0x7F5]  }
0x2cb: {  	[tilespmem:s25], [sflag:$0xA] =	stream.linear.gather [hbm4b:s22+s2], $0x2000, $0x38;
	[tilespmem:$0x1E000] =	vst v63  }
0x2cc: {  	s22 =	simm.s32 $0x14000  }
0x2cd: {  	[tilespmem:s22], [sflag:$0xB] =	stream.linear.gather [hbm4b:s28+s2], $0x2000, $0x38;
	[tilespmem:$0x1E000] =	vst v63  }
0x2ce: {  	_ =	swait.ge [sflag:s13], $0x2000  }
0x2cf: {  	[sflag:s13] =	ssyncset.done $0x0  }
0x2d0: {  	[sflag:s13] =	ssyncadd.s32 $0xFFFFE000  }
0x2d1: {  	_ =	swait.ge [sflag:s14], $0x2000  }
0x2d2: {  	[sflag:s14] =	ssyncset.done $0x0  }
0x2d3: {  	[sflag:s14] =	ssyncadd.s32 $0xFFFFE000  }
0x2d4: {  	_ =	swait.ge [sflag:s26], $0x2000  }
0x2d5: {  	[sflag:s26] =	ssyncset.done $0x0  }
0x2d6: {  	[sflag:s26] =	ssyncadd.s32 $0xFFFFE000  }
0x2d7: {  	_ =	swait.ge [sflag:s20], $0x2000  }
0x2d8: {  	[sflag:s20] =	ssyncset.done $0x0  }
0x2d9: {  	[sflag:s20] =	ssyncadd.s32 $0xFFFFE000  }
0x2da: {  	_ =	swait.ge [sflag:s31], $0x2000  }
0x2db: {  	s13 =	sld [smem:$0x7F6]  }
0x2dc: {  	[sflag:s31] =	ssyncset.done $0x0  }
0x2dd: {  	s28 =	simm.s32 $0x6000;
	s18 =	sld [smem:$0x7F7];
	[sflag:s31] =	ssyncadd.s32 $0xFFFFE000  }
0x2de: {  	[hbm4b:s13+s2] =	stream.linear.scatter [tilespmem:s28], [sflag:$0x10], $0x2000, $0x38;
	[tilespmem:$0x1E000] =	vst v63  }
0x2df: {  	s17 =	sld [smem:$0x7F8];
	s28 =	simm.s32 $0x8000  }
0x2e0: {  	[hbm4b:s18+s2] =	stream.linear.scatter [tilespmem:s28], [sflag:$0x11], $0x2000, $0x38;
	[tilespmem:$0x1E000] =	vst v63  }
0x2e1: {  	s7 =	simm.s32 $0xA000;
	s28 =	sld [smem:$0x7F9]  }
0x2e2: {  	[hbm4b:s17+s2] =	stream.linear.scatter [tilespmem:s7], [sflag:$0x12], $0x2000, $0x38;
	[tilespmem:$0x1E000] =	vst v63  }
0x2e3: {  	s8 =	simm.s32 $0xC000  }
0x2e4: {  	[hbm4b:s28+s2] =	stream.linear.scatter [tilespmem:s8], [sflag:$0x13], $0x2000, $0x38;
	[tilespmem:$0x1E000] =	vst v63  }
0x2e5: {  	_ =	swait.ge [sflag:s30], $0x2000  }
0x2e6: {  	[sflag:s30] =	ssyncset.done $0x0  }
0x2e7: {  	[sflag:s30] =	ssyncadd.s32 $0xFFFFE000  }
0x2e8: {  	_ =	swait.ge [sflag:s0], $0x2000  }
0x2e9: {  	[sflag:s0] =	ssyncset.done $0x0  }
0x2ea: {  	[sflag:s0] =	ssyncadd.s32 $0xFFFFE000  }
0x2eb: {  	_ =	swait.ge [sflag:s3], $0x2000  }
0x2ec: {  	[sflag:s3] =	ssyncset.done $0x0  }
0x2ed: {  	[sflag:s3] =	ssyncadd.s32 $0xFFFFE000  }
0x2ee: {  	_ =	swait.ge [sflag:s1], $0x2000  }
0x2ef: {  	[sflag:s1] =	ssyncset.done $0x0  }
0x2f0: {  	[sflag:s1] =	ssyncadd.s32 $0xFFFFE000  }
0x2f1: {  	_ =	swait.ge [sflag:s4], $0x2000  }
0x2f2: {  	s3 =	sld [smem:$0x7FA]  }
0x2f3: {  	[sflag:s4] =	ssyncset.done $0x0  }
0x2f4: {  	s7 =	sld [smem:$0x7FB];
	[sflag:s4] =	ssyncadd.s32 $0xFFFFE000  }
0x2f5: {  	[hbm4b:s3+s2] =	stream.linear.scatter [tilespmem:s24], [sflag:$0x14], $0x2000, $0x38;
	[tilespmem:$0x1E000] =	vst v63  }
0x2f6: {  	s8 =	sld [smem:$0x7FC]  }
0x2f7: {  	[hbm4b:s7+s2] =	stream.linear.scatter [tilespmem:s5], [sflag:$0x15], $0x2000, $0x38;
	[tilespmem:$0x1E000] =	vst v63  }
0x2f8: {  	s24 =	sld [smem:$0x7FD]  }
0x2f9: {  	[hbm4b:s8+s2] =	stream.linear.scatter [tilespmem:s25], [sflag:$0x16], $0x2000, $0x38;
	[tilespmem:$0x1E000] =	vst v63  }
0x2fa: {  	_ = 	snop  }
0x2fb: {  	[hbm4b:s24+s2] =	stream.linear.scatter [tilespmem:s22], [sflag:$0x17], $0x2000, $0x38;
	[tilespmem:$0x1E000] =	vst v63  }
0x2fc: {  	_ =	swait.ge [sflag:s19], $0x2000  }
0x2fd: {  	[sflag:s19] =	ssyncset.done $0x0  }
0x2fe: {  	[sflag:s19] =	ssyncadd.s32 $0xFFFFE000  }
0x2ff: {  	_ =	swait.ge [sflag:s12], $0x2000  }
0x300: {  	[sflag:s12] =	ssyncset.done $0x0  }
0x301: {  	[sflag:s12] =	ssyncadd.s32 $0xFFFFE000  }
0x302: {  	_ =	swait.ge [sflag:s21], $0x2000  }
0x303: {  	[sflag:s21] =	ssyncset.done $0x0  }
0x304: {  	[sflag:s21] =	ssyncadd.s32 $0xFFFFE000  }
0x305: {  	_ =	swait.ge [sflag:s23], $0x2000  }
0x306: {  	[sflag:s23] =	ssyncset.done $0x0  }
0x307: {  	s10 =	simm.s32 $0x10;
	[sflag:s23] =	ssyncadd.s32 $0xFFFFE000  }
0x308: {  	_ =	swait.ge [sflag:s10], $0x2000  }
0x309: {  	[sflag:s10] =	ssyncset.done $0x0  }
0x30a: {  	s13 =	simm.s32 $0x11;
	[sflag:s10] =	ssyncadd.s32 $0xFFFFE000  }
0x30b: {  	_ =	swait.ge [sflag:s13], $0x2000  }
0x30c: {  	[sflag:s13] =	ssyncset.done $0x0  }
0x30d: {  	s25 =	simm.s32 $0x12;
	[sflag:s13] =	ssyncadd.s32 $0xFFFFE000  }
0x30e: {  	_ =	swait.ge [sflag:s25], $0x2000  }
0x30f: {  	s28 =	simm.s32 $0x12;
	[sflag:s25] =	ssyncset.done $0x0  }
0x310: {  	s15 =	simm.s32 $0x13;
	[sflag:s28] =	ssyncadd.s32 $0xFFFFE000  }
0x311: {  	_ =	swait.ge [sflag:s15], $0x2000  }
0x312: {  	[sflag:s15] =	ssyncset.done $0x0  }
0x313: {  	[sflag:s15] =	ssyncadd.s32 $0xFFFFE000  }
0x314: {  	_ =	swait.ge [sflag:s11], $0x2000  }
0x315: {  	[sflag:s11] =	ssyncset.done $0x0  }
0x316: {  	[sflag:s11] =	ssyncadd.s32 $0xFFFFE000  }
0x317: {  	_ =	swait.ge [sflag:s6], $0x2000  }
0x318: {  	[sflag:s6] =	ssyncset.done $0x0  }
0x319: {  	p1 =	sne.s32 s16, $0x1;
	s9 =	simm.s32 $0x16;
	[sflag:s6] =	ssyncadd.s32 $0xFFFFE000  }
.Ltmp2:
0x31a: {  	_ =	swait.ge [sflag:s9], $0x2000;
	(pc) =	sbr.rel @p1 .LBB2_3-.Ltmp2, $4  }
0x31b: {  	[sflag:s9] =	ssyncset.done $0x0  }
0x31c: {  	s3 =	simm.s32 $0x17;
	[sflag:s9] =	ssyncadd.s32 $0xFFFFE000  }
0x31d: {  	_ =	swait.ge [sflag:s3], $0x2000  }
0x31e: {  	s16 =	sadd.s32 $0xFFFFFFFF, s16;
	s17 =	rddreg [dreg:$0x3];
	[sflag:s3] =	ssyncset.done $0x0  }
0x31f: {  	s12 =	simm.s32 $0x8000  }
0x320: {  	s19 =	simm.s32 $0x6000;
	s21 =	simm.s32 $0x2000;
	s20 =	simm.s32 $0xB  }
0x321: {  	s22 =	simm.s32 $0x9;
	s24 =	simm.s32 $0xA;
	s25 =	simm.s32 $0x8  }
0x322: {  	s28 =	simm.s32 $0x2;
	s29 =	simm.s32 $0x7;
	s30 =	simm.s32 $0x6  }
0x323: {  	s0 =	simm.s32 $0x5;
	s1 =	simm.s32 $0x4;
	s31 =	simm.s32 $0x1  }
.LBB2_5:
0x324: {  	[sflag:s3] =	ssyncadd.s32 @p0 $0xFFFFE000  }
0x325: {  	[tilespmem:s2], [sflag:$0x1] =	stream.linear.gather [hbm4b:s17+s2], $0x2000, $0x38;
	[tilespmem:$0x1E000] =	vst v63  }
0x326: {  	s16 =	rddreg [dreg:$0x4]  }
0x327: {  	[tilespmem:s19], [sflag:$0x4] =	stream.linear.gather [hbm4b:s16+s2], $0x2000, $0x38;
	[tilespmem:$0x1E000] =	vst v63  }
0x328: {  	s23 =	rddreg [dreg:$0x5]  }
0x329: {  	[tilespmem:s12], [sflag:$0x5] =	stream.linear.gather [hbm4b:s23+s2], $0x2000, $0x38;
	[tilespmem:$0x1E000] =	vst v63  }
0x32a: {  	s26 =	rddreg [dreg:$0x6];
	s4 =	simm.s32 $0xA000  }
0x32b: {  	[tilespmem:s4], [sflag:$0x6] =	stream.linear.gather [hbm4b:s26+s2], $0x2000, $0x38;
	[tilespmem:$0x1E000] =	vst v63  }
0x32c: {  	s5 =	rddreg [dreg:$0x7];
	s18 =	simm.s32 $0xC000  }
0x32d: {  	[tilespmem:s18], [sflag:$0x7] =	stream.linear.gather [hbm4b:s5+s2], $0x2000, $0x38;
	[tilespmem:$0x1E000] =	vst v63  }
0x32e: {  	s7 =	rddreg [dreg:$0x8]  }
0x32f: {  	[tilespmem:s21], [sflag:$0x2] =	stream.linear.gather [hbm4b:s7+s2], $0x2000, $0x38;
	[tilespmem:$0x1E000] =	vst v63  }
0x330: {  	s19 =	rddreg [dreg:$0x9];
	s23 =	simm.s32 $0xE000  }
0x331: {  	[tilespmem:s23], [sflag:$0x8] =	stream.linear.gather [hbm4b:s19+s2], $0x2000, $0x38;
	[tilespmem:$0x1E000] =	vst v63  }
0x332: {  	s5 =	simm.s32 $0x10000;
	s21 =	rddreg [dreg:$0xa]  }
0x333: {  	[tilespmem:s5], [sflag:$0x9] =	stream.linear.gather [hbm4b:s21+s2], $0x2000, $0x38;
	[tilespmem:$0x1E000] =	vst v63  }
0x334: {  	s26 =	rddreg [dreg:$0xb];
	s19 =	simm.s32 $0x12000  }
0x335: {  	[tilespmem:s19], [sflag:$0xA] =	stream.linear.gather [hbm4b:s26+s2], $0x2000, $0x38;
	[tilespmem:$0x1E000] =	vst v63  }
0x336: {  	s18 =	rddreg [dreg:$0xc];
	s21 =	simm.s32 $0x14000  }
0x337: {  	[tilespmem:s21], [sflag:$0xB] =	stream.linear.gather [hbm4b:s18+s2], $0x2000, $0x38;
	[tilespmem:$0x1E000] =	vst v63  }
0x338: {  	_ =	swait.ge [sflag:s31], $0x2000  }
0x339: {  	[sflag:s31] =	ssyncset.done $0x0  }
0x33a: {  	[sflag:s31] =	ssyncadd.s32 $0xFFFFE000  }
0x33b: {  	_ =	swait.ge [sflag:s1], $0x2000  }
0x33c: {  	[sflag:s1] =	ssyncset.done $0x0  }
0x33d: {  	[sflag:s1] =	ssyncadd.s32 $0xFFFFE000  }
0x33e: {  	_ =	swait.ge [sflag:s0], $0x2000  }
0x33f: {  	[sflag:s0] =	ssyncset.done $0x0  }
0x340: {  	[sflag:s0] =	ssyncadd.s32 $0xFFFFE000  }
0x341: {  	_ =	swait.ge [sflag:s30], $0x2000  }
0x342: {  	[sflag:s30] =	ssyncset.done $0x0  }
0x343: {  	[sflag:s30] =	ssyncadd.s32 $0xFFFFE000  }
0x344: {  	_ =	swait.ge [sflag:s29], $0x2000  }
0x345: {  	[sflag:s29] =	ssyncset.done $0x0  }
0x346: {  	s10 =	simm.s32 $0x6000;
	s23 =	rddreg [dreg:$0xd];
	[sflag:s29] =	ssyncadd.s32 $0xFFFFE000  }
0x347: {  	[hbm4b:s23+s2] =	stream.linear.scatter [tilespmem:s10], [sflag:$0x10], $0x2000, $0x38;
	[tilespmem:$0x1E000] =	vst v63  }
0x348: {  	s8 =	simm.s32 $0x8000;
	s26 =	rddreg [dreg:$0xe]  }
0x349: {  	[hbm4b:s26+s2] =	stream.linear.scatter [tilespmem:s8], [sflag:$0x11], $0x2000, $0x38;
	[tilespmem:$0x1E000] =	vst v63  }
0x34a: {  	s12 =	simm.s32 $0xA000;
	s4 =	rddreg [dreg:$0xf]  }
0x34b: {  	[hbm4b:s4+s2] =	stream.linear.scatter [tilespmem:s12], [sflag:$0x12], $0x2000, $0x38;
	[tilespmem:$0x1E000] =	vst v63  }
0x34c: {  	s14 =	simm.s32 $0xC000;
	s10 =	rddreg [dreg:$0x10]  }
0x34d: {  	[hbm4b:s10+s2] =	stream.linear.scatter [tilespmem:s14], [sflag:$0x13], $0x2000, $0x38;
	[tilespmem:$0x1E000] =	vst v63  }
0x34e: {  	s18 =	rddreg [dreg:$0x11];
	s26 =	simm.s32 $0x4000  }
0x34f: {  	[tilespmem:s26], [sflag:$0x3] =	stream.linear.gather [hbm4b:s18+s2], $0x2000, $0x38;
	[tilespmem:$0x1E000] =	vst v63  }
0x350: {  	s23 =	rddreg [dreg:$0x12];
	s14 =	simm.s32 $0x16000  }
0x351: {  	[tilespmem:s14], [sflag:$0xC] =	stream.linear.gather [hbm4b:s23+s2], $0x2000, $0x38;
	[tilespmem:$0x1E000] =	vst v63  }
0x352: {  	s10 =	rddreg [dreg:$0x13];
	s23 =	simm.s32 $0x18000  }
0x353: {  	[tilespmem:s23], [sflag:$0xD] =	stream.linear.gather [hbm4b:s10+s2], $0x2000, $0x38;
	[tilespmem:$0x1E000] =	vst v63  }
0x354: {  	s18 =	rddreg [dreg:$0x14];
	s14 =	simm.s32 $0x1A000  }
0x355: {  	[tilespmem:s14], [sflag:$0xE] =	stream.linear.gather [hbm4b:s18+s2], $0x2000, $0x38;
	[tilespmem:$0x1E000] =	vst v63  }
0x356: {  	s10 =	rddreg [dreg:$0x15];
	s18 =	simm.s32 $0x1C000  }
0x357: {  	[tilespmem:s18], [sflag:$0xF] =	stream.linear.gather [hbm4b:s10+s2], $0x2000, $0x38;
	[tilespmem:$0x1E000] =	vst v63  }
0x358: {  	_ =	swait.ge [sflag:s28], $0x2000  }
0x359: {  	[sflag:s28] =	ssyncset.done $0x0  }
0x35a: {  	[sflag:s28] =	ssyncadd.s32 $0xFFFFE000  }
0x35b: {  	_ =	swait.ge [sflag:s25], $0x2000  }
0x35c: {  	[sflag:s25] =	ssyncset.done $0x0  }
0x35d: {  	[sflag:s25] =	ssyncadd.s32 $0xFFFFE000  }
0x35e: {  	_ =	swait.ge [sflag:s22], $0x2000  }
0x35f: {  	[sflag:s22] =	ssyncset.done $0x0  }
0x360: {  	[sflag:s22] =	ssyncadd.s32 $0xFFFFE000  }
0x361: {  	_ =	swait.ge [sflag:s24], $0x2000  }
0x362: {  	[sflag:s24] =	ssyncset.done $0x0  }
0x363: {  	[sflag:s24] =	ssyncadd.s32 $0xFFFFE000  }
0x364: {  	_ =	swait.ge [sflag:s20], $0x2000  }
0x365: {  	[sflag:s20] =	ssyncset.done $0x0  }
0x366: {  	s7 =	simm.s32 $0xE000;
	s23 =	rddreg [dreg:$0x16];
	[sflag:s20] =	ssyncadd.s32 $0xFFFFE000  }
0x367: {  	[hbm4b:s23+s2] =	stream.linear.scatter [tilespmem:s7], [sflag:$0x14], $0x2000, $0x38;
	[tilespmem:$0x1E000] =	vst v63  }
0x368: {  	s5 =	simm.s32 $0x10000;
	s4 =	rddreg [dreg:$0x17]  }
0x369: {  	[hbm4b:s4+s2] =	stream.linear.scatter [tilespmem:s5], [sflag:$0x15], $0x2000, $0x38;
	[tilespmem:$0x1E000] =	vst v63  }
0x36a: {  	s18 =	simm.s32 $0x12000;
	s10 =	rddreg [dreg:$0x18]  }
0x36b: {  	[hbm4b:s10+s2] =	stream.linear.scatter [tilespmem:s18], [sflag:$0x16], $0x2000, $0x38;
	[tilespmem:$0x1E000] =	vst v63  }
0x36c: {  	s14 =	rddreg [dreg:$0x19];
	s20 =	simm.s32 $0x14000;
	s10 =	simm.s32 $0x10  }
0x36d: {  	[hbm4b:s14+s2] =	stream.linear.scatter [tilespmem:s20], [sflag:$0x17], $0x2000, $0x38;
	[tilespmem:$0x1E000] =	vst v63  }
0x36e: {  	_ =	swait.ge [sflag:s10], $0x2000  }
0x36f: {  	[sflag:s10] =	ssyncset.done $0x0  }
0x370: {  	[sflag:s10] =	ssyncadd.s32 $0xFFFFE000  }
0x371: {  	_ =	swait.ge [sflag:s13], $0x2000  }
0x372: {  	[sflag:s13] =	ssyncset.done $0x0  }
0x373: {  	s14 =	simm.s32 $0x12;
	[sflag:s13] =	ssyncadd.s32 $0xFFFFE000  }
0x374: {  	_ =	swait.ge [sflag:s14], $0x2000  }
0x375: {  	[sflag:s14] =	ssyncset.done $0x0  }
0x376: {  	[sflag:s14] =	ssyncadd.s32 $0xFFFFE000  }
0x377: {  	_ =	swait.ge [sflag:s15], $0x2000  }
0x378: {  	[sflag:s15] =	ssyncset.done $0x0  }
0x379: {  	s5 =	rddreg [dreg:$0x1a];
	[sflag:s15] =	ssyncadd.s32 $0xFFFFE000  }
0x37a: {  	[tilespmem:s2], [sflag:$0x1] =	stream.linear.gather [hbm4b:s5+s2], $0x2000, $0x38;
	[tilespmem:$0x1E000] =	vst v63  }
0x37b: {  	s19 =	simm.s32 $0x6000;
	s7 =	rddreg [dreg:$0x1b]  }
0x37c: {  	[tilespmem:s19], [sflag:$0x4] =	stream.linear.gather [hbm4b:s7+s2], $0x2000, $0x38;
	[tilespmem:$0x1E000] =	vst v63  }
0x37d: {  	s8 =	simm.s32 $0x8000;
	s5 =	rddreg [dreg:$0x1c]  }
0x37e: {  	[tilespmem:s8], [sflag:$0x5] =	stream.linear.gather [hbm4b:s5+s2], $0x2000, $0x38;
	[tilespmem:$0x1E000] =	vst v63  }
0x37f: {  	s12 =	simm.s32 $0xA000;
	s7 =	rddreg [dreg:$0x1d]  }
0x380: {  	[tilespmem:s12], [sflag:$0x6] =	stream.linear.gather [hbm4b:s7+s2], $0x2000, $0x38;
	[tilespmem:$0x1E000] =	vst v63  }
0x381: {  	s21 =	simm.s32 $0xC000;
	s19 =	simm.s32 $0x3;
	s8 =	rddreg [dreg:$0x1e]  }
0x382: {  	[tilespmem:s21], [sflag:$0x7] =	stream.linear.gather [hbm4b:s8+s2], $0x2000, $0x38;
	[tilespmem:$0x1E000] =	vst v63  }
0x383: {  	_ =	swait.ge [sflag:s19], $0x2000  }
0x384: {  	[sflag:s19] =	ssyncset.done $0x0  }
0x385: {  	s12 =	simm.s32 $0xC;
	[sflag:s19] =	ssyncadd.s32 $0xFFFFE000  }
0x386: {  	_ =	swait.ge [sflag:s12], $0x2000  }
0x387: {  	[sflag:s12] =	ssyncset.done $0x0  }
0x388: {  	s7 =	simm.s32 $0xD;
	[sflag:s12] =	ssyncadd.s32 $0xFFFFE000  }
0x389: {  	_ =	swait.ge [sflag:s7], $0x2000  }
0x38a: {  	[sflag:s7] =	ssyncset.done $0x0  }
0x38b: {  	s8 =	simm.s32 $0xE;
	[sflag:s7] =	ssyncadd.s32 $0xFFFFE000  }
0x38c: {  	_ =	swait.ge [sflag:s8], $0x2000  }
0x38d: {  	[sflag:s8] =	ssyncset.done $0x0  }
0x38e: {  	s5 =	simm.s32 $0xF;
	[sflag:s8] =	ssyncadd.s32 $0xFFFFE000  }
0x38f: {  	_ =	swait.ge [sflag:s5], $0x2000  }
0x390: {  	s17 =	rddreg [dreg:$0x1f];
	[sflag:s5] =	ssyncset.done $0x0  }
0x391: {  	s26 =	simm.s32 $0x16000;
	s21 =	sld [smem:$0x7D3];
	[sflag:s5] =	ssyncadd.s32 $0xFFFFE000  }
0x392: {  	[hbm4b:s17+s2] =	stream.linear.scatter [tilespmem:s26], [sflag:$0x18], $0x2000, $0x38;
	[tilespmem:$0x1E000] =	vst v63  }
0x393: {  	s16 =	sld [smem:$0x7D4];
	s26 =	simm.s32 $0x18000  }
0x394: {  	[hbm4b:s21+s2] =	stream.linear.scatter [tilespmem:s26], [sflag:$0x19], $0x2000, $0x38;
	[tilespmem:$0x1E000] =	vst v63  }
0x395: {  	s17 =	sld [smem:$0x7D5];
	s26 =	simm.s32 $0x1A000  }
0x396: {  	[hbm4b:s16+s2] =	stream.linear.scatter [tilespmem:s26], [sflag:$0x1A], $0x2000, $0x38;
	[tilespmem:$0x1E000] =	vst v63  }
0x397: {  	s21 =	simm.s32 $0x1C000  }
0x398: {  	[hbm4b:s17+s2] =	stream.linear.scatter [tilespmem:s21], [sflag:$0x1B], $0x2000, $0x38;
	[tilespmem:$0x1E000] =	vst v63  }
0x399: {  	_ =	swait.ge [sflag:s11], $0x2000  }
0x39a: {  	[sflag:s11] =	ssyncset.done $0x0  }
0x39b: {  	[sflag:s11] =	ssyncadd.s32 $0xFFFFE000  }
0x39c: {  	_ =	swait.ge [sflag:s6], $0x2000  }
0x39d: {  	[sflag:s6] =	ssyncset.done $0x0  }
0x39e: {  	[sflag:s6] =	ssyncadd.s32 $0xFFFFE000  }
0x39f: {  	_ =	swait.ge [sflag:s9], $0x2000  }
0x3a0: {  	[sflag:s9] =	ssyncset.done $0x0  }
0x3a1: {  	[sflag:s9] =	ssyncadd.s32 $0xFFFFE000  }
0x3a2: {  	_ =	swait.ge [sflag:s3], $0x2000  }
0x3a3: {  	s26 =	sld [smem:$0x7D6]  }
0x3a4: {  	[sflag:s3] =	ssyncset.done $0x0  }
0x3a5: {  	s21 =	simm.s32 $0x2000;
	s17 =	sld [smem:$0x7D7];
	[sflag:s3] =	ssyncadd.s32 $0xFFFFE000  }
0x3a6: {  	[tilespmem:s21], [sflag:$0x2] =	stream.linear.gather [hbm4b:s26+s2], $0x2000, $0x38;
	[tilespmem:$0x1E000] =	vst v63  }
0x3a7: {  	s23 =	simm.s32 $0xE000;
	s21 =	sld [smem:$0x7D8]  }
0x3a8: {  	[tilespmem:s23], [sflag:$0x8] =	stream.linear.gather [hbm4b:s17+s2], $0x2000, $0x38;
	[tilespmem:$0x1E000] =	vst v63  }
0x3a9: {  	s4 =	simm.s32 $0x10000;
	s26 =	sld [smem:$0x7D9]  }
0x3aa: {  	[tilespmem:s4], [sflag:$0x9] =	stream.linear.gather [hbm4b:s21+s2], $0x2000, $0x38;
	[tilespmem:$0x1E000] =	vst v63  }
0x3ab: {  	s21 =	sld [smem:$0x7DA]  }
0x3ac: {  	[tilespmem:s18], [sflag:$0xA] =	stream.linear.gather [hbm4b:s26+s2], $0x2000, $0x38;
	[tilespmem:$0x1E000] =	vst v63  }
0x3ad: {  	_ = 	snop  }
0x3ae: {  	[tilespmem:s20], [sflag:$0xB] =	stream.linear.gather [hbm4b:s21+s2], $0x2000, $0x38;
	[tilespmem:$0x1E000] =	vst v63  }
0x3af: {  	_ =	swait.ge [sflag:s31], $0x2000  }
0x3b0: {  	[sflag:s31] =	ssyncset.done $0x0  }
0x3b1: {  	[sflag:s31] =	ssyncadd.s32 $0xFFFFE000  }
0x3b2: {  	_ =	swait.ge [sflag:s1], $0x2000  }
0x3b3: {  	[sflag:s1] =	ssyncset.done $0x0  }
0x3b4: {  	[sflag:s1] =	ssyncadd.s32 $0xFFFFE000  }
0x3b5: {  	_ =	swait.ge [sflag:s0], $0x2000  }
0x3b6: {  	[sflag:s0] =	ssyncset.done $0x0  }
0x3b7: {  	[sflag:s0] =	ssyncadd.s32 $0xFFFFE000  }
0x3b8: {  	_ =	swait.ge [sflag:s30], $0x2000  }
0x3b9: {  	[sflag:s30] =	ssyncset.done $0x0  }
0x3ba: {  	[sflag:s30] =	ssyncadd.s32 $0xFFFFE000  }
0x3bb: {  	_ =	swait.ge [sflag:s29], $0x2000  }
0x3bc: {  	s23 =	sld [smem:$0x7DB]  }
0x3bd: {  	[sflag:s29] =	ssyncset.done $0x0  }
0x3be: {  	s18 =	simm.s32 $0x6000;
	s26 =	sld [smem:$0x7DC];
	[sflag:s29] =	ssyncadd.s32 $0xFFFFE000  }
0x3bf: {  	[hbm4b:s23+s2] =	stream.linear.scatter [tilespmem:s18], [sflag:$0x10], $0x2000, $0x38;
	[tilespmem:$0x1E000] =	vst v63  }
0x3c0: {  	s21 =	simm.s32 $0x8000;
	s20 =	sld [smem:$0x7DD]  }
0x3c1: {  	[hbm4b:s26+s2] =	stream.linear.scatter [tilespmem:s21], [sflag:$0x11], $0x2000, $0x38;
	[tilespmem:$0x1E000] =	vst v63  }
0x3c2: {  	s23 =	sld [smem:$0x7DE];
	s26 =	simm.s32 $0xA000  }
0x3c3: {  	[hbm4b:s20+s2] =	stream.linear.scatter [tilespmem:s26], [sflag:$0x12], $0x2000, $0x38;
	[tilespmem:$0x1E000] =	vst v63  }
0x3c4: {  	s16 =	simm.s32 $0xC000;
	s18 =	simm.s32 $0x18  }
0x3c5: {  	[hbm4b:s23+s2] =	stream.linear.scatter [tilespmem:s16], [sflag:$0x13], $0x2000, $0x38;
	[tilespmem:$0x1E000] =	vst v63  }
0x3c6: {  	_ =	swait.ge [sflag:s18], $0x2000  }
0x3c7: {  	[sflag:s18] =	ssyncset.done $0x0  }
0x3c8: {  	s23 =	simm.s32 $0x19;
	[sflag:s18] =	ssyncadd.s32 $0xFFFFE000  }
0x3c9: {  	_ =	swait.ge [sflag:s23], $0x2000  }
0x3ca: {  	[sflag:s23] =	ssyncset.done $0x0  }
0x3cb: {  	s21 =	simm.s32 $0x1A;
	[sflag:s23] =	ssyncadd.s32 $0xFFFFE000  }
0x3cc: {  	_ =	swait.ge [sflag:s21], $0x2000  }
0x3cd: {  	[sflag:s21] =	ssyncset.done $0x0  }
0x3ce: {  	s26 =	simm.s32 $0x1B;
	[sflag:s21] =	ssyncadd.s32 $0xFFFFE000  }
0x3cf: {  	_ =	swait.ge [sflag:s26], $0x2000  }
0x3d0: {  	s16 =	sld [smem:$0x7DF]  }
0x3d1: {  	[sflag:s26] =	ssyncset.done $0x0  }
0x3d2: {  	s4 =	simm.s32 $0x4000;
	s17 =	sld [smem:$0x7E0];
	[sflag:s26] =	ssyncadd.s32 $0xFFFFE000  }
0x3d3: {  	[tilespmem:s4], [sflag:$0x3] =	stream.linear.gather [hbm4b:s16+s2], $0x2000, $0x38;
	[tilespmem:$0x1E000] =	vst v63  }
0x3d4: {  	s16 =	sld [smem:$0x7E1];
	s4 =	simm.s32 $0x16000  }
0x3d5: {  	[tilespmem:s4], [sflag:$0xC] =	stream.linear.gather [hbm4b:s17+s2], $0x2000, $0x38;
	[tilespmem:$0x1E000] =	vst v63  }
0x3d6: {  	s17 =	sld [smem:$0x7E2];
	s4 =	simm.s32 $0x18000  }
0x3d7: {  	[tilespmem:s4], [sflag:$0xD] =	stream.linear.gather [hbm4b:s16+s2], $0x2000, $0x38;
	[tilespmem:$0x1E000] =	vst v63  }
0x3d8: {  	s16 =	sld [smem:$0x7E3];
	s4 =	simm.s32 $0x1A000  }
0x3d9: {  	[tilespmem:s4], [sflag:$0xE] =	stream.linear.gather [hbm4b:s17+s2], $0x2000, $0x38;
	[tilespmem:$0x1E000] =	vst v63  }
0x3da: {  	s17 =	simm.s32 $0x1C000  }
0x3db: {  	[tilespmem:s17], [sflag:$0xF] =	stream.linear.gather [hbm4b:s16+s2], $0x2000, $0x38;
	[tilespmem:$0x1E000] =	vst v63  }
0x3dc: {  	_ =	swait.ge [sflag:s28], $0x2000  }
0x3dd: {  	[sflag:s28] =	ssyncset.done $0x0  }
0x3de: {  	[sflag:s28] =	ssyncadd.s32 $0xFFFFE000  }
0x3df: {  	_ =	swait.ge [sflag:s25], $0x2000  }
0x3e0: {  	[sflag:s25] =	ssyncset.done $0x0  }
0x3e1: {  	[sflag:s25] =	ssyncadd.s32 $0xFFFFE000  }
0x3e2: {  	_ =	swait.ge [sflag:s22], $0x2000  }
0x3e3: {  	[sflag:s22] =	ssyncset.done $0x0  }
0x3e4: {  	[sflag:s22] =	ssyncadd.s32 $0xFFFFE000  }
0x3e5: {  	_ =	swait.ge [sflag:s24], $0x2000  }
0x3e6: {  	[sflag:s24] =	ssyncset.done $0x0  }
0x3e7: {  	s20 =	simm.s32 $0xB;
	[sflag:s24] =	ssyncadd.s32 $0xFFFFE000  }
0x3e8: {  	_ =	swait.ge [sflag:s20], $0x2000  }
0x3e9: {  	s16 =	sld [smem:$0x7E4]  }
0x3ea: {  	[sflag:s20] =	ssyncset.done $0x0  }
0x3eb: {  	s4 =	simm.s32 $0xE000;
	s17 =	sld [smem:$0x7E5];
	[sflag:s20] =	ssyncadd.s32 $0xFFFFE000  }
0x3ec: {  	[hbm4b:s16+s2] =	stream.linear.scatter [tilespmem:s4], [sflag:$0x14], $0x2000, $0x38;
	[tilespmem:$0x1E000] =	vst v63  }
0x3ed: {  	s16 =	sld [smem:$0x7E6];
	s4 =	simm.s32 $0x10000  }
0x3ee: {  	[hbm4b:s17+s2] =	stream.linear.scatter [tilespmem:s4], [sflag:$0x15], $0x2000, $0x38;
	[tilespmem:$0x1E000] =	vst v63  }
0x3ef: {  	s17 =	sld [smem:$0x7E7];
	s4 =	simm.s32 $0x12000  }
0x3f0: {  	[hbm4b:s16+s2] =	stream.linear.scatter [tilespmem:s4], [sflag:$0x16], $0x2000, $0x38;
	[tilespmem:$0x1E000] =	vst v63  }
0x3f1: {  	s16 =	simm.s32 $0x14000  }
0x3f2: {  	[hbm4b:s17+s2] =	stream.linear.scatter [tilespmem:s16], [sflag:$0x17], $0x2000, $0x38;
	[tilespmem:$0x1E000] =	vst v63  }
0x3f3: {  	_ =	swait.ge [sflag:s10], $0x2000  }
0x3f4: {  	[sflag:s10] =	ssyncset.done $0x0  }
0x3f5: {  	[sflag:s10] =	ssyncadd.s32 $0xFFFFE000  }
0x3f6: {  	_ =	swait.ge [sflag:s13], $0x2000  }
0x3f7: {  	[sflag:s13] =	ssyncset.done $0x0  }
0x3f8: {  	[sflag:s13] =	ssyncadd.s32 $0xFFFFE000  }
0x3f9: {  	_ =	swait.ge [sflag:s14], $0x2000  }
0x3fa: {  	[sflag:s14] =	ssyncset.done $0x0  }
0x3fb: {  	[sflag:s14] =	ssyncadd.s32 $0xFFFFE000  }
0x3fc: {  	_ =	swait.ge [sflag:s15], $0x2000  }
0x3fd: {  	s4 =	sld [smem:$0x7E8]  }
0x3fe: {  	[sflag:s15] =	ssyncset.done $0x0  }
0x3ff: {  	s17 =	sld [smem:$0x7E9];
	[sflag:s15] =	ssyncadd.s32 $0xFFFFE000  }
0x400: {  	[tilespmem:s2], [sflag:$0x1] =	stream.linear.gather [hbm4b:s4+s2], $0x2000, $0x38;
	[tilespmem:$0x1E000] =	vst v63  }
0x401: {  	s16 =	sld [smem:$0x7EA];
	s4 =	simm.s32 $0x6000  }
0x402: {  	[tilespmem:s4], [sflag:$0x4] =	stream.linear.gather [hbm4b:s17+s2], $0x2000, $0x38;
	[tilespmem:$0x1E000] =	vst v63  }
0x403: {  	s17 =	sld [smem:$0x7EB];
	s4 =	simm.s32 $0x8000  }
0x404: {  	[tilespmem:s4], [sflag:$0x5] =	stream.linear.gather [hbm4b:s16+s2], $0x2000, $0x38;
	[tilespmem:$0x1E000] =	vst v63  }
0x405: {  	s16 =	sld [smem:$0x7EC];
	s4 =	simm.s32 $0xA000  }
0x406: {  	[tilespmem:s4], [sflag:$0x6] =	stream.linear.gather [hbm4b:s17+s2], $0x2000, $0x38;
	[tilespmem:$0x1E000] =	vst v63  }
0x407: {  	s17 =	simm.s32 $0xC000  }
0x408: {  	[tilespmem:s17], [sflag:$0x7] =	stream.linear.gather [hbm4b:s16+s2], $0x2000, $0x38;
	[tilespmem:$0x1E000] =	vst v63  }
0x409: {  	_ =	swait.ge [sflag:s19], $0x2000  }
0x40a: {  	[sflag:s19] =	ssyncset.done $0x0  }
0x40b: {  	[sflag:s19] =	ssyncadd.s32 $0xFFFFE000  }
0x40c: {  	_ =	swait.ge [sflag:s12], $0x2000  }
0x40d: {  	[sflag:s12] =	ssyncset.done $0x0  }
0x40e: {  	[sflag:s12] =	ssyncadd.s32 $0xFFFFE000  }
0x40f: {  	_ =	swait.ge [sflag:s7], $0x2000  }
0x410: {  	[sflag:s7] =	ssyncset.done $0x0  }
0x411: {  	[sflag:s7] =	ssyncadd.s32 $0xFFFFE000  }
0x412: {  	_ =	swait.ge [sflag:s8], $0x2000  }
0x413: {  	[sflag:s8] =	ssyncset.done $0x0  }
0x414: {  	[sflag:s8] =	ssyncadd.s32 $0xFFFFE000  }
0x415: {  	_ =	swait.ge [sflag:s5], $0x2000  }
0x416: {  	s16 =	sld [smem:$0x7ED]  }
0x417: {  	[sflag:s5] =	ssyncset.done $0x0  }
0x418: {  	s19 =	sld [smem:$0x7EE];
	[sflag:s5] =	ssyncadd.s32 $0xFFFFE000;
	s5 =	simm.s32 $0x16000  }
0x419: {  	[hbm4b:s16+s2] =	stream.linear.scatter [tilespmem:s5], [sflag:$0x18], $0x2000, $0x38;
	[tilespmem:$0x1E000] =	vst v63  }
0x41a: {  	s12 =	sld [smem:$0x7EF];
	s16 =	simm.s32 $0x18000  }
0x41b: {  	[hbm4b:s19+s2] =	stream.linear.scatter [tilespmem:s16], [sflag:$0x19], $0x2000, $0x38;
	[tilespmem:$0x1E000] =	vst v63  }
0x41c: {  	s5 =	simm.s32 $0x1A000;
	s19 =	sld [smem:$0x7F0]  }
0x41d: {  	[hbm4b:s12+s2] =	stream.linear.scatter [tilespmem:s5], [sflag:$0x1A], $0x2000, $0x38;
	[tilespmem:$0x1E000] =	vst v63  }
0x41e: {  	s12 =	simm.s32 $0x1C000  }
0x41f: {  	[hbm4b:s19+s2] =	stream.linear.scatter [tilespmem:s12], [sflag:$0x1B], $0x2000, $0x38;
	[tilespmem:$0x1E000] =	vst v63  }
0x420: {  	_ =	swait.ge [sflag:s11], $0x2000  }
0x421: {  	[sflag:s11] =	ssyncset.done $0x0  }
0x422: {  	[sflag:s11] =	ssyncadd.s32 $0xFFFFE000  }
0x423: {  	_ =	swait.ge [sflag:s6], $0x2000  }
0x424: {  	[sflag:s6] =	ssyncset.done $0x0  }
0x425: {  	[sflag:s6] =	ssyncadd.s32 $0xFFFFE000  }
0x426: {  	_ =	swait.ge [sflag:s9], $0x2000  }
0x427: {  	[sflag:s9] =	ssyncset.done $0x0  }
0x428: {  	[sflag:s9] =	ssyncadd.s32 $0xFFFFE000  }
0x429: {  	_ =	swait.ge [sflag:s3], $0x2000  }
0x42a: {  	s16 =	sld [smem:$0x7F1]  }
0x42b: {  	[sflag:s3] =	ssyncset.done $0x0  }
0x42c: {  	s5 =	simm.s32 $0x2000;
	s19 =	sld [smem:$0x7F2];
	[sflag:s3] =	ssyncadd.s32 $0xFFFFE000  }
0x42d: {  	[tilespmem:s5], [sflag:$0x2] =	stream.linear.gather [hbm4b:s16+s2], $0x2000, $0x38;
	[tilespmem:$0x1E000] =	vst v63  }
0x42e: {  	s12 =	sld [smem:$0x7F3];
	s5 =	simm.s32 $0xE000  }
0x42f: {  	[tilespmem:s5], [sflag:$0x8] =	stream.linear.gather [hbm4b:s19+s2], $0x2000, $0x38;
	[tilespmem:$0x1E000] =	vst v63  }
0x430: {  	s4 =	simm.s32 $0x10000;
	s16 =	sld [smem:$0x7F4]  }
0x431: {  	[tilespmem:s4], [sflag:$0x9] =	stream.linear.gather [hbm4b:s12+s2], $0x2000, $0x38;
	[tilespmem:$0x1E000] =	vst v63  }
0x432: {  	s19 =	sld [smem:$0x7F5];
	s12 =	simm.s32 $0x12000  }
0x433: {  	[tilespmem:s12], [sflag:$0xA] =	stream.linear.gather [hbm4b:s16+s2], $0x2000, $0x38;
	[tilespmem:$0x1E000] =	vst v63  }
0x434: {  	s8 =	simm.s32 $0x14000  }
0x435: {  	[tilespmem:s8], [sflag:$0xB] =	stream.linear.gather [hbm4b:s19+s2], $0x2000, $0x38;
	[tilespmem:$0x1E000] =	vst v63  }
0x436: {  	_ =	swait.ge [sflag:s31], $0x2000  }
0x437: {  	[sflag:s31] =	ssyncset.done $0x0  }
0x438: {  	[sflag:s31] =	ssyncadd.s32 $0xFFFFE000  }
0x439: {  	_ =	swait.ge [sflag:s1], $0x2000  }
0x43a: {  	[sflag:s1] =	ssyncset.done $0x0  }
0x43b: {  	[sflag:s1] =	ssyncadd.s32 $0xFFFFE000  }
0x43c: {  	_ =	swait.ge [sflag:s0], $0x2000  }
0x43d: {  	[sflag:s0] =	ssyncset.done $0x0  }
0x43e: {  	[sflag:s0] =	ssyncadd.s32 $0xFFFFE000  }
0x43f: {  	_ =	swait.ge [sflag:s30], $0x2000  }
0x440: {  	[sflag:s30] =	ssyncset.done $0x0  }
0x441: {  	[sflag:s30] =	ssyncadd.s32 $0xFFFFE000  }
0x442: {  	_ =	swait.ge [sflag:s29], $0x2000  }
0x443: {  	s16 =	sld [smem:$0x7F6]  }
0x444: {  	[sflag:s29] =	ssyncset.done $0x0  }
0x445: {  	s19 =	sld [smem:$0x7F7];
	[sflag:s29] =	ssyncadd.s32 $0xFFFFE000;
	s29 =	simm.s32 $0x6000  }
0x446: {  	[hbm4b:s16+s2] =	stream.linear.scatter [tilespmem:s29], [sflag:$0x10], $0x2000, $0x38;
	[tilespmem:$0x1E000] =	vst v63  }
0x447: {  	s31 =	simm.s32 $0x8000;
	s30 =	sld [smem:$0x7F8]  }
0x448: {  	[hbm4b:s19+s2] =	stream.linear.scatter [tilespmem:s31], [sflag:$0x11], $0x2000, $0x38;
	[tilespmem:$0x1E000] =	vst v63  }
0x449: {  	s16 =	sld [smem:$0x7F9];
	s19 =	simm.s32 $0xA000  }
0x44a: {  	[hbm4b:s30+s2] =	stream.linear.scatter [tilespmem:s19], [sflag:$0x12], $0x2000, $0x38;
	[tilespmem:$0x1E000] =	vst v63  }
0x44b: {  	_ = 	snop  }
0x44c: {  	[hbm4b:s16+s2] =	stream.linear.scatter [tilespmem:s17], [sflag:$0x13], $0x2000, $0x38;
	[tilespmem:$0x1E000] =	vst v63  }
0x44d: {  	_ =	swait.ge [sflag:s28], $0x2000  }
0x44e: {  	[sflag:s28] =	ssyncset.done $0x0  }
0x44f: {  	[sflag:s28] =	ssyncadd.s32 $0xFFFFE000  }
0x450: {  	_ =	swait.ge [sflag:s25], $0x2000  }
0x451: {  	[sflag:s25] =	ssyncset.done $0x0  }
0x452: {  	[sflag:s25] =	ssyncadd.s32 $0xFFFFE000  }
0x453: {  	_ =	swait.ge [sflag:s22], $0x2000  }
0x454: {  	[sflag:s22] =	ssyncset.done $0x0  }
0x455: {  	[sflag:s22] =	ssyncadd.s32 $0xFFFFE000  }
0x456: {  	_ =	swait.ge [sflag:s24], $0x2000  }
0x457: {  	[sflag:s24] =	ssyncset.done $0x0  }
0x458: {  	[sflag:s24] =	ssyncadd.s32 $0xFFFFE000  }
0x459: {  	_ =	swait.ge [sflag:s20], $0x2000  }
0x45a: {  	s25 =	sld [smem:$0x7FA]  }
0x45b: {  	[sflag:s20] =	ssyncset.done $0x0  }
0x45c: {  	s28 =	sld [smem:$0x7FB];
	[sflag:s20] =	ssyncadd.s32 $0xFFFFE000  }
0x45d: {  	[hbm4b:s25+s2] =	stream.linear.scatter [tilespmem:s5], [sflag:$0x14], $0x2000, $0x38;
	[tilespmem:$0x1E000] =	vst v63  }
0x45e: {  	s29 =	sld [smem:$0x7FC]  }
0x45f: {  	[hbm4b:s28+s2] =	stream.linear.scatter [tilespmem:s4], [sflag:$0x15], $0x2000, $0x38;
	[tilespmem:$0x1E000] =	vst v63  }
0x460: {  	s30 =	sld [smem:$0x7FD]  }
0x461: {  	[hbm4b:s29+s2] =	stream.linear.scatter [tilespmem:s12], [sflag:$0x16], $0x2000, $0x38;
	[tilespmem:$0x1E000] =	vst v63  }
0x462: {  	_ = 	snop  }
0x463: {  	[hbm4b:s30+s2] =	stream.linear.scatter [tilespmem:s8], [sflag:$0x17], $0x2000, $0x38;
	[tilespmem:$0x1E000] =	vst v63  }
0x464: {  	_ =	swait.ge [sflag:s18], $0x2000  }
0x465: {  	[sflag:s18] =	ssyncset.done $0x0  }
0x466: {  	[sflag:s18] =	ssyncadd.s32 $0xFFFFE000  }
0x467: {  	_ =	swait.ge [sflag:s23], $0x2000  }
0x468: {  	[sflag:s23] =	ssyncset.done $0x0  }
0x469: {  	[sflag:s23] =	ssyncadd.s32 $0xFFFFE000  }
0x46a: {  	_ =	swait.ge [sflag:s21], $0x2000  }
0x46b: {  	[sflag:s21] =	ssyncset.done $0x0  }
0x46c: {  	[sflag:s21] =	ssyncadd.s32 $0xFFFFE000  }
0x46d: {  	_ =	swait.ge [sflag:s26], $0x2000  }
0x46e: {  	[sflag:s26] =	ssyncset.done $0x0  }
0x46f: {  	[sflag:s26] =	ssyncadd.s32 $0xFFFFE000  }
0x470: {  	_ =	swait.ge [sflag:s10], $0x2000  }
0x471: {  	[sflag:s10] =	ssyncset.done $0x0  }
0x472: {  	[sflag:s10] =	ssyncadd.s32 $0xFFFFE000  }
0x473: {  	_ =	swait.ge [sflag:s13], $0x2000  }
0x474: {  	[sflag:s13] =	ssyncset.done $0x0  }
0x475: {  	[sflag:s13] =	ssyncadd.s32 $0xFFFFE000  }
0x476: {  	_ =	swait.ge [sflag:s14], $0x2000  }
0x477: {  	[sflag:s14] =	ssyncset.done $0x0  }
0x478: {  	[sflag:s14] =	ssyncadd.s32 $0xFFFFE000  }
0x479: {  	_ =	swait.ge [sflag:s15], $0x2000  }
0x47a: {  	[sflag:s15] =	ssyncset.done $0x0  }
0x47b: {  	[sflag:s15] =	ssyncadd.s32 $0xFFFFE000  }
0x47c: {  	_ =	swait.ge [sflag:s11], $0x2000  }
0x47d: {  	[sflag:s11] =	ssyncset.done $0x0  }
0x47e: {  	[sflag:s11] =	ssyncadd.s32 $0xFFFFE000  }
0x47f: {  	_ =	swait.ge [sflag:s6], $0x2000  }
0x480: {  	[sflag:s6] =	ssyncset.done $0x0  }
0x481: {  	[sflag:s6] =	ssyncadd.s32 $0xFFFFE000  }
0x482: {  	_ =	swait.ge [sflag:s9], $0x2000  }
0x483: {  	[sflag:s9] =	ssyncset.done $0x0  }
0x484: {  	[sflag:s9] =	ssyncadd.s32 $0xFFFFE000  }
0x485: {  	_ =	swait.ge [sflag:s3], $0x2000  }
0x486: {  	[sflag:s3] =	ssyncset.done $0x0  }
0x487: {  	[sflag:s3] =	ssyncadd.s32 $0xFFFFE000  }
0x488: {  	_ =	sfence.sel $0x180000  }
0x489: {  	[bflag:$0x0] =	sbarrier.arrive $0xFFFF  }
0x48a: {  	_ =	strace $0x9000004A  }
0x48b: {  	s31 =	stileid.u32;
	[bflag:$0x2] =	sbarrier.arrive $0xFFFF  }
0x48c: {  	p0 =	sne.s32 s31, $0x0;
	s0 =	rddreg [dreg:$0x2]  }
0x48d: {  	s0 =	sadd.s32 @!p0 $0x100000, s0  }
0x48e: {  	[sflag:s0] =	ssyncadd.tile.s32 @!p0 $0x1;
	_ =	shalt  }
.LBB2_6:
.Ltmp3:
0x48f: {  	s12 =	simm.s32 $0x8000;
	(pc) =	sbr.rel .LBB2_5-.Ltmp3, $4  }
0x490: {  	s19 =	simm.s32 $0x6000;
	s21 =	simm.s32 $0x2000;
	s20 =	simm.s32 $0xB  }
0x491: {  	s22 =	simm.s32 $0x9;
	s24 =	simm.s32 $0xA;
	s25 =	simm.s32 $0x8  }
0x492: {  	s28 =	simm.s32 $0x2;
	s29 =	simm.s32 $0x7;
	s30 =	simm.s32 $0x6  }
0x493: {  	s0 =	simm.s32 $0x5;
	s1 =	simm.s32 $0x4;
	s31 =	simm.s32 $0x1  }
.Lfunc_end2:
_tile_overlayer_lowered:
.L_overlay_start_2:
0x494: {  	(tag) =	ssettag $0x2  }
0x495: {  	s0 =	rddreg [dreg:$0x0];
	s2 =	stileid.u32  }
0x496: {  	s1 =	rddreg [dreg:$0x1];
	p0 =	sne.s32 s2, $0x0  }
0x497: {  	s3 =	rddreg [dreg:$0x2];
	[bflag:$0x3] =	sbarrier.arrive $0xFFFF;
	s2 =	simm.s32 @!p0 $0x1C1C  }
0x498: {  	[timem:s3], [sflag:s2] =	dma.local @!p0 [hbm:s0], s1  }
0x499: {  	s0 =	simm.s32 @!p0 $0x1C  }
0x49a: {  	_ =	swait.ge @!p0 [sflag:s0], s1  }
0x49b: {  	s1 =	ssub.s32 @!p0 $0x0, s1;
	[sflag:s0] =	ssyncset.done @!p0 $0x0  }
0x49c: {  	[sflag:s0] =	ssyncadd.s32 @!p0 s1  }
0x49d: {  	[bflag:$0x3] =	sbarrier.arrive $0xFFFF  }
0x49e: {  	_ =	shalt  }

// kernel: sparse-core-data-format-call.cloned.1.call-start
scs
called_computation_lowered:
.L_overlay_start_0:
0x0: {  	s2 =	sld [smem:$0x3FD9]  }
0x1: {  	s3 =	sld [smem:$0x3FFE];
	_ =	sdelay $0x1  }
0x2: {  	s1 =	srdreg.scid  }
0x3: {  	s0 =	sand.u32 $0x1, s1  }
0x4: {  	s19 =	sshll.u32 s0, $0xA;
	s2 =	sadd.s32 s3, s2  }
0x5: {  	s2 =	sadd.s32 s2, s19  }
0x6: {  	[smem:$0x3FC6] =	sst s2  }
0x7: {  	_ = 	snop  }
0x8: {  	s2 =	sld [smem:$0x3FC9]  }
0x9: {  	s20 =	sld [smem:$0x3FD0];
	(tm) =	ssettm $0x1  }
0xa: {  	s4 =	sld [smem:$0x3FFB];
	_ =	sdelay $0x3  }
0xb: {  	_ =	strace s4  }
0xc: {  	s4 =	sld [smem:$0x3FFC];
	_ =	sdelay $0x3  }
0xd: {  	_ =	strace s4  }
0xe: {  	s4 =	sld [smem:$0x3FFD];
	_ =	sdelay $0x3  }
0xf: {  	_ =	strace s4  }
0x10: {  	_ =	strace $0x8FFFFFFF  }
0x11: {  	s21 =	sld [smem:$0x3FDB];
	_ =	sdelay $0x1  }
0x12: {  	s5 =	simm.s32 $_scs_section_size  }
0x13: {  	s6 =	simm.s32 $_size__tile_overlayer_lowered;
	s7 =	simm.s32 $_tile_overlayer_lowered  }
0x14: {  	s24 =	simm.s32 $0x1BFF;
	s23 =	sshll.u32 s7, $0x1;
	s4 =	sadd.s32 s5, s21  }
0x15: {  	s8 =	simm.s32 $0x0;
	s22 =	sshll.u32 s6, $0x1;
	s6 =	sadd.s32 s23, s4  }
0x16: {  	[timem:s8], [sflag:s24] =	dma.local [hbm:s6], s22  }
0x17: {  	_ =	swait.ge [sflag:s24], s22  }
0x18: {  	s5 =	ssub.s32 $0x0, s22;
	[sflag:s24] =	ssyncset.done $0x0  }
0x19: {  	[sflag:s24] =	ssyncadd.s32 s5;
	_ =	sdelay $0x1  }
0x1a: {  	s25 =	simm.s32 $0x1B8B  }
0x1b: {  	_ =	swait.ge [sflag:s25], $0x1  }
0x1c: {  	[sflag:s25] =	ssyncset.done $0x0  }
0x1d: {  	s26 =	simm.s32 $0x1B8E;
	[sflag:s25] =	ssyncadd.s32 $0xFFFFFFFF  }
0x1e: {  	s27 =	simm.s32 $execute0_lowered;
	[smem:$0x3FD2] =	sst s26  }
0x1f: {  	s5 =	sshll.u32 s27, $0x1;
	_ =	strace $0x80000046;
	[dreg:$0x1] =	wrdreg $0xFFFFFFFF  }
0x20: {  	s28 =	simm.s32 $_size_execute0_lowered;
	s4 =	sadd.s32 s4, s5;
	[dreg:$0x0] =	wrdreg $0x0  }
0x21: {  	s5 =	sshll.u32 s28, $0x1;
	[dreg:$0x2] =	wrdreg s4  }
0x22: {  	[dreg:$0x3] =	wrdreg s5  }
0x23: {  	[dreg:$0x4] =	wrdreg $0xC0  }
0x24: {  	_ =	task [dreg:s8], $0x5FFFF  }
0x25: {  	[dreg:$0x1] =	wrdreg $0xFFFFFFFF  }
0x26: {  	[dreg:$0x0] =	wrdreg $0x60  }
0x27: {  	[dreg:$0x2] =	wrdreg s2  }
0x28: {  	[dreg:$0x3] =	wrdreg s20  }
0x29: {  	[dreg:$0x4] =	wrdreg $0x9  }
0x2a: {  	_ =	task.clear_ibuf [dreg:s8], $0x5FFFF;
	_ =	strace $0x90000046  }
0x2b: {  	s29 =	simm.s32 $0x9;
	_ =	strace $0x80000048  }
0x2c: {  	_ =	swait.ge [sflag:s29], $0x1  }
0x2d: {  	[sflag:s29] =	ssyncadd.s32 $0xFFFFFFFF  }
0x2e: {  	_ =	strace $0x90000048  }
0x2f: {  	_ =	sfence  }
0x30: {  	s30 =	sld [smem:$0x0];
	_ =	sdelay $0x2  }
0x31: {  	s31 =	sshll.u32 s1, $0xD;
	s1 =	sshrl.u32 s1, $0x2  }
0x32: {  	s3 =	sand.u32 $0x4000, s31;
	s1 =	sadd.s32 s1, s30  }
0x33: {  	s0 =	sor.u32 s3, s0;
	s1 =	sshll.u32 s1, $0x11  }
0x34: {  	s0 =	sor.u32 s1, s0  }
0x35: {  	s0 =	sadd.s32 $0x8F2B, s0  }
0x36: {  	[sflag:s0] =	ssyncadd.remote.s32 $0x1  }
0x37: {  	_ =	sfence.sel $0xFFFF  }
0x38: {  	[dreg:$0x0] =	wrdreg $0xFFFFFFFF;
	(pc) =	sbr.abs _section_cstart, $3  }
0x39: {  	[dreg:$0x1] =	wrdreg $0xFFFFFFFF  }
0x3a: {  	_ =	task.clear_ibuf [dreg:s8], $0x2FFFF;
	_ =	strace $0x9FFFFFFF  }
0x3b: {  	(tm) =	ssettm $0x7FFFFFFF  }
tec
execute0_lowered:
.L_overlay_start_1:
0x0: {  	(tag) =	ssettag $0x1  }
0x1: {  	s0 =	srdreg.scid  }
0x2: {  	s1 =	sshll.u32 s0, $0x4  }
0x3: {  	s2 =	rddreg [dreg:$0x0];
	s0 =	stileid.u32;
	s1 =	sand.u32 $0x10, s1  }
0x4: {  	s4 =	rddreg [dreg:$0x1];
	s1 =	sor.u32 s0, s1  }
0x5: {  	s7 =	simm.s32 $0x1;
	s8 =	simm.s32 $0x2;
	s3 =	sshll.u32 s1, $0x1  }
0x6: {  	s9 =	simm.s32 $0x0;
	s12 =	simm.s32 $0x0;
	s6 =	ssub.s32 $0x400, s3  }
.Ltmp0:
0x7: {  	s11 =	simm.s32 $0x0;
	s5 =	sand.u32 $0x3E, s6;
	(pc) =	sbr.rel .LBB1_1-.Ltmp0, $4  }
0x8: {  	s1 =	rddreg [dreg:$0x2];
	_ =	strace $0x80000047;
	p0 =	sne.s32 s5, $0x0  }
0x9: {  	s6 =	sshrl.u32 s6, $0x6;
	s5 =	simm.s32 $0x1;
	s7 =	simm.s32 @!p0 $0x0  }
0xa: {  	s10 =	smov.u32 s3;
	[sflag:s5] =	ssyncpa.u1 $0x0;
	s6 =	sadd.s32 s7, s6  }
0xb: {  	[sflag:s8] =	ssyncpa.u1 $0x0;
	s8 =	simm.s32 $0x0;
	s7 =	sadd.s32 $0x1, s6  }
.LBB1_9:
0xc: {  	s14 =	sadd.s32 $0x40, s10  }
0xd: {  	p1 =	sgt.s32 s14, $0x3FF  }
0xe: {  	s14 =	smov.u32 @p1 s3;
	p1 =	sne.s32 s11, s7  }
.Ltmp1:
0xf: {  	p0 =	slt.u32 s11, $0x2;
	(pc) =	sbr.rel @!p1 .LBB1_10-.Ltmp1, $4  }
0x10: {  	s13 =	simm.s32 @!p0 $0x2  }
0x11: {  	s15 =	sadd.s32 $0x1, s11;
	_ =	swait.ge @!p0 [sflag:s13], $0x4000  }
0x12: {  	s12 =	smov.u32 s10;
	s9 =	sadd.s32 $0x4000, s9;
	[sflag:s13] =	ssyncset.done @!p0 $0x0  }
0x13: {  	s11 =	smov.u32 s15;
	s10 =	smov.u32 s14;
	[sflag:s13] =	ssyncadd.s32 @!p0 $0xFFFFC000  }
.LBB1_1:
0x14: {  	p0 =	sge.u32 s11, s6  }
0x15: {  	s13 =	sxor.u32 @!p0 $0xFFFFFFFF, s11  }
0x16: {  	s31 =	sadd.s32 $0xFFFFFFFF, s11;
	s14 =	sshll.u32 @!p0 s10, $0xA;
	s13 =	sshll.u32 @!p0 s13, $0xE  }
0x17: {  	s15 =	simm.s32 @!p0 $0x0;
	s14 =	sadd.s32 @!p0 s2, s14;
	s13 =	sand.u32 @!p0 $0x4000, s13  }
0x18: {  	[tilespmem:s13], [sflag:$0x1] =	stream.linear.gather @!p0 [hbm4b:s14+s15], $0x4000, $0x38;
	[tilespmem:$0x10000] =	vst v63  }
0x19: {  	p0 =	sge.u32 s31, s6  }
.Ltmp2:
0x1a: {  	_ = 	snop;
	(pc) =	sbr.rel @p0 .LBB1_9-.Ltmp2, $1  }
0x1b: {  	_ =	sdelay $0x3  }
0x1c: {  	s13 =	sshll.u32 s9, $0x2  }
0x1d: {  	_ =	swait.ge [sflag:s5], $0x4000;
	s14 =	sshll.u32 s11, $0xE;
	s16 =	simm.s32 $0x0  }
0x1e: {  	p1 =	por $0x1, $0x1;
	s13 =	sand.u32 $0x10000, s13;
	[sflag:s5] =	ssyncset.done $0x0  }
0x1f: {  	s14 =	sand.u32 $0x4000, s14;
	s15 =	sshrl.u32 s13, $0x2;
	[sflag:s5] =	ssyncadd.s32 $0xFFFFC000  }
0x20: {  	s13 =	sor.u32 $0x8000, s14;
	s14 =	sadd.s32 $0x8040, s15;
	s15 =	sadd.s32 $0x40, s15  }
.LBB1_3:
0x21: {  	s16 =	sshll.u32 s16, $0x2  }
0x22: {  	p0 =	por p1, p1;
	s17 =	sshra.s32 s16, $0x2  }
0x23: {  	s18 =	simm.s32 $0x0;
	s16 =	sadd.s32 s17, s14;
	s17 =	sadd.s32 s17, s15  }
.LBB1_4:
0x24: {  	v0 =	vmov s17;
	_ =	sdelay $0x3  }
0x25: {  	s20 =	simm.s32 $0x0  }
0x26: {  	v6 =	vld.idx.msk [tilespmem:v0+s20+$0x30 ss:$0x1], $0xffff  }
0x27: {  	v7 =	vld.idx.msk [tilespmem:v0+s20+$0xFFFFFFC0 ss:$0x1], $0xffff  }
0x28: {  	v5 =	vld.idx.msk [tilespmem:v0+s20+$0xFFFFFFD0 ss:$0x1], $0xffff  }
0x29: {  	v4 =	vld.idx.msk [tilespmem:v0+s20+$0xFFFFFFE0 ss:$0x1], $0xffff  }
0x2a: {  	v3 =	vld.idx.msk [tilespmem:v0+s20+$0xFFFFFFF0 ss:$0x1], $0xffff  }
0x2b: {  	v1 =	vld.idx.msk [tilespmem:v0+s20+$0x0 ss:$0x1], $0xffff  }
0x2c: {  	v2 =	vld.idx.msk [tilespmem:v0+s20+$0x10 ss:$0x1], $0xffff;
	[tilespmem:s16+$0x30] =	vst v6  }
0x2d: {  	s19 =	simm.s32 $0x80;
	s21 =	simm.s32 $0x400;
	[tilespmem:s16+$0xFFFFFFC0] =	vst v7;
	v6 =	vld.idx.msk [tilespmem:v0+s20+$0x20 ss:$0x1], $0xffff;
	s20 =	smov.u32 s16  }
.LBB1_5:
0x2e: {  	p1 =	sne.s32 s21, $0xE00;
	v7 =	vld.idx.msk [tilespmem:v0+s19+$0x30 ss:$0x1], $0xffff;
	[tilespmem:s20+$0xFFFFFFD0] =	vst v5  }
0x2f: {  	v8 =	vld.idx.msk [tilespmem:v0+s19+$0xFFFFFFC0 ss:$0x1], $0xffff;
	[tilespmem:s20+$0xFFFFFFE0] =	vst v4  }
0x30: {  	v5 =	vld.idx.msk [tilespmem:v0+s19+$0xFFFFFFD0 ss:$0x1], $0xffff;
	[tilespmem:s20+$0xFFFFFFF0] =	vst v3  }
.Ltmp3:
0x31: {  	v4 =	vld.idx.msk [tilespmem:v0+s19+$0xFFFFFFE0 ss:$0x1], $0xffff;
	[tilespmem:s20+$0x0] =	vst v1;
	(pc) =	sbr.rel @p1 .LBB1_5-.Ltmp3, $4  }
0x32: {  	v3 =	vld.idx.msk [tilespmem:v0+s19+$0xFFFFFFF0 ss:$0x1], $0xffff;
	[tilespmem:s20+$0x10] =	vst v2  }
0x33: {  	v1 =	vld.idx.msk [tilespmem:v0+s19+$0x0 ss:$0x1], $0xffff;
	[tilespmem:s20+$0x20] =	vst v6;
	s20 =	sadd.s32 $0x400, s20  }
0x34: {  	v2 =	vld.idx.msk [tilespmem:v0+s19+$0x10 ss:$0x1], $0xffff;
	[tilespmem:s20+$0x30] =	vst v7  }
0x35: {  	[tilespmem:s20+$0xFFFFFFC0] =	vst v8;
	v6 =	vld.idx.msk [tilespmem:v0+s19+$0x20 ss:$0x1], $0xffff;
	s19 =	sshra.s32 s21, $0x2;
	s21 =	sadd.s32 $0x200, s21  }
0x36: {  	_ =	sdelay $0x2  }
0x37: {  	[tilespmem:s20+$0xFFFFFFD0] =	vst v5  }
0x38: {  	v56 =	vld.idx.msk [tilespmem:v0+s19+$0x30 ss:$0x1], $0xffff;
	[tilespmem:s20+$0xFFFFFFE0] =	vst v4  }
0x39: {  	v57 =	vld.idx.msk [tilespmem:v0+s19+$0xFFFFFFC0 ss:$0x1], $0xffff;
	[tilespmem:s20+$0xFFFFFFF0] =	vst v3  }
0x3a: {  	v58 =	vld.idx.msk [tilespmem:v0+s19+$0xFFFFFFD0 ss:$0x1], $0xffff;
	[tilespmem:s20+$0x0] =	vst v1  }
0x3b: {  	v59 =	vld.idx.msk [tilespmem:v0+s19+$0xFFFFFFE0 ss:$0x1], $0xffff;
	[tilespmem:s20+$0x10] =	vst v2  }
0x3c: {  	v60 =	vld.idx.msk [tilespmem:v0+s19+$0xFFFFFFF0 ss:$0x1], $0xffff;
	s31 =	sadd.s32 $0x400, s20;
	[tilespmem:s20+$0x20] =	vst v6  }
0x3d: {  	v61 =	vld.idx.msk [tilespmem:v0+s19+$0x0 ss:$0x1], $0xffff;
	[tilespmem:s31+$0x30] =	vst v56  }
0x3e: {  	v62 =	vld.idx.msk [tilespmem:v0+s19+$0x10 ss:$0x1], $0xffff;
	s18 =	sadd.s32 $0x1, s18;
	[tilespmem:s31+$0xFFFFFFC0] =	vst v57  }
0x3f: {  	v63 =	vld.idx.msk [tilespmem:v0+s19+$0x20 ss:$0x1], $0xffff;
	p1 =	sne.s32 s18, $0x8;
	[tilespmem:s31+$0xFFFFFFD0] =	vst v58  }
.Ltmp4:
0x40: {  	[tilespmem:s31+$0xFFFFFFE0] =	vst v59;
	(pc) =	sbr.rel @p1 .LBB1_4-.Ltmp4, $4  }
0x41: {  	[tilespmem:s31+$0xFFFFFFF0] =	vst v60  }
0x42: {  	[tilespmem:s31+$0x0] =	vst v61  }
0x43: {  	[tilespmem:s31+$0x10] =	vst v62  }
0x44: {  	s16 =	sadd.s32 $0x80, s16;
	s17 =	sadd.s32 $0x400, s17;
	[tilespmem:s31+$0x20] =	vst v63  }
.Ltmp5:
0x45: {  	(pc) =	sbr.rel @p0 .LBB1_3-.Ltmp5, $2  }
0x46: {  	_ =	sdelay $0x2  }
0x47: {  	s16 =	simm.s32 $0x2000;
	p1 =	por $0x0, $0x0  }
.Ltmp6:
0x48: {  	(pc) =	sbr.rel .LBB1_9-.Ltmp6, $4  }
0x49: {  	_ = 	snop  }
0x4a: {  	s12 =	sshll.u32 s12, $0xA  }
0x4b: {  	s12 =	sadd.s32 s4, s12  }
0x4c: {  	[hbm4b:s12+s8] =	stream.linear.scatter [tilespmem:s13], [sflag:$0x2], $0x4000, $0x38;
	[tilespmem:$0x10000] =	vst v63  }
.LBB1_10:
0x4d: {  	_ =	sfence.sel $0x180000  }
0x4e: {  	s2 =	simm.s32 $0x1;
	[bflag:$0x0] =	sbarrier.arrive $0xFFFF  }
0x4f: {  	s31 =	simm.s32 $0x2;
	[sflag:s2] =	ssyncpa.u1 $0x1  }
0x50: {  	[sflag:s31] =	ssyncpa.u1 $0x1  }
0x51: {  	p0 =	sne.s32 s0, $0x0;
	_ =	strace $0x90000047  }
0x52: {  	s0 =	sadd.s32 @!p0 $0x100000, s1;
	[bflag:$0x2] =	sbarrier.arrive $0xFFFF  }
0x53: {  	[sflag:s0] =	ssyncadd.tile.s32 @!p0 $0x1;
	_ =	shalt  }
.Lfunc_end1:
_tile_overlayer_lowered:
.L_overlay_start_2:
0x54: {  	(tag) =	ssettag $0x2  }
0x55: {  	s0 =	rddreg [dreg:$0x0];
	s2 =	stileid.u32  }
0x56: {  	s1 =	rddreg [dreg:$0x1];
	p0 =	sne.s32 s2, $0x0  }
0x57: {  	s3 =	rddreg [dreg:$0x2];
	[bflag:$0x3] =	sbarrier.arrive $0xFFFF;
	s2 =	simm.s32 @!p0 $0x1C01  }
0x58: {  	[timem:s3], [sflag:s2] =	dma.local @!p0 [hbm:s0], s1  }
0x59: {  	s0 =	simm.s32 @!p0 $0x1  }
0x5a: {  	_ =	swait.ge @!p0 [sflag:s0], s1  }
0x5b: {  	s1 =	ssub.s32 @!p0 $0x0, s1;
	[sflag:s0] =	ssyncset.done @!p0 $0x0  }
0x5c: {  	[sflag:s0] =	ssyncadd.s32 @!p0 s1  }
0x5d: {  	[bflag:$0x3] =	sbarrier.arrive $0xFFFF  }
0x5e: {  	_ =	shalt  }

</sc_bundles>
